<compile_context>
chip_gen: v7x
topology: tpu7x:2x2x1
jax: 0.10.2.dev20260603
libtpu: 0.0.44.dev20260713+nightly
codegen_flags: <defaults>
</compile_context>

<pallas_src>
import functools

import jax
import jax.numpy as jnp
from jax.experimental import pallas as pl
from jax.experimental.pallas import tpu as pltpu


def _route_kernel(scale_ref, key_ref, q_ref, idx_ref, val_ref, *, n, e, c, nchunk):
    logits_t = jax.lax.dot_general(
        q_ref[...], key_ref[0],
        dimension_numbers=(((1,), (1,)), ((), ())),
        preferred_element_type=jnp.float32,
    )
    a_t = logits_t / scale_ref[...]
    m = jnp.max(a_t, axis=1, keepdims=True)
    u_t = jnp.exp(a_t - m)
    s = jnp.sum(u_t, axis=1, keepdims=True)
    aff_t = u_t / s
    aff = aff_t.T

    for ei in range(e):
        row = aff_t[ei:ei + 1, :]
        col = aff[:, ei:ei + 1]
        idx_acc = jnp.zeros((1, c), jnp.int32)
        val_acc = jnp.zeros((1, c), jnp.float32)
        for nc in range(n // nchunk):
            colc = jax.lax.slice(col, (nc * nchunk, 0), ((nc + 1) * nchunk, 1))
            iota_j = jax.lax.broadcasted_iota(jnp.int32, (nchunk, n), 1)
            iota_n = nc * nchunk + jax.lax.broadcasted_iota(jnp.int32, (nchunk, n), 0)
            gt = row > colc
            tie = (row == colc) & (iota_j < iota_n)
            rank = jnp.sum((gt | tie).astype(jnp.int32), axis=1, keepdims=True)
            hit = rank == jax.lax.broadcasted_iota(jnp.int32, (nchunk, c), 1)
            n_ids = nc * nchunk + jax.lax.broadcasted_iota(jnp.int32, (nchunk, c), 0)
            idx_acc = idx_acc + jnp.sum(jnp.where(hit, n_ids, 0), axis=0, keepdims=True)
            val_acc = val_acc + jnp.sum(jnp.where(hit, colc, 0.0), axis=0, keepdims=True)
        idx_ref[0, 0:1, pl.ds(ei * c, c)] = idx_acc
        val_ref[0, 0:1, pl.ds(ei * c, c)] = val_acc


def _emit_kernel(idx_ref, val_ref, disp_ref, comb_ref, *, nt, ec):
    base = pl.program_id(1) * nt
    idx = idx_ref[0]
    val = val_ref[0]
    row_n = base + jax.lax.broadcasted_iota(jnp.int32, (nt, ec), 0)
    hot = idx == row_n
    disp_ref[0] = hot.astype(jnp.float32)
    comb_ref[0] = jnp.where(hot, val, 0.0)


def kernel(key, query, softmax_temp):
    b, n, d = key.shape
    e = query.shape[0]
    c = int(max(n * 2.0 / e, 4))
    ec = e * c
    nchunk = 256
    nt = 256

    scale = jnp.exp(softmax_temp).reshape(1, 1)

    route = pl.pallas_call(
        functools.partial(_route_kernel, n=n, e=e, c=c, nchunk=nchunk),
        grid=(b,),
        in_specs=[
            pl.BlockSpec((1, 1), lambda i: (0, 0)),
            pl.BlockSpec((1, n, d), lambda i: (i, 0, 0)),
            pl.BlockSpec((e, d), lambda i: (0, 0)),
        ],
        out_specs=[
            pl.BlockSpec((1, 1, ec), lambda i: (i, 0, 0)),
            pl.BlockSpec((1, 1, ec), lambda i: (i, 0, 0)),
        ],
        out_shape=[
            jax.ShapeDtypeStruct((b, 1, ec), jnp.int32),
            jax.ShapeDtypeStruct((b, 1, ec), jnp.float32),
        ],
    )
    idx, val = route(scale, key, query)

    emit = pl.pallas_call(
        functools.partial(_emit_kernel, nt=nt, ec=ec),
        grid=(b, n // nt),
        in_specs=[
            pl.BlockSpec((1, 1, ec), lambda i, j: (i, 0, 0)),
            pl.BlockSpec((1, 1, ec), lambda i, j: (i, 0, 0)),
        ],
        out_specs=[
            pl.BlockSpec((1, nt, ec), lambda i, j: (i, j, 0)),
            pl.BlockSpec((1, nt, ec), lambda i, j: (i, j, 0)),
        ],
        out_shape=[
            jax.ShapeDtypeStruct((b, n, ec), jnp.float32),
            jax.ShapeDtypeStruct((b, n, ec), jnp.float32),
        ],
    )
    disp_flat, comb_flat = emit(idx, val)

    dispatch = disp_flat.reshape(b, n, e, c)
    combine = comb_flat.reshape(b, n, e, c)
    zero = jnp.zeros((1,), jnp.float32)
    return dispatch, combine, zero, zero

# --- scband reference (transcript-rebuilt; emitter-appended) ---
"""Pipeline reference for scband-expert-choice-gating-57475252355399 (READ-ONLY COPY).

The authoritative reference and input builder live on the scoring server;
editing this copy changes nothing except your own understanding.
"""

import jax, jax.numpy as jnp
import numpy as np


def setup_inputs() -> dict:
    root = jax.random.key(0)
    k1, k2 = jax.random.split(root)
    key = jax.random.normal(k1, (2, 2048, 1024), dtype=jnp.float32)
    query = jax.random.normal(k2, (8, 1024), dtype=jnp.float32)
    # learned parameter: softmax_temp = log(0.5) (scalar)
    softmax_temp = jnp.log(jnp.asarray(0.5, dtype=jnp.float32))
    return {"key": key, "query": query, "softmax_temp": softmax_temp}


def reference(key, query, softmax_temp):
    # key: [b, n, d]; query: [e, d]; eval mode (no noise), no sinkhorn
    b, n, d = key.shape
    e = query.shape[0]
    gate_logits = jnp.einsum('bnd,ed->bne', key, query)
    affinity_logits = jnp.transpose(gate_logits, (0, 2, 1))  # b e n
    affinity_logits = affinity_logits / jnp.exp(softmax_temp)
    # expert capacity: max(n * capacity_factor_eval / num_experts, MIN_EXPERT_CAPACITY)
    expert_capacity = int(max(n * 2.0 / e, 4))  # 512
    affinity_for_topk = jax.nn.softmax(affinity_logits, axis=-1)  # b e n
    _, topk_indices = jax.lax.top_k(affinity_for_topk, expert_capacity)  # b e c
    dispatch_mask = jax.nn.one_hot(topk_indices, n, dtype=key.dtype)  # b e c n
    dispatch_tensor = jnp.transpose(dispatch_mask, (0, 3, 1, 2))  # b n e c
    combine_tensor = jnp.einsum('bnec,ben->bnec', dispatch_tensor, affinity_for_topk)
    # straight-through dispatch tensor
    dispatch_tensor = dispatch_tensor + combine_tensor - jax.lax.stop_gradient(combine_tensor)
    balance_loss = jnp.zeros((1,), dtype=jnp.float32)
    router_z_loss = jnp.zeros((1,), dtype=jnp.float32)
    return (dispatch_tensor, combine_tensor, balance_loss, router_z_loss)

if __name__ == "__main__":
    import jax
    _d = setup_inputs()
    print(jax.jit(kernel)(*tuple(_d.values())))

</pallas_src>

<mosaic_0001>
module attributes {stable_mosaic.version = 14 : i64} {
  func.func @_emit_kernel(%arg0: i32, %arg1: i32, %arg2: memref<1x1x4096xi32, #tpu.memory_space<vmem>>, %arg3: memref<1x1x4096xf32, #tpu.memory_space<vmem>>, %arg4: memref<1x256x4096xf32, #tpu.memory_space<vmem>>, %arg5: memref<1x256x4096xf32, #tpu.memory_space<vmem>>) attributes {dimension_semantics = [#tpu.dimension_semantics<arbitrary>, #tpu.dimension_semantics<arbitrary>], iteration_bounds = array<i64: 2, 8>, scalar_prefetch = 0 : i64, scratch_operands = 0 : i64, tpu.core_type = #tpu.core_type<tc>, window_params = [{transform_indices = @transform_0, window_bounds = array<i64: 1, 1, 4096>}, {transform_indices = @transform_1, window_bounds = array<i64: 1, 1, 4096>}, {transform_indices = @transform_2, window_bounds = array<i64: 1, 256, 4096>}, {transform_indices = @transform_3, window_bounds = array<i64: 1, 256, 4096>}]} {
    %mul3A = arith.constant 256 : i32
    %mul3A_0 = arith.muli %arg1, %mul3A : i32
    %get3A = arith.constant 0 : index
    %get3A_1 = arith.constant 0 : index
    %get3A_2 = arith.constant 0 : index
    %get3A_3 = vector.load %arg2[%get3A, %get3A_1, %get3A_2] : memref<1x1x4096xi32, #tpu.memory_space<vmem>>, vector<1x1x4096xi32>
    %get3A_4 = vector.shape_cast %get3A_3 : vector<1x1x4096xi32> to vector<1x4096xi32>
    %get3A_5 = arith.constant 0 : index
    %get3A_6 = arith.constant 0 : index
    %get3A_7 = arith.constant 0 : index
    %get3A_8 = vector.load %arg3[%get3A_5, %get3A_6, %get3A_7] : memref<1x1x4096xf32, #tpu.memory_space<vmem>>, vector<1x1x4096xf32>
    %get3A_9 = vector.shape_cast %get3A_8 : vector<1x1x4096xf32> to vector<1x4096xf32>
    %iota3A = tpu.iota {dimensions = array<i32: 0>} : vector<256x4096xi32>
    %add3A = vector.broadcast %mul3A_0 : i32 to vector<256x4096xi32>
    %add3A_10 = arith.addi %add3A, %iota3A : vector<256x4096xi32>
    %eq3A = vector.broadcast %get3A_4 : vector<1x4096xi32> to vector<256x4096xi32>
    %eq3A_11 = arith.cmpi eq, %eq3A, %add3A_10 : vector<256x4096xi32>
    %convert_element_type3A = arith.extui %eq3A_11 : vector<256x4096xi1> to vector<256x4096xi32>
    %convert_element_type3A_12 = arith.sitofp %convert_element_type3A : vector<256x4096xi32> to vector<256x4096xf32>
    %swap3A = arith.constant 0 : index
    %swap3A_13 = arith.constant 0 : index
    %swap3A_14 = arith.constant 0 : index
    %swap3A_15 = vector.load %arg4[%swap3A, %swap3A_13, %swap3A_14] : memref<1x256x4096xf32, #tpu.memory_space<vmem>>, vector<1x256x4096xf32>
    %swap3A_16 = vector.shape_cast %swap3A_15 : vector<1x256x4096xf32> to vector<256x4096xf32>
    %swap3A_17 = vector.shape_cast %convert_element_type3A_12 : vector<256x4096xf32> to vector<1x256x4096xf32>
    tpu.vector_store %arg4[%swap3A, %swap3A_13, %swap3A_14], %swap3A_17 {strides = array<i32>} : memref<1x256x4096xf32, #tpu.memory_space<vmem>>, vector<1x256x4096xf32>,
    %jit3A = arith.constant 0.000000e+00 : f32
    %broadcast_in_dim3A = vector.shape_cast %get3A_9 : vector<1x4096xf32> to vector<1x4096xf32>
    %broadcast_in_dim3A_18 = vector.broadcast %broadcast_in_dim3A : vector<1x4096xf32> to vector<256x4096xf32>
    %broadcast_in_dim3A_19 = vector.broadcast %jit3A : f32 to vector<256x4096xf32>
    %select_n3A = arith.select %eq3A_11, %broadcast_in_dim3A_18, %broadcast_in_dim3A_19 : vector<256x4096xi1>, vector<256x4096xf32>
    %swap3A_20 = arith.constant 0 : index
    %swap3A_21 = arith.constant 0 : index
    %swap3A_22 = arith.constant 0 : index
    %swap3A_23 = vector.load %arg5[%swap3A_20, %swap3A_21, %swap3A_22] : memref<1x256x4096xf32, #tpu.memory_space<vmem>>, vector<1x256x4096xf32>
    %swap3A_24 = vector.shape_cast %swap3A_23 : vector<1x256x4096xf32> to vector<256x4096xf32>
    %swap3A_25 = vector.shape_cast %select_n3A : vector<256x4096xf32> to vector<1x256x4096xf32>
    tpu.vector_store %arg5[%swap3A_20, %swap3A_21, %swap3A_22], %swap3A_25 {strides = array<i32>} : memref<1x256x4096xf32, #tpu.memory_space<vmem>>, vector<1x256x4096xf32>,
    return
  }
  func.func @transform_0(%arg0: i32, %arg1: i32) -> (i32, i32, i32) {
    %c0_i32 = arith.constant 0 : i32
    %c0_i32_0 = arith.constant 0 : i32
    %c0_i32_1 = arith.constant 0 : i32
    return %arg0, %c0_i32, %c0_i32_0 : i32, i32, i32
  }
  func.func @transform_1(%arg0: i32, %arg1: i32) -> (i32, i32, i32) {
    %c0_i32 = arith.constant 0 : i32
    %c0_i32_0 = arith.constant 0 : i32
    %c0_i32_1 = arith.constant 0 : i32
    return %arg0, %c0_i32, %c0_i32_0 : i32, i32, i32
  }
  func.func @transform_2(%arg0: i32, %arg1: i32) -> (i32, i32, i32) {
    %c0_i32 = arith.constant 0 : i32
    %c0_i32_0 = arith.constant 0 : i32
    return %arg0, %arg1, %c0_i32 : i32, i32, i32
  }
  func.func @transform_3(%arg0: i32, %arg1: i32) -> (i32, i32, i32) {
    %c0_i32 = arith.constant 0 : i32
    %c0_i32_0 = arith.constant 0 : i32
    return %arg0, %arg1, %c0_i32 : i32, i32, i32
  }
}

module attributes {stable_mosaic.version = 14 : i64} {
  func.func @_route_kernel(%arg0: i32, %arg1: memref<1x1xf32, #tpu.memory_space<vmem>>, %arg2: memref<1x2048x1024xf32, #tpu.memory_space<vmem>>, %arg3: memref<8x1024xf32, #tpu.memory_space<vmem>>, %arg4: memref<1x1x4096xi32, #tpu.memory_space<vmem>>, %arg5: memref<1x1x4096xf32, #tpu.memory_space<vmem>>) attributes {dimension_semantics = [#tpu.dimension_semantics<arbitrary>], iteration_bounds = array<i64: 2>, scalar_prefetch = 0 : i64, scratch_operands = 0 : i64, tpu.core_type = #tpu.core_type<tc>, window_params = [{pipeline_mode = #tpu.pipeline_mode<synchronous>, transform_indices = @transform_0, window_bounds = array<i64: 1, 1>}, {transform_indices = @transform_1, window_bounds = array<i64: 1, 2048, 1024>}, {pipeline_mode = #tpu.pipeline_mode<synchronous>, transform_indices = @transform_2, window_bounds = array<i64: 8, 1024>}, {transform_indices = @transform_3, window_bounds = array<i64: 1, 1, 4096>}, {transform_indices = @transform_4, window_bounds = array<i64: 1, 1, 4096>}]} {
    %get3A = arith.constant 0 : index
    %get3A_0 = arith.constant 0 : index
    %get3A_1 = vector.load %arg3[%get3A, %get3A_0] : memref<8x1024xf32, #tpu.memory_space<vmem>>, vector<8x1024xf32>
    %get3A_2 = arith.constant 0 : index
    %get3A_3 = arith.constant 0 : index
    %get3A_4 = arith.constant 0 : index
    %get3A_5 = vector.load %arg2[%get3A_2, %get3A_3, %get3A_4] : memref<1x2048x1024xf32, #tpu.memory_space<vmem>>, vector<1x2048x1024xf32>
    %get3A_6 = vector.shape_cast %get3A_5 : vector<1x2048x1024xf32> to vector<2048x1024xf32>
    %dot_general3A = arith.constant dense<0.000000e+00> : vector<8x2048xf32>
    %dot_general3A_7 = tpu.matmul %get3A_1, %get3A_6, %dot_general3A {dimension_numbers = #tpu.dot_dimension_numbers<[1], [1], [0], [0], [0, 0, 1, 0], [], []>, transpose_lhs_hint = false} : vector<8x1024xf32>, vector<2048x1024xf32>, vector<8x2048xf32> -> vector<8x2048xf32>
    %get3A_8 = arith.constant 0 : index
    %get3A_9 = arith.constant 0 : index
    %get3A_10 = vector.load %arg1[%get3A_8, %get3A_9] : memref<1x1xf32, #tpu.memory_space<vmem>>, vector<1x1xf32>
    %div3A = vector.broadcast %get3A_10 : vector<1x1xf32> to vector<8x2048xf32>
    %div3A_11 = arith.divf %dot_general3A_7, %div3A : vector<8x2048xf32>
    %reduce_max3A = arith.constant dense<0xFF800000> : vector<8xf32>
    %reduce_max3A_12 = vector.multi_reduction <maximumf>, %div3A_11, %reduce_max3A [1] : vector<8x2048xf32> to vector<8xf32>
    %broadcast_in_dim3A = vector.shape_cast %reduce_max3A_12 : vector<8xf32> to vector<8x1xf32>
    %sub3A = vector.broadcast %broadcast_in_dim3A : vector<8x1xf32> to vector<8x2048xf32>
    %sub3A_13 = arith.subf %div3A_11, %sub3A : vector<8x2048xf32>
    %exp3A = math.exp %sub3A_13 : vector<8x2048xf32>
    %reduce_sum3A = arith.constant dense<0.000000e+00> : vector<8xf32>
    %reduce_sum3A_14 = vector.multi_reduction <add>, %exp3A, %reduce_sum3A [1] : vector<8x2048xf32> to vector<8xf32>
    %broadcast_in_dim3A_15 = vector.shape_cast %reduce_sum3A_14 : vector<8xf32> to vector<8x1xf32>
    %div3A_16 = vector.broadcast %broadcast_in_dim3A_15 : vector<8x1xf32> to vector<8x2048xf32>
    %div3A_17 = arith.divf %exp3A, %div3A_16 : vector<8x2048xf32>
    %transpose3A = tpu.transpose %div3A_17, [1, 0] : vector<8x2048xf32> -> vector<2048x8xf32>
    %slice3A = vector.extract_strided_slice %div3A_17 {offsets = [0, 0], sizes = [1, 2048], strides = [1, 1]} : vector<8x2048xf32> to vector<1x2048xf32>
    %slice3A_18 = vector.extract_strided_slice %transpose3A {offsets = [0, 0], sizes = [2048, 1], strides = [1, 1]} : vector<2048x8xf32> to vector<2048x1xf32>
    %broadcast_in_dim3A_19 = arith.constant 0 : i32
    %broadcast_in_dim3A_20 = vector.broadcast %broadcast_in_dim3A_19 : i32 to vector<1x512xi32>
    %broadcast_in_dim3A_21 = arith.constant 0.000000e+00 : f32
    %broadcast_in_dim3A_22 = vector.broadcast %broadcast_in_dim3A_21 : f32 to vector<1x512xf32>
    %slice3A_23 = vector.extract_strided_slice %slice3A_18 {offsets = [0, 0], sizes = [256, 1], strides = [1, 1]} : vector<2048x1xf32> to vector<256x1xf32>
    %iota3A = tpu.iota {dimensions = array<i32: 1>} : vector<256x2048xi32>
    %iota3A_24 = tpu.iota {dimensions = array<i32: 0>} : vector<256x2048xi32>
    %add3A = arith.constant 0 : i32
    %add3A_25 = vector.broadcast %add3A : i32 to vector<256x2048xi32>
    %add3A_26 = arith.addi %add3A_25, %iota3A_24 : vector<256x2048xi32>
    %gt3A = vector.broadcast %slice3A : vector<1x2048xf32> to vector<256x2048xf32>
    %gt3A_27 = vector.broadcast %slice3A_23 : vector<256x1xf32> to vector<256x2048xf32>
    %gt3A_28 = arith.cmpf ogt, %gt3A, %gt3A_27 : vector<256x2048xf32>
    %eq3A = vector.broadcast %slice3A : vector<1x2048xf32> to vector<256x2048xf32>
    %eq3A_29 = vector.broadcast %slice3A_23 : vector<256x1xf32> to vector<256x2048xf32>
    %eq3A_30 = arith.cmpf oeq, %eq3A, %eq3A_29 : vector<256x2048xf32>
    %lt3A = arith.cmpi slt, %iota3A, %add3A_26 : vector<256x2048xi32>
    %and3A = arith.andi %eq3A_30, %lt3A : vector<256x2048xi1>
    %or3A = arith.ori %gt3A_28, %and3A : vector<256x2048xi1>
    %convert_element_type3A = arith.extui %or3A : vector<256x2048xi1> to vector<256x2048xi32>
    %reduce_sum3A_31 = arith.constant dense<0> : vector<256xi32>
    %reduce_sum3A_32 = vector.multi_reduction <add>, %convert_element_type3A, %reduce_sum3A_31 [1] : vector<256x2048xi32> to vector<256xi32>
    %broadcast_in_dim3A_33 = vector.shape_cast %reduce_sum3A_32 : vector<256xi32> to vector<256x1xi32>
    %iota3A_34 = tpu.iota {dimensions = array<i32: 1>} : vector<256x512xi32>
    %eq3A_35 = vector.broadcast %broadcast_in_dim3A_33 : vector<256x1xi32> to vector<256x512xi32>
    %eq3A_36 = arith.cmpi eq, %eq3A_35, %iota3A_34 : vector<256x512xi32>
    %iota3A_37 = tpu.iota {dimensions = array<i32: 0>} : vector<256x512xi32>
    %add3A_38 = arith.constant 0 : i32
    %add3A_39 = vector.broadcast %add3A_38 : i32 to vector<256x512xi32>
    %add3A_40 = arith.addi %add3A_39, %iota3A_37 : vector<256x512xi32>
    %jit3A = arith.constant 0 : i32
    %broadcast_in_dim3A_41 = vector.broadcast %jit3A : i32 to vector<256x512xi32>
    %select_n3A = arith.select %eq3A_36, %add3A_40, %broadcast_in_dim3A_41 : vector<256x512xi1>, vector<256x512xi32>
    %reduce_sum3A_42 = arith.constant dense<0> : vector<512xi32>
    %reduce_sum3A_43 = vector.multi_reduction <add>, %select_n3A, %reduce_sum3A_42 [0] : vector<256x512xi32> to vector<512xi32>
    %broadcast_in_dim3A_44 = vector.shape_cast %reduce_sum3A_43 : vector<512xi32> to vector<1x512xi32>
    %add3A_45 = arith.addi %broadcast_in_dim3A_20, %broadcast_in_dim3A_44 : vector<1x512xi32>
    %jit3A_46 = arith.constant 0.000000e+00 : f32
    %broadcast_in_dim3A_47 = vector.shape_cast %slice3A_23 : vector<256x1xf32> to vector<256x1xf32>
    %broadcast_in_dim3A_48 = vector.broadcast %broadcast_in_dim3A_47 : vector<256x1xf32> to vector<256x512xf32>
    %broadcast_in_dim3A_49 = vector.broadcast %jit3A_46 : f32 to vector<256x512xf32>
    %select_n3A_50 = arith.select %eq3A_36, %broadcast_in_dim3A_48, %broadcast_in_dim3A_49 : vector<256x512xi1>, vector<256x512xf32>
    %reduce_sum3A_51 = arith.constant dense<0.000000e+00> : vector<512xf32>
    %reduce_sum3A_52 = vector.multi_reduction <add>, %select_n3A_50, %reduce_sum3A_51 [0] : vector<256x512xf32> to vector<512xf32>
    %broadcast_in_dim3A_53 = vector.shape_cast %reduce_sum3A_52 : vector<512xf32> to vector<1x512xf32>
    %add3A_54 = arith.addf %broadcast_in_dim3A_22, %broadcast_in_dim3A_53 : vector<1x512xf32>
    %slice3A_55 = vector.extract_strided_slice %slice3A_18 {offsets = [256, 0], sizes = [256, 1], strides = [1, 1]} : vector<2048x1xf32> to vector<256x1xf32>
    %iota3A_56 = tpu.iota {dimensions = array<i32: 1>} : vector<256x2048xi32>
    %iota3A_57 = tpu.iota {dimensions = array<i32: 0>} : vector<256x2048xi32>
    %add3A_58 = arith.constant 256 : i32
    %add3A_59 = vector.broadcast %add3A_58 : i32 to vector<256x2048xi32>
    %add3A_60 = arith.addi %add3A_59, %iota3A_57 : vector<256x2048xi32>
    %gt3A_61 = vector.broadcast %slice3A : vector<1x2048xf32> to vector<256x2048xf32>
    %gt3A_62 = vector.broadcast %slice3A_55 : vector<256x1xf32> to vector<256x2048xf32>
    %gt3A_63 = arith.cmpf ogt, %gt3A_61, %gt3A_62 : vector<256x2048xf32>
    %eq3A_64 = vector.broadcast %slice3A : vector<1x2048xf32> to vector<256x2048xf32>
    %eq3A_65 = vector.broadcast %slice3A_55 : vector<256x1xf32> to vector<256x2048xf32>
    %eq3A_66 = arith.cmpf oeq, %eq3A_64, %eq3A_65 : vector<256x2048xf32>
    %lt3A_67 = arith.cmpi slt, %iota3A_56, %add3A_60 : vector<256x2048xi32>
    %and3A_68 = arith.andi %eq3A_66, %lt3A_67 : vector<256x2048xi1>
    %or3A_69 = arith.ori %gt3A_63, %and3A_68 : vector<256x2048xi1>
    %convert_element_type3A_70 = arith.extui %or3A_69 : vector<256x2048xi1> to vector<256x2048xi32>
    %reduce_sum3A_71 = arith.constant dense<0> : vector<256xi32>
    %reduce_sum3A_72 = vector.multi_reduction <add>, %convert_element_type3A_70, %reduce_sum3A_71 [1] : vector<256x2048xi32> to vector<256xi32>
    %broadcast_in_dim3A_73 = vector.shape_cast %reduce_sum3A_72 : vector<256xi32> to vector<256x1xi32>
    %iota3A_74 = tpu.iota {dimensions = array<i32: 1>} : vector<256x512xi32>
    %eq3A_75 = vector.broadcast %broadcast_in_dim3A_73 : vector<256x1xi32> to vector<256x512xi32>
    %eq3A_76 = arith.cmpi eq, %eq3A_75, %iota3A_74 : vector<256x512xi32>
    %iota3A_77 = tpu.iota {dimensions = array<i32: 0>} : vector<256x512xi32>
    %add3A_78 = arith.constant 256 : i32
    %add3A_79 = vector.broadcast %add3A_78 : i32 to vector<256x512xi32>
    %add3A_80 = arith.addi %add3A_79, %iota3A_77 : vector<256x512xi32>
    %jit3A_81 = arith.constant 0 : i32
    %broadcast_in_dim3A_82 = vector.broadcast %jit3A_81 : i32 to vector<256x512xi32>
    %select_n3A_83 = arith.select %eq3A_76, %add3A_80, %broadcast_in_dim3A_82 : vector<256x512xi1>, vector<256x512xi32>
    %reduce_sum3A_84 = arith.constant dense<0> : vector<512xi32>
    %reduce_sum3A_85 = vector.multi_reduction <add>, %select_n3A_83, %reduce_sum3A_84 [0] : vector<256x512xi32> to vector<512xi32>
    %broadcast_in_dim3A_86 = vector.shape_cast %reduce_sum3A_85 : vector<512xi32> to vector<1x512xi32>
    %add3A_87 = arith.addi %add3A_45, %broadcast_in_dim3A_86 : vector<1x512xi32>
    %jit3A_88 = arith.constant 0.000000e+00 : f32
    %broadcast_in_dim3A_89 = vector.shape_cast %slice3A_55 : vector<256x1xf32> to vector<256x1xf32>
    %broadcast_in_dim3A_90 = vector.broadcast %broadcast_in_dim3A_89 : vector<256x1xf32> to vector<256x512xf32>
    %broadcast_in_dim3A_91 = vector.broadcast %jit3A_88 : f32 to vector<256x512xf32>
    %select_n3A_92 = arith.select %eq3A_76, %broadcast_in_dim3A_90, %broadcast_in_dim3A_91 : vector<256x512xi1>, vector<256x512xf32>
    %reduce_sum3A_93 = arith.constant dense<0.000000e+00> : vector<512xf32>
    %reduce_sum3A_94 = vector.multi_reduction <add>, %select_n3A_92, %reduce_sum3A_93 [0] : vector<256x512xf32> to vector<512xf32>
    %broadcast_in_dim3A_95 = vector.shape_cast %reduce_sum3A_94 : vector<512xf32> to vector<1x512xf32>
    %add3A_96 = arith.addf %add3A_54, %broadcast_in_dim3A_95 : vector<1x512xf32>
    %slice3A_97 = vector.extract_strided_slice %slice3A_18 {offsets = [512, 0], sizes = [256, 1], strides = [1, 1]} : vector<2048x1xf32> to vector<256x1xf32>
    %iota3A_98 = tpu.iota {dimensions = array<i32: 1>} : vector<256x2048xi32>
    %iota3A_99 = tpu.iota {dimensions = array<i32: 0>} : vector<256x2048xi32>
    %add3A_100 = arith.constant 512 : i32
    %add3A_101 = vector.broadcast %add3A_100 : i32 to vector<256x2048xi32>
    %add3A_102 = arith.addi %add3A_101, %iota3A_99 : vector<256x2048xi32>
    %gt3A_103 = vector.broadcast %slice3A : vector<1x2048xf32> to vector<256x2048xf32>
    %gt3A_104 = vector.broadcast %slice3A_97 : vector<256x1xf32> to vector<256x2048xf32>
    %gt3A_105 = arith.cmpf ogt, %gt3A_103, %gt3A_104 : vector<256x2048xf32>
    %eq3A_106 = vector.broadcast %slice3A : vector<1x2048xf32> to vector<256x2048xf32>
    %eq3A_107 = vector.broadcast %slice3A_97 : vector<256x1xf32> to vector<256x2048xf32>
    %eq3A_108 = arith.cmpf oeq, %eq3A_106, %eq3A_107 : vector<256x2048xf32>
    %lt3A_109 = arith.cmpi slt, %iota3A_98, %add3A_102 : vector<256x2048xi32>
    %and3A_110 = arith.andi %eq3A_108, %lt3A_109 : vector<256x2048xi1>
    %or3A_111 = arith.ori %gt3A_105, %and3A_110 : vector<256x2048xi1>
    %convert_element_type3A_112 = arith.extui %or3A_111 : vector<256x2048xi1> to vector<256x2048xi32>
    %reduce_sum3A_113 = arith.constant dense<0> : vector<256xi32>
    %reduce_sum3A_114 = vector.multi_reduction <add>, %convert_element_type3A_112, %reduce_sum3A_113 [1] : vector<256x2048xi32> to vector<256xi32>
    %broadcast_in_dim3A_115 = vector.shape_cast %reduce_sum3A_114 : vector<256xi32> to vector<256x1xi32>
    %iota3A_116 = tpu.iota {dimensions = array<i32: 1>} : vector<256x512xi32>
    %eq3A_117 = vector.broadcast %broadcast_in_dim3A_115 : vector<256x1xi32> to vector<256x512xi32>
    %eq3A_118 = arith.cmpi eq, %eq3A_117, %iota3A_116 : vector<256x512xi32>
    %iota3A_119 = tpu.iota {dimensions = array<i32: 0>} : vector<256x512xi32>
    %add3A_120 = arith.constant 512 : i32
    %add3A_121 = vector.broadcast %add3A_120 : i32 to vector<256x512xi32>
    %add3A_122 = arith.addi %add3A_121, %iota3A_119 : vector<256x512xi32>
    %jit3A_123 = arith.constant 0 : i32
    %broadcast_in_dim3A_124 = vector.broadcast %jit3A_123 : i32 to vector<256x512xi32>
    %select_n3A_125 = arith.select %eq3A_118, %add3A_122, %broadcast_in_dim3A_124 : vector<256x512xi1>, vector<256x512xi32>
    %reduce_sum3A_126 = arith.constant dense<0> : vector<512xi32>
    %reduce_sum3A_127 = vector.multi_reduction <add>, %select_n3A_125, %reduce_sum3A_126 [0] : vector<256x512xi32> to vector<512xi32>
    %broadcast_in_dim3A_128 = vector.shape_cast %reduce_sum3A_127 : vector<512xi32> to vector<1x512xi32>
    %add3A_129 = arith.addi %add3A_87, %broadcast_in_dim3A_128 : vector<1x512xi32>
    %jit3A_130 = arith.constant 0.000000e+00 : f32
    %broadcast_in_dim3A_131 = vector.shape_cast %slice3A_97 : vector<256x1xf32> to vector<256x1xf32>
    %broadcast_in_dim3A_132 = vector.broadcast %broadcast_in_dim3A_131 : vector<256x1xf32> to vector<256x512xf32>
    %broadcast_in_dim3A_133 = vector.broadcast %jit3A_130 : f32 to vector<256x512xf32>
    %select_n3A_134 = arith.select %eq3A_118, %broadcast_in_dim3A_132, %broadcast_in_dim3A_133 : vector<256x512xi1>, vector<256x512xf32>
    %reduce_sum3A_135 = arith.constant dense<0.000000e+00> : vector<512xf32>
    %reduce_sum3A_136 = vector.multi_reduction <add>, %select_n3A_134, %reduce_sum3A_135 [0] : vector<256x512xf32> to vector<512xf32>
    %broadcast_in_dim3A_137 = vector.shape_cast %reduce_sum3A_136 : vector<512xf32> to vector<1x512xf32>
    %add3A_138 = arith.addf %add3A_96, %broadcast_in_dim3A_137 : vector<1x512xf32>
    %slice3A_139 = vector.extract_strided_slice %slice3A_18 {offsets = [768, 0], sizes = [256, 1], strides = [1, 1]} : vector<2048x1xf32> to vector<256x1xf32>
    %iota3A_140 = tpu.iota {dimensions = array<i32: 1>} : vector<256x2048xi32>
    %iota3A_141 = tpu.iota {dimensions = array<i32: 0>} : vector<256x2048xi32>
    %add3A_142 = arith.constant 768 : i32
    %add3A_143 = vector.broadcast %add3A_142 : i32 to vector<256x2048xi32>
    %add3A_144 = arith.addi %add3A_143, %iota3A_141 : vector<256x2048xi32>
    %gt3A_145 = vector.broadcast %slice3A : vector<1x2048xf32> to vector<256x2048xf32>
    %gt3A_146 = vector.broadcast %slice3A_139 : vector<256x1xf32> to vector<256x2048xf32>
    %gt3A_147 = arith.cmpf ogt, %gt3A_145, %gt3A_146 : vector<256x2048xf32>
    %eq3A_148 = vector.broadcast %slice3A : vector<1x2048xf32> to vector<256x2048xf32>
    %eq3A_149 = vector.broadcast %slice3A_139 : vector<256x1xf32> to vector<256x2048xf32>
    %eq3A_150 = arith.cmpf oeq, %eq3A_148, %eq3A_149 : vector<256x2048xf32>
    %lt3A_151 = arith.cmpi slt, %iota3A_140, %add3A_144 : vector<256x2048xi32>
    %and3A_152 = arith.andi %eq3A_150, %lt3A_151 : vector<256x2048xi1>
    %or3A_153 = arith.ori %gt3A_147, %and3A_152 : vector<256x2048xi1>
    %convert_element_type3A_154 = arith.extui %or3A_153 : vector<256x2048xi1> to vector<256x2048xi32>
    %reduce_sum3A_155 = arith.constant dense<0> : vector<256xi32>
    %reduce_sum3A_156 = vector.multi_reduction <add>, %convert_element_type3A_154, %reduce_sum3A_155 [1] : vector<256x2048xi32> to vector<256xi32>
    %broadcast_in_dim3A_157 = vector.shape_cast %reduce_sum3A_156 : vector<256xi32> to vector<256x1xi32>
    %iota3A_158 = tpu.iota {dimensions = array<i32: 1>} : vector<256x512xi32>
    %eq3A_159 = vector.broadcast %broadcast_in_dim3A_157 : vector<256x1xi32> to vector<256x512xi32>
    %eq3A_160 = arith.cmpi eq, %eq3A_159, %iota3A_158 : vector<256x512xi32>
    %iota3A_161 = tpu.iota {dimensions = array<i32: 0>} : vector<256x512xi32>
    %add3A_162 = arith.constant 768 : i32
    %add3A_163 = vector.broadcast %add3A_162 : i32 to vector<256x512xi32>
    %add3A_164 = arith.addi %add3A_163, %iota3A_161 : vector<256x512xi32>
    %jit3A_165 = arith.constant 0 : i32
    %broadcast_in_dim3A_166 = vector.broadcast %jit3A_165 : i32 to vector<256x512xi32>
    %select_n3A_167 = arith.select %eq3A_160, %add3A_164, %broadcast_in_dim3A_166 : vector<256x512xi1>, vector<256x512xi32>
    %reduce_sum3A_168 = arith.constant dense<0> : vector<512xi32>
    %reduce_sum3A_169 = vector.multi_reduction <add>, %select_n3A_167, %reduce_sum3A_168 [0] : vector<256x512xi32> to vector<512xi32>
    %broadcast_in_dim3A_170 = vector.shape_cast %reduce_sum3A_169 : vector<512xi32> to vector<1x512xi32>
    %add3A_171 = arith.addi %add3A_129, %broadcast_in_dim3A_170 : vector<1x512xi32>
    %jit3A_172 = arith.constant 0.000000e+00 : f32
    %broadcast_in_dim3A_173 = vector.shape_cast %slice3A_139 : vector<256x1xf32> to vector<256x1xf32>
    %broadcast_in_dim3A_174 = vector.broadcast %broadcast_in_dim3A_173 : vector<256x1xf32> to vector<256x512xf32>
    %broadcast_in_dim3A_175 = vector.broadcast %jit3A_172 : f32 to vector<256x512xf32>
    %select_n3A_176 = arith.select %eq3A_160, %broadcast_in_dim3A_174, %broadcast_in_dim3A_175 : vector<256x512xi1>, vector<256x512xf32>
    %reduce_sum3A_177 = arith.constant dense<0.000000e+00> : vector<512xf32>
    %reduce_sum3A_178 = vector.multi_reduction <add>, %select_n3A_176, %reduce_sum3A_177 [0] : vector<256x512xf32> to vector<512xf32>
    %broadcast_in_dim3A_179 = vector.shape_cast %reduce_sum3A_178 : vector<512xf32> to vector<1x512xf32>
    %add3A_180 = arith.addf %add3A_138, %broadcast_in_dim3A_179 : vector<1x512xf32>
    %slice3A_181 = vector.extract_strided_slice %slice3A_18 {offsets = [1024, 0], sizes = [256, 1], strides = [1, 1]} : vector<2048x1xf32> to vector<256x1xf32>
    %iota3A_182 = tpu.iota {dimensions = array<i32: 1>} : vector<256x2048xi32>
    %iota3A_183 = tpu.iota {dimensions = array<i32: 0>} : vector<256x2048xi32>
    %add3A_184 = arith.constant 1024 : i32
    %add3A_185 = vector.broadcast %add3A_184 : i32 to vector<256x2048xi32>
    %add3A_186 = arith.addi %add3A_185, %iota3A_183 : vector<256x2048xi32>
    %gt3A_187 = vector.broadcast %slice3A : vector<1x2048xf32> to vector<256x2048xf32>
    %gt3A_188 = vector.broadcast %slice3A_181 : vector<256x1xf32> to vector<256x2048xf32>
    %gt3A_189 = arith.cmpf ogt, %gt3A_187, %gt3A_188 : vector<256x2048xf32>
    %eq3A_190 = vector.broadcast %slice3A : vector<1x2048xf32> to vector<256x2048xf32>
    %eq3A_191 = vector.broadcast %slice3A_181 : vector<256x1xf32> to vector<256x2048xf32>
    %eq3A_192 = arith.cmpf oeq, %eq3A_190, %eq3A_191 : vector<256x2048xf32>
    %lt3A_193 = arith.cmpi slt, %iota3A_182, %add3A_186 : vector<256x2048xi32>
    %and3A_194 = arith.andi %eq3A_192, %lt3A_193 : vector<256x2048xi1>
    %or3A_195 = arith.ori %gt3A_189, %and3A_194 : vector<256x2048xi1>
    %convert_element_type3A_196 = arith.extui %or3A_195 : vector<256x2048xi1> to vector<256x2048xi32>
    %reduce_sum3A_197 = arith.constant dense<0> : vector<256xi32>
    %reduce_sum3A_198 = vector.multi_reduction <add>, %convert_element_type3A_196, %reduce_sum3A_197 [1] : vector<256x2048xi32> to vector<256xi32>
    %broadcast_in_dim3A_199 = vector.shape_cast %reduce_sum3A_198 : vector<256xi32> to vector<256x1xi32>
    %iota3A_200 = tpu.iota {dimensions = array<i32: 1>} : vector<256x512xi32>
    %eq3A_201 = vector.broadcast %broadcast_in_dim3A_199 : vector<256x1xi32> to vector<256x512xi32>
    %eq3A_202 = arith.cmpi eq, %eq3A_201, %iota3A_200 : vector<256x512xi32>
    %iota3A_203 = tpu.iota {dimensions = array<i32: 0>} : vector<256x512xi32>
    %add3A_204 = arith.constant 1024 : i32
    %add3A_205 = vector.broadcast %add3A_204 : i32 to vector<256x512xi32>
    %add3A_206 = arith.addi %add3A_205, %iota3A_203 : vector<256x512xi32>
    %jit3A_207 = arith.constant 0 : i32
    %broadcast_in_dim3A_208 = vector.broadcast %jit3A_207 : i32 to vector<256x512xi32>
    %select_n3A_209 = arith.select %eq3A_202, %add3A_206, %broadcast_in_dim3A_208 : vector<256x512xi1>, vector<256x512xi32>
    %reduce_sum3A_210 = arith.constant dense<0> : vector<512xi32>
    %reduce_sum3A_211 = vector.multi_reduction <add>, %select_n3A_209, %reduce_sum3A_210 [0] : vector<256x512xi32> to vector<512xi32>
    %broadcast_in_dim3A_212 = vector.shape_cast %reduce_sum3A_211 : vector<512xi32> to vector<1x512xi32>
    %add3A_213 = arith.addi %add3A_171, %broadcast_in_dim3A_212 : vector<1x512xi32>
    %jit3A_214 = arith.constant 0.000000e+00 : f32
    %broadcast_in_dim3A_215 = vector.shape_cast %slice3A_181 : vector<256x1xf32> to vector<256x1xf32>
    %broadcast_in_dim3A_216 = vector.broadcast %broadcast_in_dim3A_215 : vector<256x1xf32> to vector<256x512xf32>
    %broadcast_in_dim3A_217 = vector.broadcast %jit3A_214 : f32 to vector<256x512xf32>
    %select_n3A_218 = arith.select %eq3A_202, %broadcast_in_dim3A_216, %broadcast_in_dim3A_217 : vector<256x512xi1>, vector<256x512xf32>
    %reduce_sum3A_219 = arith.constant dense<0.000000e+00> : vector<512xf32>
    %reduce_sum3A_220 = vector.multi_reduction <add>, %select_n3A_218, %reduce_sum3A_219 [0] : vector<256x512xf32> to vector<512xf32>
    %broadcast_in_dim3A_221 = vector.shape_cast %reduce_sum3A_220 : vector<512xf32> to vector<1x512xf32>
    %add3A_222 = arith.addf %add3A_180, %broadcast_in_dim3A_221 : vector<1x512xf32>
    %slice3A_223 = vector.extract_strided_slice %slice3A_18 {offsets = [1280, 0], sizes = [256, 1], strides = [1, 1]} : vector<2048x1xf32> to vector<256x1xf32>
    %iota3A_224 = tpu.iota {dimensions = array<i32: 1>} : vector<256x2048xi32>
    %iota3A_225 = tpu.iota {dimensions = array<i32: 0>} : vector<256x2048xi32>
    %add3A_226 = arith.constant 1280 : i32
    %add3A_227 = vector.broadcast %add3A_226 : i32 to vector<256x2048xi32>
    %add3A_228 = arith.addi %add3A_227, %iota3A_225 : vector<256x2048xi32>
    %gt3A_229 = vector.broadcast %slice3A : vector<1x2048xf32> to vector<256x2048xf32>
    %gt3A_230 = vector.broadcast %slice3A_223 : vector<256x1xf32> to vector<256x2048xf32>
    %gt3A_231 = arith.cmpf ogt, %gt3A_229, %gt3A_230 : vector<256x2048xf32>
    %eq3A_232 = vector.broadcast %slice3A : vector<1x2048xf32> to vector<256x2048xf32>
    %eq3A_233 = vector.broadcast %slice3A_223 : vector<256x1xf32> to vector<256x2048xf32>
    %eq3A_234 = arith.cmpf oeq, %eq3A_232, %eq3A_233 : vector<256x2048xf32>
    %lt3A_235 = arith.cmpi slt, %iota3A_224, %add3A_228 : vector<256x2048xi32>
    %and3A_236 = arith.andi %eq3A_234, %lt3A_235 : vector<256x2048xi1>
    %or3A_237 = arith.ori %gt3A_231, %and3A_236 : vector<256x2048xi1>
    %convert_element_type3A_238 = arith.extui %or3A_237 : vector<256x2048xi1> to vector<256x2048xi32>
    %reduce_sum3A_239 = arith.constant dense<0> : vector<256xi32>
    %reduce_sum3A_240 = vector.multi_reduction <add>, %convert_element_type3A_238, %reduce_sum3A_239 [1] : vector<256x2048xi32> to vector<256xi32>
    %broadcast_in_dim3A_241 = vector.shape_cast %reduce_sum3A_240 : vector<256xi32> to vector<256x1xi32>
    %iota3A_242 = tpu.iota {dimensions = array<i32: 1>} : vector<256x512xi32>
    %eq3A_243 = vector.broadcast %broadcast_in_dim3A_241 : vector<256x1xi32> to vector<256x512xi32>
    %eq3A_244 = arith.cmpi eq, %eq3A_243, %iota3A_242 : vector<256x512xi32>
    %iota3A_245 = tpu.iota {dimensions = array<i32: 0>} : vector<256x512xi32>
    %add3A_246 = arith.constant 1280 : i32
    %add3A_247 = vector.broadcast %add3A_246 : i32 to vector<256x512xi32>
    %add3A_248 = arith.addi %add3A_247, %iota3A_245 : vector<256x512xi32>
    %jit3A_249 = arith.constant 0 : i32
    %broadcast_in_dim3A_250 = vector.broadcast %jit3A_249 : i32 to vector<256x512xi32>
    %select_n3A_251 = arith.select %eq3A_244, %add3A_248, %broadcast_in_dim3A_250 : vector<256x512xi1>, vector<256x512xi32>
    %reduce_sum3A_252 = arith.constant dense<0> : vector<512xi32>
    %reduce_sum3A_253 = vector.multi_reduction <add>, %select_n3A_251, %reduce_sum3A_252 [0] : vector<256x512xi32> to vector<512xi32>
    %broadcast_in_dim3A_254 = vector.shape_cast %reduce_sum3A_253 : vector<512xi32> to vector<1x512xi32>
    %add3A_255 = arith.addi %add3A_213, %broadcast_in_dim3A_254 : vector<1x512xi32>
    %jit3A_256 = arith.constant 0.000000e+00 : f32
    %broadcast_in_dim3A_257 = vector.shape_cast %slice3A_223 : vector<256x1xf32> to vector<256x1xf32>
    %broadcast_in_dim3A_258 = vector.broadcast %broadcast_in_dim3A_257 : vector<256x1xf32> to vector<256x512xf32>
    %broadcast_in_dim3A_259 = vector.broadcast %jit3A_256 : f32 to vector<256x512xf32>
    %select_n3A_260 = arith.select %eq3A_244, %broadcast_in_dim3A_258, %broadcast_in_dim3A_259 : vector<256x512xi1>, vector<256x512xf32>
    %reduce_sum3A_261 = arith.constant dense<0.000000e+00> : vector<512xf32>
    %reduce_sum3A_262 = vector.multi_reduction <add>, %select_n3A_260, %reduce_sum3A_261 [0] : vector<256x512xf32> to vector<512xf32>
    %broadcast_in_dim3A_263 = vector.shape_cast %reduce_sum3A_262 : vector<512xf32> to vector<1x512xf32>
    %add3A_264 = arith.addf %add3A_222, %broadcast_in_dim3A_263 : vector<1x512xf32>
    %slice3A_265 = vector.extract_strided_slice %slice3A_18 {offsets = [1536, 0], sizes = [256, 1], strides = [1, 1]} : vector<2048x1xf32> to vector<256x1xf32>
    %iota3A_266 = tpu.iota {dimensions = array<i32: 1>} : vector<256x2048xi32>
    %iota3A_267 = tpu.iota {dimensions = array<i32: 0>} : vector<256x2048xi32>
    %add3A_268 = arith.constant 1536 : i32
    %add3A_269 = vector.broadcast %add3A_268 : i32 to vector<256x2048xi32>
    %add3A_270 = arith.addi %add3A_269, %iota3A_267 : vector<256x2048xi32>
    %gt3A_271 = vector.broadcast %slice3A : vector<1x2048xf32> to vector<256x2048xf32>
    %gt3A_272 = vector.broadcast %slice3A_265 : vector<256x1xf32> to vector<256x2048xf32>
    %gt3A_273 = arith.cmpf ogt, %gt3A_271, %gt3A_272 : vector<256x2048xf32>
    %eq3A_274 = vector.broadcast %slice3A : vector<1x2048xf32> to vector<256x2048xf32>
    %eq3A_275 = vector.broadcast %slice3A_265 : vector<256x1xf32> to vector<256x2048xf32>
    %eq3A_276 = arith.cmpf oeq, %eq3A_274, %eq3A_275 : vector<256x2048xf32>
    %lt3A_277 = arith.cmpi slt, %iota3A_266, %add3A_270 : vector<256x2048xi32>
    %and3A_278 = arith.andi %eq3A_276, %lt3A_277 : vector<256x2048xi1>
    %or3A_279 = arith.ori %gt3A_273, %and3A_278 : vector<256x2048xi1>
    %convert_element_type3A_280 = arith.extui %or3A_279 : vector<256x2048xi1> to vector<256x2048xi32>
    %reduce_sum3A_281 = arith.constant dense<0> : vector<256xi32>
    %reduce_sum3A_282 = vector.multi_reduction <add>, %convert_element_type3A_280, %reduce_sum3A_281 [1] : vector<256x2048xi32> to vector<256xi32>
    %broadcast_in_dim3A_283 = vector.shape_cast %reduce_sum3A_282 : vector<256xi32> to vector<256x1xi32>
    %iota3A_284 = tpu.iota {dimensions = array<i32: 1>} : vector<256x512xi32>
    %eq3A_285 = vector.broadcast %broadcast_in_dim3A_283 : vector<256x1xi32> to vector<256x512xi32>
    %eq3A_286 = arith.cmpi eq, %eq3A_285, %iota3A_284 : vector<256x512xi32>
    %iota3A_287 = tpu.iota {dimensions = array<i32: 0>} : vector<256x512xi32>
    %add3A_288 = arith.constant 1536 : i32
    %add3A_289 = vector.broadcast %add3A_288 : i32 to vector<256x512xi32>
    %add3A_290 = arith.addi %add3A_289, %iota3A_287 : vector<256x512xi32>
    %jit3A_291 = arith.constant 0 : i32
    %broadcast_in_dim3A_292 = vector.broadcast %jit3A_291 : i32 to vector<256x512xi32>
    %select_n3A_293 = arith.select %eq3A_286, %add3A_290, %broadcast_in_dim3A_292 : vector<256x512xi1>, vector<256x512xi32>
    %reduce_sum3A_294 = arith.constant dense<0> : vector<512xi32>
    %reduce_sum3A_295 = vector.multi_reduction <add>, %select_n3A_293, %reduce_sum3A_294 [0] : vector<256x512xi32> to vector<512xi32>
    %broadcast_in_dim3A_296 = vector.shape_cast %reduce_sum3A_295 : vector<512xi32> to vector<1x512xi32>
    %add3A_297 = arith.addi %add3A_255, %broadcast_in_dim3A_296 : vector<1x512xi32>
    %jit3A_298 = arith.constant 0.000000e+00 : f32
    %broadcast_in_dim3A_299 = vector.shape_cast %slice3A_265 : vector<256x1xf32> to vector<256x1xf32>
    %broadcast_in_dim3A_300 = vector.broadcast %broadcast_in_dim3A_299 : vector<256x1xf32> to vector<256x512xf32>
    %broadcast_in_dim3A_301 = vector.broadcast %jit3A_298 : f32 to vector<256x512xf32>
    %select_n3A_302 = arith.select %eq3A_286, %broadcast_in_dim3A_300, %broadcast_in_dim3A_301 : vector<256x512xi1>, vector<256x512xf32>
    %reduce_sum3A_303 = arith.constant dense<0.000000e+00> : vector<512xf32>
    %reduce_sum3A_304 = vector.multi_reduction <add>, %select_n3A_302, %reduce_sum3A_303 [0] : vector<256x512xf32> to vector<512xf32>
    %broadcast_in_dim3A_305 = vector.shape_cast %reduce_sum3A_304 : vector<512xf32> to vector<1x512xf32>
    %add3A_306 = arith.addf %add3A_264, %broadcast_in_dim3A_305 : vector<1x512xf32>
    %slice3A_307 = vector.extract_strided_slice %slice3A_18 {offsets = [1792, 0], sizes = [256, 1], strides = [1, 1]} : vector<2048x1xf32> to vector<256x1xf32>
    %iota3A_308 = tpu.iota {dimensions = array<i32: 1>} : vector<256x2048xi32>
    %iota3A_309 = tpu.iota {dimensions = array<i32: 0>} : vector<256x2048xi32>
    %add3A_310 = arith.constant 1792 : i32
    %add3A_311 = vector.broadcast %add3A_310 : i32 to vector<256x2048xi32>
    %add3A_312 = arith.addi %add3A_311, %iota3A_309 : vector<256x2048xi32>
    %gt3A_313 = vector.broadcast %slice3A : vector<1x2048xf32> to vector<256x2048xf32>
    %gt3A_314 = vector.broadcast %slice3A_307 : vector<256x1xf32> to vector<256x2048xf32>
    %gt3A_315 = arith.cmpf ogt, %gt3A_313, %gt3A_314 : vector<256x2048xf32>
    %eq3A_316 = vector.broadcast %slice3A : vector<1x2048xf32> to vector<256x2048xf32>
    %eq3A_317 = vector.broadcast %slice3A_307 : vector<256x1xf32> to vector<256x2048xf32>
    %eq3A_318 = arith.cmpf oeq, %eq3A_316, %eq3A_317 : vector<256x2048xf32>
    %lt3A_319 = arith.cmpi slt, %iota3A_308, %add3A_312 : vector<256x2048xi32>
    %and3A_320 = arith.andi %eq3A_318, %lt3A_319 : vector<256x2048xi1>
    %or3A_321 = arith.ori %gt3A_315, %and3A_320 : vector<256x2048xi1>
    %convert_element_type3A_322 = arith.extui %or3A_321 : vector<256x2048xi1> to vector<256x2048xi32>
    %reduce_sum3A_323 = arith.constant dense<0> : vector<256xi32>
    %reduce_sum3A_324 = vector.multi_reduction <add>, %convert_element_type3A_322, %reduce_sum3A_323 [1] : vector<256x2048xi32> to vector<256xi32>
    %broadcast_in_dim3A_325 = vector.shape_cast %reduce_sum3A_324 : vector<256xi32> to vector<256x1xi32>
    %iota3A_326 = tpu.iota {dimensions = array<i32: 1>} : vector<256x512xi32>
    %eq3A_327 = vector.broadcast %broadcast_in_dim3A_325 : vector<256x1xi32> to vector<256x512xi32>
    %eq3A_328 = arith.cmpi eq, %eq3A_327, %iota3A_326 : vector<256x512xi32>
    %iota3A_329 = tpu.iota {dimensions = array<i32: 0>} : vector<256x512xi32>
    %add3A_330 = arith.constant 1792 : i32
    %add3A_331 = vector.broadcast %add3A_330 : i32 to vector<256x512xi32>
    %add3A_332 = arith.addi %add3A_331, %iota3A_329 : vector<256x512xi32>
    %jit3A_333 = arith.constant 0 : i32
    %broadcast_in_dim3A_334 = vector.broadcast %jit3A_333 : i32 to vector<256x512xi32>
    %select_n3A_335 = arith.select %eq3A_328, %add3A_332, %broadcast_in_dim3A_334 : vector<256x512xi1>, vector<256x512xi32>
    %reduce_sum3A_336 = arith.constant dense<0> : vector<512xi32>
    %reduce_sum3A_337 = vector.multi_reduction <add>, %select_n3A_335, %reduce_sum3A_336 [0] : vector<256x512xi32> to vector<512xi32>
    %broadcast_in_dim3A_338 = vector.shape_cast %reduce_sum3A_337 : vector<512xi32> to vector<1x512xi32>
    %add3A_339 = arith.addi %add3A_297, %broadcast_in_dim3A_338 : vector<1x512xi32>
    %jit3A_340 = arith.constant 0.000000e+00 : f32
    %broadcast_in_dim3A_341 = vector.shape_cast %slice3A_307 : vector<256x1xf32> to vector<256x1xf32>
    %broadcast_in_dim3A_342 = vector.broadcast %broadcast_in_dim3A_341 : vector<256x1xf32> to vector<256x512xf32>
    %broadcast_in_dim3A_343 = vector.broadcast %jit3A_340 : f32 to vector<256x512xf32>
    %select_n3A_344 = arith.select %eq3A_328, %broadcast_in_dim3A_342, %broadcast_in_dim3A_343 : vector<256x512xi1>, vector<256x512xf32>
    %reduce_sum3A_345 = arith.constant dense<0.000000e+00> : vector<512xf32>
    %reduce_sum3A_346 = vector.multi_reduction <add>, %select_n3A_344, %reduce_sum3A_345 [0] : vector<256x512xf32> to vector<512xf32>
    %broadcast_in_dim3A_347 = vector.shape_cast %reduce_sum3A_346 : vector<512xf32> to vector<1x512xf32>
    %add3A_348 = arith.addf %add3A_306, %broadcast_in_dim3A_347 : vector<1x512xf32>
    %swap3A = arith.constant 0 : index
    %swap3A_349 = arith.constant 0 : index
    %swap3A_350 = arith.constant 0 : index
    %swap3A_351 = vector.load %arg4[%swap3A, %swap3A_349, %swap3A_350] : memref<1x1x4096xi32, #tpu.memory_space<vmem>>, vector<1x1x512xi32>
    %swap3A_352 = vector.shape_cast %swap3A_351 : vector<1x1x512xi32> to vector<1x512xi32>
    %swap3A_353 = vector.shape_cast %add3A_339 : vector<1x512xi32> to vector<1x1x512xi32>
    tpu.vector_store %arg4[%swap3A, %swap3A_349, %swap3A_350], %swap3A_353 {strides = array<i32>} : memref<1x1x4096xi32, #tpu.memory_space<vmem>>, vector<1x1x512xi32>,
    %swap3A_354 = arith.constant 0 : index
    %swap3A_355 = arith.constant 0 : index
    %swap3A_356 = arith.constant 0 : index
    %swap3A_357 = vector.load %arg5[%swap3A_354, %swap3A_355, %swap3A_356] : memref<1x1x4096xf32, #tpu.memory_space<vmem>>, vector<1x1x512xf32>
    %swap3A_358 = vector.shape_cast %swap3A_357 : vector<1x1x512xf32> to vector<1x512xf32>
    %swap3A_359 = vector.shape_cast %add3A_348 : vector<1x512xf32> to vector<1x1x512xf32>
    tpu.vector_store %arg5[%swap3A_354, %swap3A_355, %swap3A_356], %swap3A_359 {strides = array<i32>} : memref<1x1x4096xf32, #tpu.memory_space<vmem>>, vector<1x1x512xf32>,
    %slice3A_360 = vector.extract_strided_slice %div3A_17 {offsets = [1, 0], sizes = [1, 2048], strides = [1, 1]} : vector<8x2048xf32> to vector<1x2048xf32>
    %slice3A_361 = vector.extract_strided_slice %transpose3A {offsets = [0, 1], sizes = [2048, 1], strides = [1, 1]} : vector<2048x8xf32> to vector<2048x1xf32>
    %broadcast_in_dim3A_362 = arith.constant 0 : i32
    %broadcast_in_dim3A_363 = vector.broadcast %broadcast_in_dim3A_362 : i32 to vector<1x512xi32>
    %broadcast_in_dim3A_364 = arith.constant 0.000000e+00 : f32
    %broadcast_in_dim3A_365 = vector.broadcast %broadcast_in_dim3A_364 : f32 to vector<1x512xf32>
    %slice3A_366 = vector.extract_strided_slice %slice3A_361 {offsets = [0, 0], sizes = [256, 1], strides = [1, 1]} : vector<2048x1xf32> to vector<256x1xf32>
    %iota3A_367 = tpu.iota {dimensions = array<i32: 1>} : vector<256x2048xi32>
    %iota3A_368 = tpu.iota {dimensions = array<i32: 0>} : vector<256x2048xi32>
    %add3A_369 = arith.constant 0 : i32
    %add3A_370 = vector.broadcast %add3A_369 : i32 to vector<256x2048xi32>
    %add3A_371 = arith.addi %add3A_370, %iota3A_368 : vector<256x2048xi32>
    %gt3A_372 = vector.broadcast %slice3A_360 : vector<1x2048xf32> to vector<256x2048xf32>
    %gt3A_373 = vector.broadcast %slice3A_366 : vector<256x1xf32> to vector<256x2048xf32>
    %gt3A_374 = arith.cmpf ogt, %gt3A_372, %gt3A_373 : vector<256x2048xf32>
    %eq3A_375 = vector.broadcast %slice3A_360 : vector<1x2048xf32> to vector<256x2048xf32>
    %eq3A_376 = vector.broadcast %slice3A_366 : vector<256x1xf32> to vector<256x2048xf32>
    %eq3A_377 = arith.cmpf oeq, %eq3A_375, %eq3A_376 : vector<256x2048xf32>
    %lt3A_378 = arith.cmpi slt, %iota3A_367, %add3A_371 : vector<256x2048xi32>
    %and3A_379 = arith.andi %eq3A_377, %lt3A_378 : vector<256x2048xi1>
    %or3A_380 = arith.ori %gt3A_374, %and3A_379 : vector<256x2048xi1>
    %convert_element_type3A_381 = arith.extui %or3A_380 : vector<256x2048xi1> to vector<256x2048xi32>
    %reduce_sum3A_382 = arith.constant dense<0> : vector<256xi32>
    %reduce_sum3A_383 = vector.multi_reduction <add>, %convert_element_type3A_381, %reduce_sum3A_382 [1] : vector<256x2048xi32> to vector<256xi32>
    %broadcast_in_dim3A_384 = vector.shape_cast %reduce_sum3A_383 : vector<256xi32> to vector<256x1xi32>
    %iota3A_385 = tpu.iota {dimensions = array<i32: 1>} : vector<256x512xi32>
    %eq3A_386 = vector.broadcast %broadcast_in_dim3A_384 : vector<256x1xi32> to vector<256x512xi32>
    %eq3A_387 = arith.cmpi eq, %eq3A_386, %iota3A_385 : vector<256x512xi32>
    %iota3A_388 = tpu.iota {dimensions = array<i32: 0>} : vector<256x512xi32>
    %add3A_389 = arith.constant 0 : i32
    %add3A_390 = vector.broadcast %add3A_389 : i32 to vector<256x512xi32>
    %add3A_391 = arith.addi %add3A_390, %iota3A_388 : vector<256x512xi32>
    %jit3A_392 = arith.constant 0 : i32
    %broadcast_in_dim3A_393 = vector.broadcast %jit3A_392 : i32 to vector<256x512xi32>
    %select_n3A_394 = arith.select %eq3A_387, %add3A_391, %broadcast_in_dim3A_393 : vector<256x512xi1>, vector<256x512xi32>
    %reduce_sum3A_395 = arith.constant dense<0> : vector<512xi32>
    %reduce_sum3A_396 = vector.multi_reduction <add>, %select_n3A_394, %reduce_sum3A_395 [0] : vector<256x512xi32> to vector<512xi32>
    %broadcast_in_dim3A_397 = vector.shape_cast %reduce_sum3A_396 : vector<512xi32> to vector<1x512xi32>
    %add3A_398 = arith.addi %broadcast_in_dim3A_363, %broadcast_in_dim3A_397 : vector<1x512xi32>
    %jit3A_399 = arith.constant 0.000000e+00 : f32
    %broadcast_in_dim3A_400 = vector.shape_cast %slice3A_366 : vector<256x1xf32> to vector<256x1xf32>
    %broadcast_in_dim3A_401 = vector.broadcast %broadcast_in_dim3A_400 : vector<256x1xf32> to vector<256x512xf32>
    %broadcast_in_dim3A_402 = vector.broadcast %jit3A_399 : f32 to vector<256x512xf32>
    %select_n3A_403 = arith.select %eq3A_387, %broadcast_in_dim3A_401, %broadcast_in_dim3A_402 : vector<256x512xi1>, vector<256x512xf32>
    %reduce_sum3A_404 = arith.constant dense<0.000000e+00> : vector<512xf32>
    %reduce_sum3A_405 = vector.multi_reduction <add>, %select_n3A_403, %reduce_sum3A_404 [0] : vector<256x512xf32> to vector<512xf32>
    %broadcast_in_dim3A_406 = vector.shape_cast %reduce_sum3A_405 : vector<512xf32> to vector<1x512xf32>
    %add3A_407 = arith.addf %broadcast_in_dim3A_365, %broadcast_in_dim3A_406 : vector<1x512xf32>
    %slice3A_408 = vector.extract_strided_slice %slice3A_361 {offsets = [256, 0], sizes = [256, 1], strides = [1, 1]} : vector<2048x1xf32> to vector<256x1xf32>
    %iota3A_409 = tpu.iota {dimensions = array<i32: 1>} : vector<256x2048xi32>
    %iota3A_410 = tpu.iota {dimensions = array<i32: 0>} : vector<256x2048xi32>
    %add3A_411 = arith.constant 256 : i32
    %add3A_412 = vector.broadcast %add3A_411 : i32 to vector<256x2048xi32>
    %add3A_413 = arith.addi %add3A_412, %iota3A_410 : vector<256x2048xi32>
    %gt3A_414 = vector.broadcast %slice3A_360 : vector<1x2048xf32> to vector<256x2048xf32>
    %gt3A_415 = vector.broadcast %slice3A_408 : vector<256x1xf32> to vector<256x2048xf32>
    %gt3A_416 = arith.cmpf ogt, %gt3A_414, %gt3A_415 : vector<256x2048xf32>
    %eq3A_417 = vector.broadcast %slice3A_360 : vector<1x2048xf32> to vector<256x2048xf32>
    %eq3A_418 = vector.broadcast %slice3A_408 : vector<256x1xf32> to vector<256x2048xf32>
    %eq3A_419 = arith.cmpf oeq, %eq3A_417, %eq3A_418 : vector<256x2048xf32>
    %lt3A_420 = arith.cmpi slt, %iota3A_409, %add3A_413 : vector<256x2048xi32>
    %and3A_421 = arith.andi %eq3A_419, %lt3A_420 : vector<256x2048xi1>
    %or3A_422 = arith.ori %gt3A_416, %and3A_421 : vector<256x2048xi1>
    %convert_element_type3A_423 = arith.extui %or3A_422 : vector<256x2048xi1> to vector<256x2048xi32>
    %reduce_sum3A_424 = arith.constant dense<0> : vector<256xi32>
    %reduce_sum3A_425 = vector.multi_reduction <add>, %convert_element_type3A_423, %reduce_sum3A_424 [1] : vector<256x2048xi32> to vector<256xi32>
    %broadcast_in_dim3A_426 = vector.shape_cast %reduce_sum3A_425 : vector<256xi32> to vector<256x1xi32>
    %iota3A_427 = tpu.iota {dimensions = array<i32: 1>} : vector<256x512xi32>
    %eq3A_428 = vector.broadcast %broadcast_in_dim3A_426 : vector<256x1xi32> to vector<256x512xi32>
    %eq3A_429 = arith.cmpi eq, %eq3A_428, %iota3A_427 : vector<256x512xi32>
    %iota3A_430 = tpu.iota {dimensions = array<i32: 0>} : vector<256x512xi32>
    %add3A_431 = arith.constant 256 : i32
    %add3A_432 = vector.broadcast %add3A_431 : i32 to vector<256x512xi32>
    %add3A_433 = arith.addi %add3A_432, %iota3A_430 : vector<256x512xi32>
    %jit3A_434 = arith.constant 0 : i32
    %broadcast_in_dim3A_435 = vector.broadcast %jit3A_434 : i32 to vector<256x512xi32>
    %select_n3A_436 = arith.select %eq3A_429, %add3A_433, %broadcast_in_dim3A_435 : vector<256x512xi1>, vector<256x512xi32>
    %reduce_sum3A_437 = arith.constant dense<0> : vector<512xi32>
    %reduce_sum3A_438 = vector.multi_reduction <add>, %select_n3A_436, %reduce_sum3A_437 [0] : vector<256x512xi32> to vector<512xi32>
    %broadcast_in_dim3A_439 = vector.shape_cast %reduce_sum3A_438 : vector<512xi32> to vector<1x512xi32>
    %add3A_440 = arith.addi %add3A_398, %broadcast_in_dim3A_439 : vector<1x512xi32>
    %jit3A_441 = arith.constant 0.000000e+00 : f32
    %broadcast_in_dim3A_442 = vector.shape_cast %slice3A_408 : vector<256x1xf32> to vector<256x1xf32>
    %broadcast_in_dim3A_443 = vector.broadcast %broadcast_in_dim3A_442 : vector<256x1xf32> to vector<256x512xf32>
    %broadcast_in_dim3A_444 = vector.broadcast %jit3A_441 : f32 to vector<256x512xf32>
    %select_n3A_445 = arith.select %eq3A_429, %broadcast_in_dim3A_443, %broadcast_in_dim3A_444 : vector<256x512xi1>, vector<256x512xf32>
    %reduce_sum3A_446 = arith.constant dense<0.000000e+00> : vector<512xf32>
    %reduce_sum3A_447 = vector.multi_reduction <add>, %select_n3A_445, %reduce_sum3A_446 [0] : vector<256x512xf32> to vector<512xf32>
    %broadcast_in_dim3A_448 = vector.shape_cast %reduce_sum3A_447 : vector<512xf32> to vector<1x512xf32>
    %add3A_449 = arith.addf %add3A_407, %broadcast_in_dim3A_448 : vector<1x512xf32>
    %slice3A_450 = vector.extract_strided_slice %slice3A_361 {offsets = [512, 0], sizes = [256, 1], strides = [1, 1]} : vector<2048x1xf32> to vector<256x1xf32>
    %iota3A_451 = tpu.iota {dimensions = array<i32: 1>} : vector<256x2048xi32>
    %iota3A_452 = tpu.iota {dimensions = array<i32: 0>} : vector<256x2048xi32>
    %add3A_453 = arith.constant 512 : i32
    %add3A_454 = vector.broadcast %add3A_453 : i32 to vector<256x2048xi32>
    %add3A_455 = arith.addi %add3A_454, %iota3A_452 : vector<256x2048xi32>
    %gt3A_456 = vector.broadcast %slice3A_360 : vector<1x2048xf32> to vector<256x2048xf32>
    %gt3A_457 = vector.broadcast %slice3A_450 : vector<256x1xf32> to vector<256x2048xf32>
    %gt3A_458 = arith.cmpf ogt, %gt3A_456, %gt3A_457 : vector<256x2048xf32>
    %eq3A_459 = vector.broadcast %slice3A_360 : vector<1x2048xf32> to vector<256x2048xf32>
    %eq3A_460 = vector.broadcast %slice3A_450 : vector<256x1xf32> to vector<256x2048xf32>
    %eq3A_461 = arith.cmpf oeq, %eq3A_459, %eq3A_460 : vector<256x2048xf32>
    %lt3A_462 = arith.cmpi slt, %iota3A_451, %add3A_455 : vector<256x2048xi32>
    %and3A_463 = arith.andi %eq3A_461, %lt3A_462 : vector<256x2048xi1>
    %or3A_464 = arith.ori %gt3A_458, %and3A_463 : vector<256x2048xi1>
    %convert_element_type3A_465 = arith.extui %or3A_464 : vector<256x2048xi1> to vector<256x2048xi32>
    %reduce_sum3A_466 = arith.constant dense<0> : vector<256xi32>
    %reduce_sum3A_467 = vector.multi_reduction <add>, %convert_element_type3A_465, %reduce_sum3A_466 [1] : vector<256x2048xi32> to vector<256xi32>
    %broadcast_in_dim3A_468 = vector.shape_cast %reduce_sum3A_467 : vector<256xi32> to vector<256x1xi32>
    %iota3A_469 = tpu.iota {dimensions = array<i32: 1>} : vector<256x512xi32>
    %eq3A_470 = vector.broadcast %broadcast_in_dim3A_468 : vector<256x1xi32> to vector<256x512xi32>
    %eq3A_471 = arith.cmpi eq, %eq3A_470, %iota3A_469 : vector<256x512xi32>
    %iota3A_472 = tpu.iota {dimensions = array<i32: 0>} : vector<256x512xi32>
    %add3A_473 = arith.constant 512 : i32
    %add3A_474 = vector.broadcast %add3A_473 : i32 to vector<256x512xi32>
    %add3A_475 = arith.addi %add3A_474, %iota3A_472 : vector<256x512xi32>
    %jit3A_476 = arith.constant 0 : i32
    %broadcast_in_dim3A_477 = vector.broadcast %jit3A_476 : i32 to vector<256x512xi32>
    %select_n3A_478 = arith.select %eq3A_471, %add3A_475, %broadcast_in_dim3A_477 : vector<256x512xi1>, vector<256x512xi32>
    %reduce_sum3A_479 = arith.constant dense<0> : vector<512xi32>
    %reduce_sum3A_480 = vector.multi_reduction <add>, %select_n3A_478, %reduce_sum3A_479 [0] : vector<256x512xi32> to vector<512xi32>
    %broadcast_in_dim3A_481 = vector.shape_cast %reduce_sum3A_480 : vector<512xi32> to vector<1x512xi32>
    %add3A_482 = arith.addi %add3A_440, %broadcast_in_dim3A_481 : vector<1x512xi32>
    %jit3A_483 = arith.constant 0.000000e+00 : f32
    %broadcast_in_dim3A_484 = vector.shape_cast %slice3A_450 : vector<256x1xf32> to vector<256x1xf32>
    %broadcast_in_dim3A_485 = vector.broadcast %broadcast_in_dim3A_484 : vector<256x1xf32> to vector<256x512xf32>
    %broadcast_in_dim3A_486 = vector.broadcast %jit3A_483 : f32 to vector<256x512xf32>
    %select_n3A_487 = arith.select %eq3A_471, %broadcast_in_dim3A_485, %broadcast_in_dim3A_486 : vector<256x512xi1>, vector<256x512xf32>
    %reduce_sum3A_488 = arith.constant dense<0.000000e+00> : vector<512xf32>
    %reduce_sum3A_489 = vector.multi_reduction <add>, %select_n3A_487, %reduce_sum3A_488 [0] : vector<256x512xf32> to vector<512xf32>
    %broadcast_in_dim3A_490 = vector.shape_cast %reduce_sum3A_489 : vector<512xf32> to vector<1x512xf32>
    %add3A_491 = arith.addf %add3A_449, %broadcast_in_dim3A_490 : vector<1x512xf32>
    %slice3A_492 = vector.extract_strided_slice %slice3A_361 {offsets = [768, 0], sizes = [256, 1], strides = [1, 1]} : vector<2048x1xf32> to vector<256x1xf32>
    %iota3A_493 = tpu.iota {dimensions = array<i32: 1>} : vector<256x2048xi32>
    %iota3A_494 = tpu.iota {dimensions = array<i32: 0>} : vector<256x2048xi32>
    %add3A_495 = arith.constant 768 : i32
    %add3A_496 = vector.broadcast %add3A_495 : i32 to vector<256x2048xi32>
    %add3A_497 = arith.addi %add3A_496, %iota3A_494 : vector<256x2048xi32>
    %gt3A_498 = vector.broadcast %slice3A_360 : vector<1x2048xf32> to vector<256x2048xf32>
    %gt3A_499 = vector.broadcast %slice3A_492 : vector<256x1xf32> to vector<256x2048xf32>
    %gt3A_500 = arith.cmpf ogt, %gt3A_498, %gt3A_499 : vector<256x2048xf32>
    %eq3A_501 = vector.broadcast %slice3A_360 : vector<1x2048xf32> to vector<256x2048xf32>
    %eq3A_502 = vector.broadcast %slice3A_492 : vector<256x1xf32> to vector<256x2048xf32>
    %eq3A_503 = arith.cmpf oeq, %eq3A_501, %eq3A_502 : vector<256x2048xf32>
    %lt3A_504 = arith.cmpi slt, %iota3A_493, %add3A_497 : vector<256x2048xi32>
    %and3A_505 = arith.andi %eq3A_503, %lt3A_504 : vector<256x2048xi1>
    %or3A_506 = arith.ori %gt3A_500, %and3A_505 : vector<256x2048xi1>
    %convert_element_type3A_507 = arith.extui %or3A_506 : vector<256x2048xi1> to vector<256x2048xi32>
    %reduce_sum3A_508 = arith.constant dense<0> : vector<256xi32>
    %reduce_sum3A_509 = vector.multi_reduction <add>, %convert_element_type3A_507, %reduce_sum3A_508 [1] : vector<256x2048xi32> to vector<256xi32>
    %broadcast_in_dim3A_510 = vector.shape_cast %reduce_sum3A_509 : vector<256xi32> to vector<256x1xi32>
    %iota3A_511 = tpu.iota {dimensions = array<i32: 1>} : vector<256x512xi32>
    %eq3A_512 = vector.broadcast %broadcast_in_dim3A_510 : vector<256x1xi32> to vector<256x512xi32>
    %eq3A_513 = arith.cmpi eq, %eq3A_512, %iota3A_511 : vector<256x512xi32>
    %iota3A_514 = tpu.iota {dimensions = array<i32: 0>} : vector<256x512xi32>
    %add3A_515 = arith.constant 768 : i32
    %add3A_516 = vector.broadcast %add3A_515 : i32 to vector<256x512xi32>
    %add3A_517 = arith.addi %add3A_516, %iota3A_514 : vector<256x512xi32>
    %jit3A_518 = arith.constant 0 : i32
    %broadcast_in_dim3A_519 = vector.broadcast %jit3A_518 : i32 to vector<256x512xi32>
    %select_n3A_520 = arith.select %eq3A_513, %add3A_517, %broadcast_in_dim3A_519 : vector<256x512xi1>, vector<256x512xi32>
    %reduce_sum3A_521 = arith.constant dense<0> : vector<512xi32>
    %reduce_sum3A_522 = vector.multi_reduction <add>, %select_n3A_520, %reduce_sum3A_521 [0] : vector<256x512xi32> to vector<512xi32>
    %broadcast_in_dim3A_523 = vector.shape_cast %reduce_sum3A_522 : vector<512xi32> to vector<1x512xi32>
    %add3A_524 = arith.addi %add3A_482, %broadcast_in_dim3A_523 : vector<1x512xi32>
    %jit3A_525 = arith.constant 0.000000e+00 : f32
    %broadcast_in_dim3A_526 = vector.shape_cast %slice3A_492 : vector<256x1xf32> to vector<256x1xf32>
    %broadcast_in_dim3A_527 = vector.broadcast %broadcast_in_dim3A_526 : vector<256x1xf32> to vector<256x512xf32>
    %broadcast_in_dim3A_528 = vector.broadcast %jit3A_525 : f32 to vector<256x512xf32>
    %select_n3A_529 = arith.select %eq3A_513, %broadcast_in_dim3A_527, %broadcast_in_dim3A_528 : vector<256x512xi1>, vector<256x512xf32>
    %reduce_sum3A_530 = arith.constant dense<0.000000e+00> : vector<512xf32>
    %reduce_sum3A_531 = vector.multi_reduction <add>, %select_n3A_529, %reduce_sum3A_530 [0] : vector<256x512xf32> to vector<512xf32>
    %broadcast_in_dim3A_532 = vector.shape_cast %reduce_sum3A_531 : vector<512xf32> to vector<1x512xf32>
    %add3A_533 = arith.addf %add3A_491, %broadcast_in_dim3A_532 : vector<1x512xf32>
    %slice3A_534 = vector.extract_strided_slice %slice3A_361 {offsets = [1024, 0], sizes = [256, 1], strides = [1, 1]} : vector<2048x1xf32> to vector<256x1xf32>
    %iota3A_535 = tpu.iota {dimensions = array<i32: 1>} : vector<256x2048xi32>
    %iota3A_536 = tpu.iota {dimensions = array<i32: 0>} : vector<256x2048xi32>
    %add3A_537 = arith.constant 1024 : i32
    %add3A_538 = vector.broadcast %add3A_537 : i32 to vector<256x2048xi32>
    %add3A_539 = arith.addi %add3A_538, %iota3A_536 : vector<256x2048xi32>
    %gt3A_540 = vector.broadcast %slice3A_360 : vector<1x2048xf32> to vector<256x2048xf32>
    %gt3A_541 = vector.broadcast %slice3A_534 : vector<256x1xf32> to vector<256x2048xf32>
    %gt3A_542 = arith.cmpf ogt, %gt3A_540, %gt3A_541 : vector<256x2048xf32>
    %eq3A_543 = vector.broadcast %slice3A_360 : vector<1x2048xf32> to vector<256x2048xf32>
    %eq3A_544 = vector.broadcast %slice3A_534 : vector<256x1xf32> to vector<256x2048xf32>
    %eq3A_545 = arith.cmpf oeq, %eq3A_543, %eq3A_544 : vector<256x2048xf32>
    %lt3A_546 = arith.cmpi slt, %iota3A_535, %add3A_539 : vector<256x2048xi32>
    %and3A_547 = arith.andi %eq3A_545, %lt3A_546 : vector<256x2048xi1>
    %or3A_548 = arith.ori %gt3A_542, %and3A_547 : vector<256x2048xi1>
    %convert_element_type3A_549 = arith.extui %or3A_548 : vector<256x2048xi1> to vector<256x2048xi32>
    %reduce_sum3A_550 = arith.constant dense<0> : vector<256xi32>
    %reduce_sum3A_551 = vector.multi_reduction <add>, %convert_element_type3A_549, %reduce_sum3A_550 [1] : vector<256x2048xi32> to vector<256xi32>
    %broadcast_in_dim3A_552 = vector.shape_cast %reduce_sum3A_551 : vector<256xi32> to vector<256x1xi32>
    %iota3A_553 = tpu.iota {dimensions = array<i32: 1>} : vector<256x512xi32>
    %eq3A_554 = vector.broadcast %broadcast_in_dim3A_552 : vector<256x1xi32> to vector<256x512xi32>
    %eq3A_555 = arith.cmpi eq, %eq3A_554, %iota3A_553 : vector<256x512xi32>
    %iota3A_556 = tpu.iota {dimensions = array<i32: 0>} : vector<256x512xi32>
    %add3A_557 = arith.constant 1024 : i32
    %add3A_558 = vector.broadcast %add3A_557 : i32 to vector<256x512xi32>
    %add3A_559 = arith.addi %add3A_558, %iota3A_556 : vector<256x512xi32>
    %jit3A_560 = arith.constant 0 : i32
    %broadcast_in_dim3A_561 = vector.broadcast %jit3A_560 : i32 to vector<256x512xi32>
    %select_n3A_562 = arith.select %eq3A_555, %add3A_559, %broadcast_in_dim3A_561 : vector<256x512xi1>, vector<256x512xi32>
    %reduce_sum3A_563 = arith.constant dense<0> : vector<512xi32>
    %reduce_sum3A_564 = vector.multi_reduction <add>, %select_n3A_562, %reduce_sum3A_563 [0] : vector<256x512xi32> to vector<512xi32>
    %broadcast_in_dim3A_565 = vector.shape_cast %reduce_sum3A_564 : vector<512xi32> to vector<1x512xi32>
    %add3A_566 = arith.addi %add3A_524, %broadcast_in_dim3A_565 : vector<1x512xi32>
    %jit3A_567 = arith.constant 0.000000e+00 : f32
    %broadcast_in_dim3A_568 = vector.shape_cast %slice3A_534 : vector<256x1xf32> to vector<256x1xf32>
    %broadcast_in_dim3A_569 = vector.broadcast %broadcast_in_dim3A_568 : vector<256x1xf32> to vector<256x512xf32>
    %broadcast_in_dim3A_570 = vector.broadcast %jit3A_567 : f32 to vector<256x512xf32>
    %select_n3A_571 = arith.select %eq3A_555, %broadcast_in_dim3A_569, %broadcast_in_dim3A_570 : vector<256x512xi1>, vector<256x512xf32>
    %reduce_sum3A_572 = arith.constant dense<0.000000e+00> : vector<512xf32>
    %reduce_sum3A_573 = vector.multi_reduction <add>, %select_n3A_571, %reduce_sum3A_572 [0] : vector<256x512xf32> to vector<512xf32>
    %broadcast_in_dim3A_574 = vector.shape_cast %reduce_sum3A_573 : vector<512xf32> to vector<1x512xf32>
    %add3A_575 = arith.addf %add3A_533, %broadcast_in_dim3A_574 : vector<1x512xf32>
    %slice3A_576 = vector.extract_strided_slice %slice3A_361 {offsets = [1280, 0], sizes = [256, 1], strides = [1, 1]} : vector<2048x1xf32> to vector<256x1xf32>
    %iota3A_577 = tpu.iota {dimensions = array<i32: 1>} : vector<256x2048xi32>
    %iota3A_578 = tpu.iota {dimensions = array<i32: 0>} : vector<256x2048xi32>
    %add3A_579 = arith.constant 1280 : i32
    %add3A_580 = vector.broadcast %add3A_579 : i32 to vector<256x2048xi32>
    %add3A_581 = arith.addi %add3A_580, %iota3A_578 : vector<256x2048xi32>
    %gt3A_582 = vector.broadcast %slice3A_360 : vector<1x2048xf32> to vector<256x2048xf32>
    %gt3A_583 = vector.broadcast %slice3A_576 : vector<256x1xf32> to vector<256x2048xf32>
    %gt3A_584 = arith.cmpf ogt, %gt3A_582, %gt3A_583 : vector<256x2048xf32>
    %eq3A_585 = vector.broadcast %slice3A_360 : vector<1x2048xf32> to vector<256x2048xf32>
    %eq3A_586 = vector.broadcast %slice3A_576 : vector<256x1xf32> to vector<256x2048xf32>
    %eq3A_587 = arith.cmpf oeq, %eq3A_585, %eq3A_586 : vector<256x2048xf32>
    %lt3A_588 = arith.cmpi slt, %iota3A_577, %add3A_581 : vector<256x2048xi32>
    %and3A_589 = arith.andi %eq3A_587, %lt3A_588 : vector<256x2048xi1>
    %or3A_590 = arith.ori %gt3A_584, %and3A_589 : vector<256x2048xi1>
    %convert_element_type3A_591 = arith.extui %or3A_590 : vector<256x2048xi1> to vector<256x2048xi32>
    %reduce_sum3A_592 = arith.constant dense<0> : vector<256xi32>
    %reduce_sum3A_593 = vector.multi_reduction <add>, %convert_element_type3A_591, %reduce_sum3A_592 [1] : vector<256x2048xi32> to vector<256xi32>
    %broadcast_in_dim3A_594 = vector.shape_cast %reduce_sum3A_593 : vector<256xi32> to vector<256x1xi32>
    %iota3A_595 = tpu.iota {dimensions = array<i32: 1>} : vector<256x512xi32>
    %eq3A_596 = vector.broadcast %broadcast_in_dim3A_594 : vector<256x1xi32> to vector<256x512xi32>
    %eq3A_597 = arith.cmpi eq, %eq3A_596, %iota3A_595 : vector<256x512xi32>
    %iota3A_598 = tpu.iota {dimensions = array<i32: 0>} : vector<256x512xi32>
    %add3A_599 = arith.constant 1280 : i32
    %add3A_600 = vector.broadcast %add3A_599 : i32 to vector<256x512xi32>
    %add3A_601 = arith.addi %add3A_600, %iota3A_598 : vector<256x512xi32>
    %jit3A_602 = arith.constant 0 : i32
    %broadcast_in_dim3A_603 = vector.broadcast %jit3A_602 : i32 to vector<256x512xi32>
    %select_n3A_604 = arith.select %eq3A_597, %add3A_601, %broadcast_in_dim3A_603 : vector<256x512xi1>, vector<256x512xi32>
    %reduce_sum3A_605 = arith.constant dense<0> : vector<512xi32>
    %reduce_sum3A_606 = vector.multi_reduction <add>, %select_n3A_604, %reduce_sum3A_605 [0] : vector<256x512xi32> to vector<512xi32>
    %broadcast_in_dim3A_607 = vector.shape_cast %reduce_sum3A_606 : vector<512xi32> to vector<1x512xi32>
    %add3A_608 = arith.addi %add3A_566, %broadcast_in_dim3A_607 : vector<1x512xi32>
    %jit3A_609 = arith.constant 0.000000e+00 : f32
    %broadcast_in_dim3A_610 = vector.shape_cast %slice3A_576 : vector<256x1xf32> to vector<256x1xf32>
    %broadcast_in_dim3A_611 = vector.broadcast %broadcast_in_dim3A_610 : vector<256x1xf32> to vector<256x512xf32>
    %broadcast_in_dim3A_612 = vector.broadcast %jit3A_609 : f32 to vector<256x512xf32>
    %select_n3A_613 = arith.select %eq3A_597, %broadcast_in_dim3A_611, %broadcast_in_dim3A_612 : vector<256x512xi1>, vector<256x512xf32>
    %reduce_sum3A_614 = arith.constant dense<0.000000e+00> : vector<512xf32>
    %reduce_sum3A_615 = vector.multi_reduction <add>, %select_n3A_613, %reduce_sum3A_614 [0] : vector<256x512xf32> to vector<512xf32>
    %broadcast_in_dim3A_616 = vector.shape_cast %reduce_sum3A_615 : vector<512xf32> to vector<1x512xf32>
    %add3A_617 = arith.addf %add3A_575, %broadcast_in_dim3A_616 : vector<1x512xf32>
    %slice3A_618 = vector.extract_strided_slice %slice3A_361 {offsets = [1536, 0], sizes = [256, 1], strides = [1, 1]} : vector<2048x1xf32> to vector<256x1xf32>
    %iota3A_619 = tpu.iota {dimensions = array<i32: 1>} : vector<256x2048xi32>
    %iota3A_620 = tpu.iota {dimensions = array<i32: 0>} : vector<256x2048xi32>
    %add3A_621 = arith.constant 1536 : i32
    %add3A_622 = vector.broadcast %add3A_621 : i32 to vector<256x2048xi32>
    %add3A_623 = arith.addi %add3A_622, %iota3A_620 : vector<256x2048xi32>
    %gt3A_624 = vector.broadcast %slice3A_360 : vector<1x2048xf32> to vector<256x2048xf32>
    %gt3A_625 = vector.broadcast %slice3A_618 : vector<256x1xf32> to vector<256x2048xf32>
    %gt3A_626 = arith.cmpf ogt, %gt3A_624, %gt3A_625 : vector<256x2048xf32>
    %eq3A_627 = vector.broadcast %slice3A_360 : vector<1x2048xf32> to vector<256x2048xf32>
    %eq3A_628 = vector.broadcast %slice3A_618 : vector<256x1xf32> to vector<256x2048xf32>
    %eq3A_629 = arith.cmpf oeq, %eq3A_627, %eq3A_628 : vector<256x2048xf32>
    %lt3A_630 = arith.cmpi slt, %iota3A_619, %add3A_623 : vector<256x2048xi32>
    %and3A_631 = arith.andi %eq3A_629, %lt3A_630 : vector<256x2048xi1>
    %or3A_632 = arith.ori %gt3A_626, %and3A_631 : vector<256x2048xi1>
    %convert_element_type3A_633 = arith.extui %or3A_632 : vector<256x2048xi1> to vector<256x2048xi32>
    %reduce_sum3A_634 = arith.constant dense<0> : vector<256xi32>
    %reduce_sum3A_635 = vector.multi_reduction <add>, %convert_element_type3A_633, %reduce_sum3A_634 [1] : vector<256x2048xi32> to vector<256xi32>
    %broadcast_in_dim3A_636 = vector.shape_cast %reduce_sum3A_635 : vector<256xi32> to vector<256x1xi32>
    %iota3A_637 = tpu.iota {dimensions = array<i32: 1>} : vector<256x512xi32>
    %eq3A_638 = vector.broadcast %broadcast_in_dim3A_636 : vector<256x1xi32> to vector<256x512xi32>
    %eq3A_639 = arith.cmpi eq, %eq3A_638, %iota3A_637 : vector<256x512xi32>
    %iota3A_640 = tpu.iota {dimensions = array<i32: 0>} : vector<256x512xi32>
    %add3A_641 = arith.constant 1536 : i32
    %add3A_642 = vector.broadcast %add3A_641 : i32 to vector<256x512xi32>
    %add3A_643 = arith.addi %add3A_642, %iota3A_640 : vector<256x512xi32>
    %jit3A_644 = arith.constant 0 : i32
    %broadcast_in_dim3A_645 = vector.broadcast %jit3A_644 : i32 to vector<256x512xi32>
    %select_n3A_646 = arith.select %eq3A_639, %add3A_643, %broadcast_in_dim3A_645 : vector<256x512xi1>, vector<256x512xi32>
    %reduce_sum3A_647 = arith.constant dense<0> : vector<512xi32>
    %reduce_sum3A_648 = vector.multi_reduction <add>, %select_n3A_646, %reduce_sum3A_647 [0] : vector<256x512xi32> to vector<512xi32>
    %broadcast_in_dim3A_649 = vector.shape_cast %reduce_sum3A_648 : vector<512xi32> to vector<1x512xi32>
    %add3A_650 = arith.addi %add3A_608, %broadcast_in_dim3A_649 : vector<1x512xi32>
    %jit3A_651 = arith.constant 0.000000e+00 : f32
    %broadcast_in_dim3A_652 = vector.shape_cast %slice3A_618 : vector<256x1xf32> to vector<256x1xf32>
    %broadcast_in_dim3A_653 = vector.broadcast %broadcast_in_dim3A_652 : vector<256x1xf32> to vector<256x512xf32>
    %broadcast_in_dim3A_654 = vector.broadcast %jit3A_651 : f32 to vector<256x512xf32>
    %select_n3A_655 = arith.select %eq3A_639, %broadcast_in_dim3A_653, %broadcast_in_dim3A_654 : vector<256x512xi1>, vector<256x512xf32>
    %reduce_sum3A_656 = arith.constant dense<0.000000e+00> : vector<512xf32>
    %reduce_sum3A_657 = vector.multi_reduction <add>, %select_n3A_655, %reduce_sum3A_656 [0] : vector<256x512xf32> to vector<512xf32>
    %broadcast_in_dim3A_658 = vector.shape_cast %reduce_sum3A_657 : vector<512xf32> to vector<1x512xf32>
    %add3A_659 = arith.addf %add3A_617, %broadcast_in_dim3A_658 : vector<1x512xf32>
    %slice3A_660 = vector.extract_strided_slice %slice3A_361 {offsets = [1792, 0], sizes = [256, 1], strides = [1, 1]} : vector<2048x1xf32> to vector<256x1xf32>
    %iota3A_661 = tpu.iota {dimensions = array<i32: 1>} : vector<256x2048xi32>
    %iota3A_662 = tpu.iota {dimensions = array<i32: 0>} : vector<256x2048xi32>
    %add3A_663 = arith.constant 1792 : i32
    %add3A_664 = vector.broadcast %add3A_663 : i32 to vector<256x2048xi32>
    %add3A_665 = arith.addi %add3A_664, %iota3A_662 : vector<256x2048xi32>
    %gt3A_666 = vector.broadcast %slice3A_360 : vector<1x2048xf32> to vector<256x2048xf32>
    %gt3A_667 = vector.broadcast %slice3A_660 : vector<256x1xf32> to vector<256x2048xf32>
    %gt3A_668 = arith.cmpf ogt, %gt3A_666, %gt3A_667 : vector<256x2048xf32>
    %eq3A_669 = vector.broadcast %slice3A_360 : vector<1x2048xf32> to vector<256x2048xf32>
    %eq3A_670 = vector.broadcast %slice3A_660 : vector<256x1xf32> to vector<256x2048xf32>
    %eq3A_671 = arith.cmpf oeq, %eq3A_669, %eq3A_670 : vector<256x2048xf32>
    %lt3A_672 = arith.cmpi slt, %iota3A_661, %add3A_665 : vector<256x2048xi32>
    %and3A_673 = arith.andi %eq3A_671, %lt3A_672 : vector<256x2048xi1>
    %or3A_674 = arith.ori %gt3A_668, %and3A_673 : vector<256x2048xi1>
    %convert_element_type3A_675 = arith.extui %or3A_674 : vector<256x2048xi1> to vector<256x2048xi32>
    %reduce_sum3A_676 = arith.constant dense<0> : vector<256xi32>
    %reduce_sum3A_677 = vector.multi_reduction <add>, %convert_element_type3A_675, %reduce_sum3A_676 [1] : vector<256x2048xi32> to vector<256xi32>
    %broadcast_in_dim3A_678 = vector.shape_cast %reduce_sum3A_677 : vector<256xi32> to vector<256x1xi32>
    %iota3A_679 = tpu.iota {dimensions = array<i32: 1>} : vector<256x512xi32>
    %eq3A_680 = vector.broadcast %broadcast_in_dim3A_678 : vector<256x1xi32> to vector<256x512xi32>
    %eq3A_681 = arith.cmpi eq, %eq3A_680, %iota3A_679 : vector<256x512xi32>
    %iota3A_682 = tpu.iota {dimensions = array<i32: 0>} : vector<256x512xi32>
    %add3A_683 = arith.constant 1792 : i32
    %add3A_684 = vector.broadcast %add3A_683 : i32 to vector<256x512xi32>
    %add3A_685 = arith.addi %add3A_684, %iota3A_682 : vector<256x512xi32>
    %jit3A_686 = arith.constant 0 : i32
    %broadcast_in_dim3A_687 = vector.broadcast %jit3A_686 : i32 to vector<256x512xi32>
    %select_n3A_688 = arith.select %eq3A_681, %add3A_685, %broadcast_in_dim3A_687 : vector<256x512xi1>, vector<256x512xi32>
    %reduce_sum3A_689 = arith.constant dense<0> : vector<512xi32>
    %reduce_sum3A_690 = vector.multi_reduction <add>, %select_n3A_688, %reduce_sum3A_689 [0] : vector<256x512xi32> to vector<512xi32>
    %broadcast_in_dim3A_691 = vector.shape_cast %reduce_sum3A_690 : vector<512xi32> to vector<1x512xi32>
    %add3A_692 = arith.addi %add3A_650, %broadcast_in_dim3A_691 : vector<1x512xi32>
    %jit3A_693 = arith.constant 0.000000e+00 : f32
    %broadcast_in_dim3A_694 = vector.shape_cast %slice3A_660 : vector<256x1xf32> to vector<256x1xf32>
    %broadcast_in_dim3A_695 = vector.broadcast %broadcast_in_dim3A_694 : vector<256x1xf32> to vector<256x512xf32>
    %broadcast_in_dim3A_696 = vector.broadcast %jit3A_693 : f32 to vector<256x512xf32>
    %select_n3A_697 = arith.select %eq3A_681, %broadcast_in_dim3A_695, %broadcast_in_dim3A_696 : vector<256x512xi1>, vector<256x512xf32>
    %reduce_sum3A_698 = arith.constant dense<0.000000e+00> : vector<512xf32>
    %reduce_sum3A_699 = vector.multi_reduction <add>, %select_n3A_697, %reduce_sum3A_698 [0] : vector<256x512xf32> to vector<512xf32>
    %broadcast_in_dim3A_700 = vector.shape_cast %reduce_sum3A_699 : vector<512xf32> to vector<1x512xf32>
    %add3A_701 = arith.addf %add3A_659, %broadcast_in_dim3A_700 : vector<1x512xf32>
    %swap3A_702 = arith.constant 0 : index
    %swap3A_703 = arith.constant 0 : index
    %swap3A_704 = arith.constant 512 : index
    %swap3A_705 = vector.load %arg4[%swap3A_702, %swap3A_703, %swap3A_704] : memref<1x1x4096xi32, #tpu.memory_space<vmem>>, vector<1x1x512xi32>
    %swap3A_706 = vector.shape_cast %swap3A_705 : vector<1x1x512xi32> to vector<1x512xi32>
    %swap3A_707 = vector.shape_cast %add3A_692 : vector<1x512xi32> to vector<1x1x512xi32>
    tpu.vector_store %arg4[%swap3A_702, %swap3A_703, %swap3A_704], %swap3A_707 {strides = array<i32>} : memref<1x1x4096xi32, #tpu.memory_space<vmem>>, vector<1x1x512xi32>,
    %swap3A_708 = arith.constant 0 : index
    %swap3A_709 = arith.constant 0 : index
    %swap3A_710 = arith.constant 512 : index
    %swap3A_711 = vector.load %arg5[%swap3A_708, %swap3A_709, %swap3A_710] : memref<1x1x4096xf32, #tpu.memory_space<vmem>>, vector<1x1x512xf32>
    %swap3A_712 = vector.shape_cast %swap3A_711 : vector<1x1x512xf32> to vector<1x512xf32>
    %swap3A_713 = vector.shape_cast %add3A_701 : vector<1x512xf32> to vector<1x1x512xf32>
    tpu.vector_store %arg5[%swap3A_708, %swap3A_709, %swap3A_710], %swap3A_713 {strides = array<i32>} : memref<1x1x4096xf32, #tpu.memory_space<vmem>>, vector<1x1x512xf32>,
    %slice3A_714 = vector.extract_strided_slice %div3A_17 {offsets = [2, 0], sizes = [1, 2048], strides = [1, 1]} : vector<8x2048xf32> to vector<1x2048xf32>
    %slice3A_715 = vector.extract_strided_slice %transpose3A {offsets = [0, 2], sizes = [2048, 1], strides = [1, 1]} : vector<2048x8xf32> to vector<2048x1xf32>
    %broadcast_in_dim3A_716 = arith.constant 0 : i32
    %broadcast_in_dim3A_717 = vector.broadcast %broadcast_in_dim3A_716 : i32 to vector<1x512xi32>
    %broadcast_in_dim3A_718 = arith.constant 0.000000e+00 : f32
    %broadcast_in_dim3A_719 = vector.broadcast %broadcast_in_dim3A_718 : f32 to vector<1x512xf32>
    %slice3A_720 = vector.extract_strided_slice %slice3A_715 {offsets = [0, 0], sizes = [256, 1], strides = [1, 1]} : vector<2048x1xf32> to vector<256x1xf32>
    %iota3A_721 = tpu.iota {dimensions = array<i32: 1>} : vector<256x2048xi32>
    %iota3A_722 = tpu.iota {dimensions = array<i32: 0>} : vector<256x2048xi32>
    %add3A_723 = arith.constant 0 : i32
    %add3A_724 = vector.broadcast %add3A_723 : i32 to vector<256x2048xi32>
    %add3A_725 = arith.addi %add3A_724, %iota3A_722 : vector<256x2048xi32>
    %gt3A_726 = vector.broadcast %slice3A_714 : vector<1x2048xf32> to vector<256x2048xf32>
    %gt3A_727 = vector.broadcast %slice3A_720 : vector<256x1xf32> to vector<256x2048xf32>
    %gt3A_728 = arith.cmpf ogt, %gt3A_726, %gt3A_727 : vector<256x2048xf32>
    %eq3A_729 = vector.broadcast %slice3A_714 : vector<1x2048xf32> to vector<256x2048xf32>
    %eq3A_730 = vector.broadcast %slice3A_720 : vector<256x1xf32> to vector<256x2048xf32>
    %eq3A_731 = arith.cmpf oeq, %eq3A_729, %eq3A_730 : vector<256x2048xf32>
    %lt3A_732 = arith.cmpi slt, %iota3A_721, %add3A_725 : vector<256x2048xi32>
    %and3A_733 = arith.andi %eq3A_731, %lt3A_732 : vector<256x2048xi1>
    %or3A_734 = arith.ori %gt3A_728, %and3A_733 : vector<256x2048xi1>
    %convert_element_type3A_735 = arith.extui %or3A_734 : vector<256x2048xi1> to vector<256x2048xi32>
    %reduce_sum3A_736 = arith.constant dense<0> : vector<256xi32>
    %reduce_sum3A_737 = vector.multi_reduction <add>, %convert_element_type3A_735, %reduce_sum3A_736 [1] : vector<256x2048xi32> to vector<256xi32>
    %broadcast_in_dim3A_738 = vector.shape_cast %reduce_sum3A_737 : vector<256xi32> to vector<256x1xi32>
    %iota3A_739 = tpu.iota {dimensions = array<i32: 1>} : vector<256x512xi32>
    %eq3A_740 = vector.broadcast %broadcast_in_dim3A_738 : vector<256x1xi32> to vector<256x512xi32>
    %eq3A_741 = arith.cmpi eq, %eq3A_740, %iota3A_739 : vector<256x512xi32>
    %iota3A_742 = tpu.iota {dimensions = array<i32: 0>} : vector<256x512xi32>
    %add3A_743 = arith.constant 0 : i32
    %add3A_744 = vector.broadcast %add3A_743 : i32 to vector<256x512xi32>
    %add3A_745 = arith.addi %add3A_744, %iota3A_742 : vector<256x512xi32>
    %jit3A_746 = arith.constant 0 : i32
    %broadcast_in_dim3A_747 = vector.broadcast %jit3A_746 : i32 to vector<256x512xi32>
    %select_n3A_748 = arith.select %eq3A_741, %add3A_745, %broadcast_in_dim3A_747 : vector<256x512xi1>, vector<256x512xi32>
    %reduce_sum3A_749 = arith.constant dense<0> : vector<512xi32>
    %reduce_sum3A_750 = vector.multi_reduction <add>, %select_n3A_748, %reduce_sum3A_749 [0] : vector<256x512xi32> to vector<512xi32>
    %broadcast_in_dim3A_751 = vector.shape_cast %reduce_sum3A_750 : vector<512xi32> to vector<1x512xi32>
    %add3A_752 = arith.addi %broadcast_in_dim3A_717, %broadcast_in_dim3A_751 : vector<1x512xi32>
    %jit3A_753 = arith.constant 0.000000e+00 : f32
    %broadcast_in_dim3A_754 = vector.shape_cast %slice3A_720 : vector<256x1xf32> to vector<256x1xf32>
    %broadcast_in_dim3A_755 = vector.broadcast %broadcast_in_dim3A_754 : vector<256x1xf32> to vector<256x512xf32>
    %broadcast_in_dim3A_756 = vector.broadcast %jit3A_753 : f32 to vector<256x512xf32>
    %select_n3A_757 = arith.select %eq3A_741, %broadcast_in_dim3A_755, %broadcast_in_dim3A_756 : vector<256x512xi1>, vector<256x512xf32>
    %reduce_sum3A_758 = arith.constant dense<0.000000e+00> : vector<512xf32>
    %reduce_sum3A_759 = vector.multi_reduction <add>, %select_n3A_757, %reduce_sum3A_758 [0] : vector<256x512xf32> to vector<512xf32>
    %broadcast_in_dim3A_760 = vector.shape_cast %reduce_sum3A_759 : vector<512xf32> to vector<1x512xf32>
    %add3A_761 = arith.addf %broadcast_in_dim3A_719, %broadcast_in_dim3A_760 : vector<1x512xf32>
    %slice3A_762 = vector.extract_strided_slice %slice3A_715 {offsets = [256, 0], sizes = [256, 1], strides = [1, 1]} : vector<2048x1xf32> to vector<256x1xf32>
    %iota3A_763 = tpu.iota {dimensions = array<i32: 1>} : vector<256x2048xi32>
    %iota3A_764 = tpu.iota {dimensions = array<i32: 0>} : vector<256x2048xi32>
    %add3A_765 = arith.constant 256 : i32
    %add3A_766 = vector.broadcast %add3A_765 : i32 to vector<256x2048xi32>
    %add3A_767 = arith.addi %add3A_766, %iota3A_764 : vector<256x2048xi32>
    %gt3A_768 = vector.broadcast %slice3A_714 : vector<1x2048xf32> to vector<256x2048xf32>
    %gt3A_769 = vector.broadcast %slice3A_762 : vector<256x1xf32> to vector<256x2048xf32>
    %gt3A_770 = arith.cmpf ogt, %gt3A_768, %gt3A_769 : vector<256x2048xf32>
    %eq3A_771 = vector.broadcast %slice3A_714 : vector<1x2048xf32> to vector<256x2048xf32>
    %eq3A_772 = vector.broadcast %slice3A_762 : vector<256x1xf32> to vector<256x2048xf32>
    %eq3A_773 = arith.cmpf oeq, %eq3A_771, %eq3A_772 : vector<256x2048xf32>
    %lt3A_774 = arith.cmpi slt, %iota3A_763, %add3A_767 : vector<256x2048xi32>
    %and3A_775 = arith.andi %eq3A_773, %lt3A_774 : vector<256x2048xi1>
    %or3A_776 = arith.ori %gt3A_770, %and3A_775 : vector<256x2048xi1>
    %convert_element_type3A_777 = arith.extui %or3A_776 : vector<256x2048xi1> to vector<256x2048xi32>
    %reduce_sum3A_778 = arith.constant dense<0> : vector<256xi32>
    %reduce_sum3A_779 = vector.multi_reduction <add>, %convert_element_type3A_777, %reduce_sum3A_778 [1] : vector<256x2048xi32> to vector<256xi32>
    %broadcast_in_dim3A_780 = vector.shape_cast %reduce_sum3A_779 : vector<256xi32> to vector<256x1xi32>
    %iota3A_781 = tpu.iota {dimensions = array<i32: 1>} : vector<256x512xi32>
    %eq3A_782 = vector.broadcast %broadcast_in_dim3A_780 : vector<256x1xi32> to vector<256x512xi32>
    %eq3A_783 = arith.cmpi eq, %eq3A_782, %iota3A_781 : vector<256x512xi32>
    %iota3A_784 = tpu.iota {dimensions = array<i32: 0>} : vector<256x512xi32>
    %add3A_785 = arith.constant 256 : i32
    %add3A_786 = vector.broadcast %add3A_785 : i32 to vector<256x512xi32>
    %add3A_787 = arith.addi %add3A_786, %iota3A_784 : vector<256x512xi32>
    %jit3A_788 = arith.constant 0 : i32
    %broadcast_in_dim3A_789 = vector.broadcast %jit3A_788 : i32 to vector<256x512xi32>
    %select_n3A_790 = arith.select %eq3A_783, %add3A_787, %broadcast_in_dim3A_789 : vector<256x512xi1>, vector<256x512xi32>
    %reduce_sum3A_791 = arith.constant dense<0> : vector<512xi32>
    %reduce_sum3A_792 = vector.multi_reduction <add>, %select_n3A_790, %reduce_sum3A_791 [0] : vector<256x512xi32> to vector<512xi32>
    %broadcast_in_dim3A_793 = vector.shape_cast %reduce_sum3A_792 : vector<512xi32> to vector<1x512xi32>
    %add3A_794 = arith.addi %add3A_752, %broadcast_in_dim3A_793 : vector<1x512xi32>
    %jit3A_795 = arith.constant 0.000000e+00 : f32
    %broadcast_in_dim3A_796 = vector.shape_cast %slice3A_762 : vector<256x1xf32> to vector<256x1xf32>
    %broadcast_in_dim3A_797 = vector.broadcast %broadcast_in_dim3A_796 : vector<256x1xf32> to vector<256x512xf32>
    %broadcast_in_dim3A_798 = vector.broadcast %jit3A_795 : f32 to vector<256x512xf32>
    %select_n3A_799 = arith.select %eq3A_783, %broadcast_in_dim3A_797, %broadcast_in_dim3A_798 : vector<256x512xi1>, vector<256x512xf32>
    %reduce_sum3A_800 = arith.constant dense<0.000000e+00> : vector<512xf32>
    %reduce_sum3A_801 = vector.multi_reduction <add>, %select_n3A_799, %reduce_sum3A_800 [0] : vector<256x512xf32> to vector<512xf32>
    %broadcast_in_dim3A_802 = vector.shape_cast %reduce_sum3A_801 : vector<512xf32> to vector<1x512xf32>
    %add3A_803 = arith.addf %add3A_761, %broadcast_in_dim3A_802 : vector<1x512xf32>
    %slice3A_804 = vector.extract_strided_slice %slice3A_715 {offsets = [512, 0], sizes = [256, 1], strides = [1, 1]} : vector<2048x1xf32> to vector<256x1xf32>
    %iota3A_805 = tpu.iota {dimensions = array<i32: 1>} : vector<256x2048xi32>
    %iota3A_806 = tpu.iota {dimensions = array<i32: 0>} : vector<256x2048xi32>
    %add3A_807 = arith.constant 512 : i32
    %add3A_808 = vector.broadcast %add3A_807 : i32 to vector<256x2048xi32>
    %add3A_809 = arith.addi %add3A_808, %iota3A_806 : vector<256x2048xi32>
    %gt3A_810 = vector.broadcast %slice3A_714 : vector<1x2048xf32> to vector<256x2048xf32>
    %gt3A_811 = vector.broadcast %slice3A_804 : vector<256x1xf32> to vector<256x2048xf32>
    %gt3A_812 = arith.cmpf ogt, %gt3A_810, %gt3A_811 : vector<256x2048xf32>
    %eq3A_813 = vector.broadcast %slice3A_714 : vector<1x2048xf32> to vector<256x2048xf32>
    %eq3A_814 = vector.broadcast %slice3A_804 : vector<256x1xf32> to vector<256x2048xf32>
    %eq3A_815 = arith.cmpf oeq, %eq3A_813, %eq3A_814 : vector<256x2048xf32>
    %lt3A_816 = arith.cmpi slt, %iota3A_805, %add3A_809 : vector<256x2048xi32>
    %and3A_817 = arith.andi %eq3A_815, %lt3A_816 : vector<256x2048xi1>
    %or3A_818 = arith.ori %gt3A_812, %and3A_817 : vector<256x2048xi1>
    %convert_element_type3A_819 = arith.extui %or3A_818 : vector<256x2048xi1> to vector<256x2048xi32>
    %reduce_sum3A_820 = arith.constant dense<0> : vector<256xi32>
    %reduce_sum3A_821 = vector.multi_reduction <add>, %convert_element_type3A_819, %reduce_sum3A_820 [1] : vector<256x2048xi32> to vector<256xi32>
    %broadcast_in_dim3A_822 = vector.shape_cast %reduce_sum3A_821 : vector<256xi32> to vector<256x1xi32>
    %iota3A_823 = tpu.iota {dimensions = array<i32: 1>} : vector<256x512xi32>
    %eq3A_824 = vector.broadcast %broadcast_in_dim3A_822 : vector<256x1xi32> to vector<256x512xi32>
    %eq3A_825 = arith.cmpi eq, %eq3A_824, %iota3A_823 : vector<256x512xi32>
    %iota3A_826 = tpu.iota {dimensions = array<i32: 0>} : vector<256x512xi32>
    %add3A_827 = arith.constant 512 : i32
    %add3A_828 = vector.broadcast %add3A_827 : i32 to vector<256x512xi32>
    %add3A_829 = arith.addi %add3A_828, %iota3A_826 : vector<256x512xi32>
    %jit3A_830 = arith.constant 0 : i32
    %broadcast_in_dim3A_831 = vector.broadcast %jit3A_830 : i32 to vector<256x512xi32>
    %select_n3A_832 = arith.select %eq3A_825, %add3A_829, %broadcast_in_dim3A_831 : vector<256x512xi1>, vector<256x512xi32>
    %reduce_sum3A_833 = arith.constant dense<0> : vector<512xi32>
    %reduce_sum3A_834 = vector.multi_reduction <add>, %select_n3A_832, %reduce_sum3A_833 [0] : vector<256x512xi32> to vector<512xi32>
    %broadcast_in_dim3A_835 = vector.shape_cast %reduce_sum3A_834 : vector<512xi32> to vector<1x512xi32>
    %add3A_836 = arith.addi %add3A_794, %broadcast_in_dim3A_835 : vector<1x512xi32>
    %jit3A_837 = arith.constant 0.000000e+00 : f32
    %broadcast_in_dim3A_838 = vector.shape_cast %slice3A_804 : vector<256x1xf32> to vector<256x1xf32>
    %broadcast_in_dim3A_839 = vector.broadcast %broadcast_in_dim3A_838 : vector<256x1xf32> to vector<256x512xf32>
    %broadcast_in_dim3A_840 = vector.broadcast %jit3A_837 : f32 to vector<256x512xf32>
    %select_n3A_841 = arith.select %eq3A_825, %broadcast_in_dim3A_839, %broadcast_in_dim3A_840 : vector<256x512xi1>, vector<256x512xf32>
    %reduce_sum3A_842 = arith.constant dense<0.000000e+00> : vector<512xf32>
    %reduce_sum3A_843 = vector.multi_reduction <add>, %select_n3A_841, %reduce_sum3A_842 [0] : vector<256x512xf32> to vector<512xf32>
    %broadcast_in_dim3A_844 = vector.shape_cast %reduce_sum3A_843 : vector<512xf32> to vector<1x512xf32>
    %add3A_845 = arith.addf %add3A_803, %broadcast_in_dim3A_844 : vector<1x512xf32>
    %slice3A_846 = vector.extract_strided_slice %slice3A_715 {offsets = [768, 0], sizes = [256, 1], strides = [1, 1]} : vector<2048x1xf32> to vector<256x1xf32>
    %iota3A_847 = tpu.iota {dimensions = array<i32: 1>} : vector<256x2048xi32>
    %iota3A_848 = tpu.iota {dimensions = array<i32: 0>} : vector<256x2048xi32>
    %add3A_849 = arith.constant 768 : i32
    %add3A_850 = vector.broadcast %add3A_849 : i32 to vector<256x2048xi32>
    %add3A_851 = arith.addi %add3A_850, %iota3A_848 : vector<256x2048xi32>
    %gt3A_852 = vector.broadcast %slice3A_714 : vector<1x2048xf32> to vector<256x2048xf32>
    %gt3A_853 = vector.broadcast %slice3A_846 : vector<256x1xf32> to vector<256x2048xf32>
    %gt3A_854 = arith.cmpf ogt, %gt3A_852, %gt3A_853 : vector<256x2048xf32>
    %eq3A_855 = vector.broadcast %slice3A_714 : vector<1x2048xf32> to vector<256x2048xf32>
    %eq3A_856 = vector.broadcast %slice3A_846 : vector<256x1xf32> to vector<256x2048xf32>
    %eq3A_857 = arith.cmpf oeq, %eq3A_855, %eq3A_856 : vector<256x2048xf32>
    %lt3A_858 = arith.cmpi slt, %iota3A_847, %add3A_851 : vector<256x2048xi32>
    %and3A_859 = arith.andi %eq3A_857, %lt3A_858 : vector<256x2048xi1>
    %or3A_860 = arith.ori %gt3A_854, %and3A_859 : vector<256x2048xi1>
    %convert_element_type3A_861 = arith.extui %or3A_860 : vector<256x2048xi1> to vector<256x2048xi32>
    %reduce_sum3A_862 = arith.constant dense<0> : vector<256xi32>
    %reduce_sum3A_863 = vector.multi_reduction <add>, %convert_element_type3A_861, %reduce_sum3A_862 [1] : vector<256x2048xi32> to vector<256xi32>
    %broadcast_in_dim3A_864 = vector.shape_cast %reduce_sum3A_863 : vector<256xi32> to vector<256x1xi32>
    %iota3A_865 = tpu.iota {dimensions = array<i32: 1>} : vector<256x512xi32>
    %eq3A_866 = vector.broadcast %broadcast_in_dim3A_864 : vector<256x1xi32> to vector<256x512xi32>
    %eq3A_867 = arith.cmpi eq, %eq3A_866, %iota3A_865 : vector<256x512xi32>
    %iota3A_868 = tpu.iota {dimensions = array<i32: 0>} : vector<256x512xi32>
    %add3A_869 = arith.constant 768 : i32
    %add3A_870 = vector.broadcast %add3A_869 : i32 to vector<256x512xi32>
    %add3A_871 = arith.addi %add3A_870, %iota3A_868 : vector<256x512xi32>
    %jit3A_872 = arith.constant 0 : i32
    %broadcast_in_dim3A_873 = vector.broadcast %jit3A_872 : i32 to vector<256x512xi32>
    %select_n3A_874 = arith.select %eq3A_867, %add3A_871, %broadcast_in_dim3A_873 : vector<256x512xi1>, vector<256x512xi32>
    %reduce_sum3A_875 = arith.constant dense<0> : vector<512xi32>
    %reduce_sum3A_876 = vector.multi_reduction <add>, %select_n3A_874, %reduce_sum3A_875 [0] : vector<256x512xi32> to vector<512xi32>
    %broadcast_in_dim3A_877 = vector.shape_cast %reduce_sum3A_876 : vector<512xi32> to vector<1x512xi32>
    %add3A_878 = arith.addi %add3A_836, %broadcast_in_dim3A_877 : vector<1x512xi32>
    %jit3A_879 = arith.constant 0.000000e+00 : f32
    %broadcast_in_dim3A_880 = vector.shape_cast %slice3A_846 : vector<256x1xf32> to vector<256x1xf32>
    %broadcast_in_dim3A_881 = vector.broadcast %broadcast_in_dim3A_880 : vector<256x1xf32> to vector<256x512xf32>
    %broadcast_in_dim3A_882 = vector.broadcast %jit3A_879 : f32 to vector<256x512xf32>
    %select_n3A_883 = arith.select %eq3A_867, %broadcast_in_dim3A_881, %broadcast_in_dim3A_882 : vector<256x512xi1>, vector<256x512xf32>
    %reduce_sum3A_884 = arith.constant dense<0.000000e+00> : vector<512xf32>
    %reduce_sum3A_885 = vector.multi_reduction <add>, %select_n3A_883, %reduce_sum3A_884 [0] : vector<256x512xf32> to vector<512xf32>
    %broadcast_in_dim3A_886 = vector.shape_cast %reduce_sum3A_885 : vector<512xf32> to vector<1x512xf32>
    %add3A_887 = arith.addf %add3A_845, %broadcast_in_dim3A_886 : vector<1x512xf32>
    %slice3A_888 = vector.extract_strided_slice %slice3A_715 {offsets = [1024, 0], sizes = [256, 1], strides = [1, 1]} : vector<2048x1xf32> to vector<256x1xf32>
    %iota3A_889 = tpu.iota {dimensions = array<i32: 1>} : vector<256x2048xi32>
    %iota3A_890 = tpu.iota {dimensions = array<i32: 0>} : vector<256x2048xi32>
    %add3A_891 = arith.constant 1024 : i32
    %add3A_892 = vector.broadcast %add3A_891 : i32 to vector<256x2048xi32>
    %add3A_893 = arith.addi %add3A_892, %iota3A_890 : vector<256x2048xi32>
    %gt3A_894 = vector.broadcast %slice3A_714 : vector<1x2048xf32> to vector<256x2048xf32>
    %gt3A_895 = vector.broadcast %slice3A_888 : vector<256x1xf32> to vector<256x2048xf32>
    %gt3A_896 = arith.cmpf ogt, %gt3A_894, %gt3A_895 : vector<256x2048xf32>
    %eq3A_897 = vector.broadcast %slice3A_714 : vector<1x2048xf32> to vector<256x2048xf32>
    %eq3A_898 = vector.broadcast %slice3A_888 : vector<256x1xf32> to vector<256x2048xf32>
    %eq3A_899 = arith.cmpf oeq, %eq3A_897, %eq3A_898 : vector<256x2048xf32>
    %lt3A_900 = arith.cmpi slt, %iota3A_889, %add3A_893 : vector<256x2048xi32>
    %and3A_901 = arith.andi %eq3A_899, %lt3A_900 : vector<256x2048xi1>
    %or3A_902 = arith.ori %gt3A_896, %and3A_901 : vector<256x2048xi1>
    %convert_element_type3A_903 = arith.extui %or3A_902 : vector<256x2048xi1> to vector<256x2048xi32>
    %reduce_sum3A_904 = arith.constant dense<0> : vector<256xi32>
    %reduce_sum3A_905 = vector.multi_reduction <add>, %convert_element_type3A_903, %reduce_sum3A_904 [1] : vector<256x2048xi32> to vector<256xi32>
    %broadcast_in_dim3A_906 = vector.shape_cast %reduce_sum3A_905 : vector<256xi32> to vector<256x1xi32>
    %iota3A_907 = tpu.iota {dimensions = array<i32: 1>} : vector<256x512xi32>
    %eq3A_908 = vector.broadcast %broadcast_in_dim3A_906 : vector<256x1xi32> to vector<256x512xi32>
    %eq3A_909 = arith.cmpi eq, %eq3A_908, %iota3A_907 : vector<256x512xi32>
    %iota3A_910 = tpu.iota {dimensions = array<i32: 0>} : vector<256x512xi32>
    %add3A_911 = arith.constant 1024 : i32
    %add3A_912 = vector.broadcast %add3A_911 : i32 to vector<256x512xi32>
    %add3A_913 = arith.addi %add3A_912, %iota3A_910 : vector<256x512xi32>
    %jit3A_914 = arith.constant 0 : i32
    %broadcast_in_dim3A_915 = vector.broadcast %jit3A_914 : i32 to vector<256x512xi32>
    %select_n3A_916 = arith.select %eq3A_909, %add3A_913, %broadcast_in_dim3A_915 : vector<256x512xi1>, vector<256x512xi32>
    %reduce_sum3A_917 = arith.constant dense<0> : vector<512xi32>
    %reduce_sum3A_918 = vector.multi_reduction <add>, %select_n3A_916, %reduce_sum3A_917 [0] : vector<256x512xi32> to vector<512xi32>
    %broadcast_in_dim3A_919 = vector.shape_cast %reduce_sum3A_918 : vector<512xi32> to vector<1x512xi32>
    %add3A_920 = arith.addi %add3A_878, %broadcast_in_dim3A_919 : vector<1x512xi32>
    %jit3A_921 = arith.constant 0.000000e+00 : f32
    %broadcast_in_dim3A_922 = vector.shape_cast %slice3A_888 : vector<256x1xf32> to vector<256x1xf32>
    %broadcast_in_dim3A_923 = vector.broadcast %broadcast_in_dim3A_922 : vector<256x1xf32> to vector<256x512xf32>
    %broadcast_in_dim3A_924 = vector.broadcast %jit3A_921 : f32 to vector<256x512xf32>
    %select_n3A_925 = arith.select %eq3A_909, %broadcast_in_dim3A_923, %broadcast_in_dim3A_924 : vector<256x512xi1>, vector<256x512xf32>
    %reduce_sum3A_926 = arith.constant dense<0.000000e+00> : vector<512xf32>
    %reduce_sum3A_927 = vector.multi_reduction <add>, %select_n3A_925, %reduce_sum3A_926 [0] : vector<256x512xf32> to vector<512xf32>
    %broadcast_in_dim3A_928 = vector.shape_cast %reduce_sum3A_927 : vector<512xf32> to vector<1x512xf32>
    %add3A_929 = arith.addf %add3A_887, %broadcast_in_dim3A_928 : vector<1x512xf32>
    %slice3A_930 = vector.extract_strided_slice %slice3A_715 {offsets = [1280, 0], sizes = [256, 1], strides = [1, 1]} : vector<2048x1xf32> to vector<256x1xf32>
    %iota3A_931 = tpu.iota {dimensions = array<i32: 1>} : vector<256x2048xi32>
    %iota3A_932 = tpu.iota {dimensions = array<i32: 0>} : vector<256x2048xi32>
    %add3A_933 = arith.constant 1280 : i32
    %add3A_934 = vector.broadcast %add3A_933 : i32 to vector<256x2048xi32>
    %add3A_935 = arith.addi %add3A_934, %iota3A_932 : vector<256x2048xi32>
    %gt3A_936 = vector.broadcast %slice3A_714 : vector<1x2048xf32> to vector<256x2048xf32>
    %gt3A_937 = vector.broadcast %slice3A_930 : vector<256x1xf32> to vector<256x2048xf32>
    %gt3A_938 = arith.cmpf ogt, %gt3A_936, %gt3A_937 : vector<256x2048xf32>
    %eq3A_939 = vector.broadcast %slice3A_714 : vector<1x2048xf32> to vector<256x2048xf32>
    %eq3A_940 = vector.broadcast %slice3A_930 : vector<256x1xf32> to vector<256x2048xf32>
    %eq3A_941 = arith.cmpf oeq, %eq3A_939, %eq3A_940 : vector<256x2048xf32>
    %lt3A_942 = arith.cmpi slt, %iota3A_931, %add3A_935 : vector<256x2048xi32>
    %and3A_943 = arith.andi %eq3A_941, %lt3A_942 : vector<256x2048xi1>
    %or3A_944 = arith.ori %gt3A_938, %and3A_943 : vector<256x2048xi1>
    %convert_element_type3A_945 = arith.extui %or3A_944 : vector<256x2048xi1> to vector<256x2048xi32>
    %reduce_sum3A_946 = arith.constant dense<0> : vector<256xi32>
    %reduce_sum3A_947 = vector.multi_reduction <add>, %convert_element_type3A_945, %reduce_sum3A_946 [1] : vector<256x2048xi32> to vector<256xi32>
    %broadcast_in_dim3A_948 = vector.shape_cast %reduce_sum3A_947 : vector<256xi32> to vector<256x1xi32>
    %iota3A_949 = tpu.iota {dimensions = array<i32: 1>} : vector<256x512xi32>
    %eq3A_950 = vector.broadcast %broadcast_in_dim3A_948 : vector<256x1xi32> to vector<256x512xi32>
    %eq3A_951 = arith.cmpi eq, %eq3A_950, %iota3A_949 : vector<256x512xi32>
    %iota3A_952 = tpu.iota {dimensions = array<i32: 0>} : vector<256x512xi32>
    %add3A_953 = arith.constant 1280 : i32
    %add3A_954 = vector.broadcast %add3A_953 : i32 to vector<256x512xi32>
    %add3A_955 = arith.addi %add3A_954, %iota3A_952 : vector<256x512xi32>
    %jit3A_956 = arith.constant 0 : i32
    %broadcast_in_dim3A_957 = vector.broadcast %jit3A_956 : i32 to vector<256x512xi32>
    %select_n3A_958 = arith.select %eq3A_951, %add3A_955, %broadcast_in_dim3A_957 : vector<256x512xi1>, vector<256x512xi32>
    %reduce_sum3A_959 = arith.constant dense<0> : vector<512xi32>
    %reduce_sum3A_960 = vector.multi_reduction <add>, %select_n3A_958, %reduce_sum3A_959 [0] : vector<256x512xi32> to vector<512xi32>
    %broadcast_in_dim3A_961 = vector.shape_cast %reduce_sum3A_960 : vector<512xi32> to vector<1x512xi32>
    %add3A_962 = arith.addi %add3A_920, %broadcast_in_dim3A_961 : vector<1x512xi32>
    %jit3A_963 = arith.constant 0.000000e+00 : f32
    %broadcast_in_dim3A_964 = vector.shape_cast %slice3A_930 : vector<256x1xf32> to vector<256x1xf32>
    %broadcast_in_dim3A_965 = vector.broadcast %broadcast_in_dim3A_964 : vector<256x1xf32> to vector<256x512xf32>
    %broadcast_in_dim3A_966 = vector.broadcast %jit3A_963 : f32 to vector<256x512xf32>
    %select_n3A_967 = arith.select %eq3A_951, %broadcast_in_dim3A_965, %broadcast_in_dim3A_966 : vector<256x512xi1>, vector<256x512xf32>
    %reduce_sum3A_968 = arith.constant dense<0.000000e+00> : vector<512xf32>
    %reduce_sum3A_969 = vector.multi_reduction <add>, %select_n3A_967, %reduce_sum3A_968 [0] : vector<256x512xf32> to vector<512xf32>
    %broadcast_in_dim3A_970 = vector.shape_cast %reduce_sum3A_969 : vector<512xf32> to vector<1x512xf32>
    %add3A_971 = arith.addf %add3A_929, %broadcast_in_dim3A_970 : vector<1x512xf32>
    %slice3A_972 = vector.extract_strided_slice %slice3A_715 {offsets = [1536, 0], sizes = [256, 1], strides = [1, 1]} : vector<2048x1xf32> to vector<256x1xf32>
    %iota3A_973 = tpu.iota {dimensions = array<i32: 1>} : vector<256x2048xi32>
    %iota3A_974 = tpu.iota {dimensions = array<i32: 0>} : vector<256x2048xi32>
    %add3A_975 = arith.constant 1536 : i32
    %add3A_976 = vector.broadcast %add3A_975 : i32 to vector<256x2048xi32>
    %add3A_977 = arith.addi %add3A_976, %iota3A_974 : vector<256x2048xi32>
    %gt3A_978 = vector.broadcast %slice3A_714 : vector<1x2048xf32> to vector<256x2048xf32>
    %gt3A_979 = vector.broadcast %slice3A_972 : vector<256x1xf32> to vector<256x2048xf32>
    %gt3A_980 = arith.cmpf ogt, %gt3A_978, %gt3A_979 : vector<256x2048xf32>
    %eq3A_981 = vector.broadcast %slice3A_714 : vector<1x2048xf32> to vector<256x2048xf32>
    %eq3A_982 = vector.broadcast %slice3A_972 : vector<256x1xf32> to vector<256x2048xf32>
    %eq3A_983 = arith.cmpf oeq, %eq3A_981, %eq3A_982 : vector<256x2048xf32>
    %lt3A_984 = arith.cmpi slt, %iota3A_973, %add3A_977 : vector<256x2048xi32>
    %and3A_985 = arith.andi %eq3A_983, %lt3A_984 : vector<256x2048xi1>
    %or3A_986 = arith.ori %gt3A_980, %and3A_985 : vector<256x2048xi1>
    %convert_element_type3A_987 = arith.extui %or3A_986 : vector<256x2048xi1> to vector<256x2048xi32>
    %reduce_sum3A_988 = arith.constant dense<0> : vector<256xi32>
    %reduce_sum3A_989 = vector.multi_reduction <add>, %convert_element_type3A_987, %reduce_sum3A_988 [1] : vector<256x2048xi32> to vector<256xi32>
    %broadcast_in_dim3A_990 = vector.shape_cast %reduce_sum3A_989 : vector<256xi32> to vector<256x1xi32>
    %iota3A_991 = tpu.iota {dimensions = array<i32: 1>} : vector<256x512xi32>
    %eq3A_992 = vector.broadcast %broadcast_in_dim3A_990 : vector<256x1xi32> to vector<256x512xi32>
    %eq3A_993 = arith.cmpi eq, %eq3A_992, %iota3A_991 : vector<256x512xi32>
    %iota3A_994 = tpu.iota {dimensions = array<i32: 0>} : vector<256x512xi32>
    %add3A_995 = arith.constant 1536 : i32
    %add3A_996 = vector.broadcast %add3A_995 : i32 to vector<256x512xi32>
    %add3A_997 = arith.addi %add3A_996, %iota3A_994 : vector<256x512xi32>
    %jit3A_998 = arith.constant 0 : i32
    %broadcast_in_dim3A_999 = vector.broadcast %jit3A_998 : i32 to vector<256x512xi32>
    %select_n3A_1000 = arith.select %eq3A_993, %add3A_997, %broadcast_in_dim3A_999 : vector<256x512xi1>, vector<256x512xi32>
    %reduce_sum3A_1001 = arith.constant dense<0> : vector<512xi32>
    %reduce_sum3A_1002 = vector.multi_reduction <add>, %select_n3A_1000, %reduce_sum3A_1001 [0] : vector<256x512xi32> to vector<512xi32>
    %broadcast_in_dim3A_1003 = vector.shape_cast %reduce_sum3A_1002 : vector<512xi32> to vector<1x512xi32>
    %add3A_1004 = arith.addi %add3A_962, %broadcast_in_dim3A_1003 : vector<1x512xi32>
    %jit3A_1005 = arith.constant 0.000000e+00 : f32
    %broadcast_in_dim3A_1006 = vector.shape_cast %slice3A_972 : vector<256x1xf32> to vector<256x1xf32>
    %broadcast_in_dim3A_1007 = vector.broadcast %broadcast_in_dim3A_1006 : vector<256x1xf32> to vector<256x512xf32>
    %broadcast_in_dim3A_1008 = vector.broadcast %jit3A_1005 : f32 to vector<256x512xf32>
    %select_n3A_1009 = arith.select %eq3A_993, %broadcast_in_dim3A_1007, %broadcast_in_dim3A_1008 : vector<256x512xi1>, vector<256x512xf32>
    %reduce_sum3A_1010 = arith.constant dense<0.000000e+00> : vector<512xf32>
    %reduce_sum3A_1011 = vector.multi_reduction <add>, %select_n3A_1009, %reduce_sum3A_1010 [0] : vector<256x512xf32> to vector<512xf32>
    %broadcast_in_dim3A_1012 = vector.shape_cast %reduce_sum3A_1011 : vector<512xf32> to vector<1x512xf32>
    %add3A_1013 = arith.addf %add3A_971, %broadcast_in_dim3A_1012 : vector<1x512xf32>
    %slice3A_1014 = vector.extract_strided_slice %slice3A_715 {offsets = [1792, 0], sizes = [256, 1], strides = [1, 1]} : vector<2048x1xf32> to vector<256x1xf32>
    %iota3A_1015 = tpu.iota {dimensions = array<i32: 1>} : vector<256x2048xi32>
    %iota3A_1016 = tpu.iota {dimensions = array<i32: 0>} : vector<256x2048xi32>
    %add3A_1017 = arith.constant 1792 : i32
    %add3A_1018 = vector.broadcast %add3A_1017 : i32 to vector<256x2048xi32>
    %add3A_1019 = arith.addi %add3A_1018, %iota3A_1016 : vector<256x2048xi32>
    %gt3A_1020 = vector.broadcast %slice3A_714 : vector<1x2048xf32> to vector<256x2048xf32>
    %gt3A_1021 = vector.broadcast %slice3A_1014 : vector<256x1xf32> to vector<256x2048xf32>
    %gt3A_1022 = arith.cmpf ogt, %gt3A_1020, %gt3A_1021 : vector<256x2048xf32>
    %eq3A_1023 = vector.broadcast %slice3A_714 : vector<1x2048xf32> to vector<256x2048xf32>
    %eq3A_1024 = vector.broadcast %slice3A_1014 : vector<256x1xf32> to vector<256x2048xf32>
    %eq3A_1025 = arith.cmpf oeq, %eq3A_1023, %eq3A_1024 : vector<256x2048xf32>
    %lt3A_1026 = arith.cmpi slt, %iota3A_1015, %add3A_1019 : vector<256x2048xi32>
    %and3A_1027 = arith.andi %eq3A_1025, %lt3A_1026 : vector<256x2048xi1>
    %or3A_1028 = arith.ori %gt3A_1022, %and3A_1027 : vector<256x2048xi1>
    %convert_element_type3A_1029 = arith.extui %or3A_1028 : vector<256x2048xi1> to vector<256x2048xi32>
    %reduce_sum3A_1030 = arith.constant dense<0> : vector<256xi32>
    %reduce_sum3A_1031 = vector.multi_reduction <add>, %convert_element_type3A_1029, %reduce_sum3A_1030 [1] : vector<256x2048xi32> to vector<256xi32>
    %broadcast_in_dim3A_1032 = vector.shape_cast %reduce_sum3A_1031 : vector<256xi32> to vector<256x1xi32>
    %iota3A_1033 = tpu.iota {dimensions = array<i32: 1>} : vector<256x512xi32>
    %eq3A_1034 = vector.broadcast %broadcast_in_dim3A_1032 : vector<256x1xi32> to vector<256x512xi32>
    %eq3A_1035 = arith.cmpi eq, %eq3A_1034, %iota3A_1033 : vector<256x512xi32>
    %iota3A_1036 = tpu.iota {dimensions = array<i32: 0>} : vector<256x512xi32>
    %add3A_1037 = arith.constant 1792 : i32
    %add3A_1038 = vector.broadcast %add3A_1037 : i32 to vector<256x512xi32>
    %add3A_1039 = arith.addi %add3A_1038, %iota3A_1036 : vector<256x512xi32>
    %jit3A_1040 = arith.constant 0 : i32
    %broadcast_in_dim3A_1041 = vector.broadcast %jit3A_1040 : i32 to vector<256x512xi32>
    %select_n3A_1042 = arith.select %eq3A_1035, %add3A_1039, %broadcast_in_dim3A_1041 : vector<256x512xi1>, vector<256x512xi32>
    %reduce_sum3A_1043 = arith.constant dense<0> : vector<512xi32>
    %reduce_sum3A_1044 = vector.multi_reduction <add>, %select_n3A_1042, %reduce_sum3A_1043 [0] : vector<256x512xi32> to vector<512xi32>
    %broadcast_in_dim3A_1045 = vector.shape_cast %reduce_sum3A_1044 : vector<512xi32> to vector<1x512xi32>
    %add3A_1046 = arith.addi %add3A_1004, %broadcast_in_dim3A_1045 : vector<1x512xi32>
    %jit3A_1047 = arith.constant 0.000000e+00 : f32
    %broadcast_in_dim3A_1048 = vector.shape_cast %slice3A_1014 : vector<256x1xf32> to vector<256x1xf32>
    %broadcast_in_dim3A_1049 = vector.broadcast %broadcast_in_dim3A_1048 : vector<256x1xf32> to vector<256x512xf32>
    %broadcast_in_dim3A_1050 = vector.broadcast %jit3A_1047 : f32 to vector<256x512xf32>
    %select_n3A_1051 = arith.select %eq3A_1035, %broadcast_in_dim3A_1049, %broadcast_in_dim3A_1050 : vector<256x512xi1>, vector<256x512xf32>
    %reduce_sum3A_1052 = arith.constant dense<0.000000e+00> : vector<512xf32>
    %reduce_sum3A_1053 = vector.multi_reduction <add>, %select_n3A_1051, %reduce_sum3A_1052 [0] : vector<256x512xf32> to vector<512xf32>
    %broadcast_in_dim3A_1054 = vector.shape_cast %reduce_sum3A_1053 : vector<512xf32> to vector<1x512xf32>
    %add3A_1055 = arith.addf %add3A_1013, %broadcast_in_dim3A_1054 : vector<1x512xf32>
    %swap3A_1056 = arith.constant 0 : index
    %swap3A_1057 = arith.constant 0 : index
    %swap3A_1058 = arith.constant 1024 : index
    %swap3A_1059 = vector.load %arg4[%swap3A_1056, %swap3A_1057, %swap3A_1058] : memref<1x1x4096xi32, #tpu.memory_space<vmem>>, vector<1x1x512xi32>
    %swap3A_1060 = vector.shape_cast %swap3A_1059 : vector<1x1x512xi32> to vector<1x512xi32>
    %swap3A_1061 = vector.shape_cast %add3A_1046 : vector<1x512xi32> to vector<1x1x512xi32>
    tpu.vector_store %arg4[%swap3A_1056, %swap3A_1057, %swap3A_1058], %swap3A_1061 {strides = array<i32>} : memref<1x1x4096xi32, #tpu.memory_space<vmem>>, vector<1x1x512xi32>,
    %swap3A_1062 = arith.constant 0 : index
    %swap3A_1063 = arith.constant 0 : index
    %swap3A_1064 = arith.constant 1024 : index
    %swap3A_1065 = vector.load %arg5[%swap3A_1062, %swap3A_1063, %swap3A_1064] : memref<1x1x4096xf32, #tpu.memory_space<vmem>>, vector<1x1x512xf32>
    %swap3A_1066 = vector.shape_cast %swap3A_1065 : vector<1x1x512xf32> to vector<1x512xf32>
    %swap3A_1067 = vector.shape_cast %add3A_1055 : vector<1x512xf32> to vector<1x1x512xf32>
    tpu.vector_store %arg5[%swap3A_1062, %swap3A_1063, %swap3A_1064], %swap3A_1067 {strides = array<i32>} : memref<1x1x4096xf32, #tpu.memory_space<vmem>>, vector<1x1x512xf32>,
    %slice3A_1068 = vector.extract_strided_slice %div3A_17 {offsets = [3, 0], sizes = [1, 2048], strides = [1, 1]} : vector<8x2048xf32> to vector<1x2048xf32>
    %slice3A_1069 = vector.extract_strided_slice %transpose3A {offsets = [0, 3], sizes = [2048, 1], strides = [1, 1]} : vector<2048x8xf32> to vector<2048x1xf32>
    %broadcast_in_dim3A_1070 = arith.constant 0 : i32
    %broadcast_in_dim3A_1071 = vector.broadcast %broadcast_in_dim3A_1070 : i32 to vector<1x512xi32>
    %broadcast_in_dim3A_1072 = arith.constant 0.000000e+00 : f32
    %broadcast_in_dim3A_1073 = vector.broadcast %broadcast_in_dim3A_1072 : f32 to vector<1x512xf32>
    %slice3A_1074 = vector.extract_strided_slice %slice3A_1069 {offsets = [0, 0], sizes = [256, 1], strides = [1, 1]} : vector<2048x1xf32> to vector<256x1xf32>
    %iota3A_1075 = tpu.iota {dimensions = array<i32: 1>} : vector<256x2048xi32>
    %iota3A_1076 = tpu.iota {dimensions = array<i32: 0>} : vector<256x2048xi32>
    %add3A_1077 = arith.constant 0 : i32
    %add3A_1078 = vector.broadcast %add3A_1077 : i32 to vector<256x2048xi32>
    %add3A_1079 = arith.addi %add3A_1078, %iota3A_1076 : vector<256x2048xi32>
    %gt3A_1080 = vector.broadcast %slice3A_1068 : vector<1x2048xf32> to vector<256x2048xf32>
    %gt3A_1081 = vector.broadcast %slice3A_1074 : vector<256x1xf32> to vector<256x2048xf32>
    %gt3A_1082 = arith.cmpf ogt, %gt3A_1080, %gt3A_1081 : vector<256x2048xf32>
    %eq3A_1083 = vector.broadcast %slice3A_1068 : vector<1x2048xf32> to vector<256x2048xf32>
    %eq3A_1084 = vector.broadcast %slice3A_1074 : vector<256x1xf32> to vector<256x2048xf32>
    %eq3A_1085 = arith.cmpf oeq, %eq3A_1083, %eq3A_1084 : vector<256x2048xf32>
    %lt3A_1086 = arith.cmpi slt, %iota3A_1075, %add3A_1079 : vector<256x2048xi32>
    %and3A_1087 = arith.andi %eq3A_1085, %lt3A_1086 : vector<256x2048xi1>
    %or3A_1088 = arith.ori %gt3A_1082, %and3A_1087 : vector<256x2048xi1>
    %convert_element_type3A_1089 = arith.extui %or3A_1088 : vector<256x2048xi1> to vector<256x2048xi32>
    %reduce_sum3A_1090 = arith.constant dense<0> : vector<256xi32>
    %reduce_sum3A_1091 = vector.multi_reduction <add>, %convert_element_type3A_1089, %reduce_sum3A_1090 [1] : vector<256x2048xi32> to vector<256xi32>
    %broadcast_in_dim3A_1092 = vector.shape_cast %reduce_sum3A_1091 : vector<256xi32> to vector<256x1xi32>
    %iota3A_1093 = tpu.iota {dimensions = array<i32: 1>} : vector<256x512xi32>
    %eq3A_1094 = vector.broadcast %broadcast_in_dim3A_1092 : vector<256x1xi32> to vector<256x512xi32>
    %eq3A_1095 = arith.cmpi eq, %eq3A_1094, %iota3A_1093 : vector<256x512xi32>
    %iota3A_1096 = tpu.iota {dimensions = array<i32: 0>} : vector<256x512xi32>
    %add3A_1097 = arith.constant 0 : i32
    %add3A_1098 = vector.broadcast %add3A_1097 : i32 to vector<256x512xi32>
    %add3A_1099 = arith.addi %add3A_1098, %iota3A_1096 : vector<256x512xi32>
    %jit3A_1100 = arith.constant 0 : i32
    %broadcast_in_dim3A_1101 = vector.broadcast %jit3A_1100 : i32 to vector<256x512xi32>
    %select_n3A_1102 = arith.select %eq3A_1095, %add3A_1099, %broadcast_in_dim3A_1101 : vector<256x512xi1>, vector<256x512xi32>
    %reduce_sum3A_1103 = arith.constant dense<0> : vector<512xi32>
    %reduce_sum3A_1104 = vector.multi_reduction <add>, %select_n3A_1102, %reduce_sum3A_1103 [0] : vector<256x512xi32> to vector<512xi32>
    %broadcast_in_dim3A_1105 = vector.shape_cast %reduce_sum3A_1104 : vector<512xi32> to vector<1x512xi32>
    %add3A_1106 = arith.addi %broadcast_in_dim3A_1071, %broadcast_in_dim3A_1105 : vector<1x512xi32>
    %jit3A_1107 = arith.constant 0.000000e+00 : f32
    %broadcast_in_dim3A_1108 = vector.shape_cast %slice3A_1074 : vector<256x1xf32> to vector<256x1xf32>
    %broadcast_in_dim3A_1109 = vector.broadcast %broadcast_in_dim3A_1108 : vector<256x1xf32> to vector<256x512xf32>
    %broadcast_in_dim3A_1110 = vector.broadcast %jit3A_1107 : f32 to vector<256x512xf32>
    %select_n3A_1111 = arith.select %eq3A_1095, %broadcast_in_dim3A_1109, %broadcast_in_dim3A_1110 : vector<256x512xi1>, vector<256x512xf32>
    %reduce_sum3A_1112 = arith.constant dense<0.000000e+00> : vector<512xf32>
    %reduce_sum3A_1113 = vector.multi_reduction <add>, %select_n3A_1111, %reduce_sum3A_1112 [0] : vector<256x512xf32> to vector<512xf32>
    %broadcast_in_dim3A_1114 = vector.shape_cast %reduce_sum3A_1113 : vector<512xf32> to vector<1x512xf32>
    %add3A_1115 = arith.addf %broadcast_in_dim3A_1073, %broadcast_in_dim3A_1114 : vector<1x512xf32>
    %slice3A_1116 = vector.extract_strided_slice %slice3A_1069 {offsets = [256, 0], sizes = [256, 1], strides = [1, 1]} : vector<2048x1xf32> to vector<256x1xf32>
    %iota3A_1117 = tpu.iota {dimensions = array<i32: 1>} : vector<256x2048xi32>
    %iota3A_1118 = tpu.iota {dimensions = array<i32: 0>} : vector<256x2048xi32>
    %add3A_1119 = arith.constant 256 : i32
    %add3A_1120 = vector.broadcast %add3A_1119 : i32 to vector<256x2048xi32>
    %add3A_1121 = arith.addi %add3A_1120, %iota3A_1118 : vector<256x2048xi32>
    %gt3A_1122 = vector.broadcast %slice3A_1068 : vector<1x2048xf32> to vector<256x2048xf32>
    %gt3A_1123 = vector.broadcast %slice3A_1116 : vector<256x1xf32> to vector<256x2048xf32>
    %gt3A_1124 = arith.cmpf ogt, %gt3A_1122, %gt3A_1123 : vector<256x2048xf32>
    %eq3A_1125 = vector.broadcast %slice3A_1068 : vector<1x2048xf32> to vector<256x2048xf32>
    %eq3A_1126 = vector.broadcast %slice3A_1116 : vector<256x1xf32> to vector<256x2048xf32>
    %eq3A_1127 = arith.cmpf oeq, %eq3A_1125, %eq3A_1126 : vector<256x2048xf32>
    %lt3A_1128 = arith.cmpi slt, %iota3A_1117, %add3A_1121 : vector<256x2048xi32>
    %and3A_1129 = arith.andi %eq3A_1127, %lt3A_1128 : vector<256x2048xi1>
    %or3A_1130 = arith.ori %gt3A_1124, %and3A_1129 : vector<256x2048xi1>
    %convert_element_type3A_1131 = arith.extui %or3A_1130 : vector<256x2048xi1> to vector<256x2048xi32>
    %reduce_sum3A_1132 = arith.constant dense<0> : vector<256xi32>
    %reduce_sum3A_1133 = vector.multi_reduction <add>, %convert_element_type3A_1131, %reduce_sum3A_1132 [1] : vector<256x2048xi32> to vector<256xi32>
    %broadcast_in_dim3A_1134 = vector.shape_cast %reduce_sum3A_1133 : vector<256xi32> to vector<256x1xi32>
    %iota3A_1135 = tpu.iota {dimensions = array<i32: 1>} : vector<256x512xi32>
    %eq3A_1136 = vector.broadcast %broadcast_in_dim3A_1134 : vector<256x1xi32> to vector<256x512xi32>
    %eq3A_1137 = arith.cmpi eq, %eq3A_1136, %iota3A_1135 : vector<256x512xi32>
    %iota3A_1138 = tpu.iota {dimensions = array<i32: 0>} : vector<256x512xi32>
    %add3A_1139 = arith.constant 256 : i32
    %add3A_1140 = vector.broadcast %add3A_1139 : i32 to vector<256x512xi32>
    %add3A_1141 = arith.addi %add3A_1140, %iota3A_1138 : vector<256x512xi32>
    %jit3A_1142 = arith.constant 0 : i32
    %broadcast_in_dim3A_1143 = vector.broadcast %jit3A_1142 : i32 to vector<256x512xi32>
    %select_n3A_1144 = arith.select %eq3A_1137, %add3A_1141, %broadcast_in_dim3A_1143 : vector<256x512xi1>, vector<256x512xi32>
    %reduce_sum3A_1145 = arith.constant dense<0> : vector<512xi32>
    %reduce_sum3A_1146 = vector.multi_reduction <add>, %select_n3A_1144, %reduce_sum3A_1145 [0] : vector<256x512xi32> to vector<512xi32>
    %broadcast_in_dim3A_1147 = vector.shape_cast %reduce_sum3A_1146 : vector<512xi32> to vector<1x512xi32>
    %add3A_1148 = arith.addi %add3A_1106, %broadcast_in_dim3A_1147 : vector<1x512xi32>
    %jit3A_1149 = arith.constant 0.000000e+00 : f32
    %broadcast_in_dim3A_1150 = vector.shape_cast %slice3A_1116 : vector<256x1xf32> to vector<256x1xf32>
    %broadcast_in_dim3A_1151 = vector.broadcast %broadcast_in_dim3A_1150 : vector<256x1xf32> to vector<256x512xf32>
    %broadcast_in_dim3A_1152 = vector.broadcast %jit3A_1149 : f32 to vector<256x512xf32>
    %select_n3A_1153 = arith.select %eq3A_1137, %broadcast_in_dim3A_1151, %broadcast_in_dim3A_1152 : vector<256x512xi1>, vector<256x512xf32>
    %reduce_sum3A_1154 = arith.constant dense<0.000000e+00> : vector<512xf32>
    %reduce_sum3A_1155 = vector.multi_reduction <add>, %select_n3A_1153, %reduce_sum3A_1154 [0] : vector<256x512xf32> to vector<512xf32>
    %broadcast_in_dim3A_1156 = vector.shape_cast %reduce_sum3A_1155 : vector<512xf32> to vector<1x512xf32>
    %add3A_1157 = arith.addf %add3A_1115, %broadcast_in_dim3A_1156 : vector<1x512xf32>
    %slice3A_1158 = vector.extract_strided_slice %slice3A_1069 {offsets = [512, 0], sizes = [256, 1], strides = [1, 1]} : vector<2048x1xf32> to vector<256x1xf32>
    %iota3A_1159 = tpu.iota {dimensions = array<i32: 1>} : vector<256x2048xi32>
    %iota3A_1160 = tpu.iota {dimensions = array<i32: 0>} : vector<256x2048xi32>
    %add3A_1161 = arith.constant 512 : i32
    %add3A_1162 = vector.broadcast %add3A_1161 : i32 to vector<256x2048xi32>
    %add3A_1163 = arith.addi %add3A_1162, %iota3A_1160 : vector<256x2048xi32>
    %gt3A_1164 = vector.broadcast %slice3A_1068 : vector<1x2048xf32> to vector<256x2048xf32>
    %gt3A_1165 = vector.broadcast %slice3A_1158 : vector<256x1xf32> to vector<256x2048xf32>
    %gt3A_1166 = arith.cmpf ogt, %gt3A_1164, %gt3A_1165 : vector<256x2048xf32>
    %eq3A_1167 = vector.broadcast %slice3A_1068 : vector<1x2048xf32> to vector<256x2048xf32>
    %eq3A_1168 = vector.broadcast %slice3A_1158 : vector<256x1xf32> to vector<256x2048xf32>
    %eq3A_1169 = arith.cmpf oeq, %eq3A_1167, %eq3A_1168 : vector<256x2048xf32>
    %lt3A_1170 = arith.cmpi slt, %iota3A_1159, %add3A_1163 : vector<256x2048xi32>
    %and3A_1171 = arith.andi %eq3A_1169, %lt3A_1170 : vector<256x2048xi1>
    %or3A_1172 = arith.ori %gt3A_1166, %and3A_1171 : vector<256x2048xi1>
    %convert_element_type3A_1173 = arith.extui %or3A_1172 : vector<256x2048xi1> to vector<256x2048xi32>
    %reduce_sum3A_1174 = arith.constant dense<0> : vector<256xi32>
    %reduce_sum3A_1175 = vector.multi_reduction <add>, %convert_element_type3A_1173, %reduce_sum3A_1174 [1] : vector<256x2048xi32> to vector<256xi32>
    %broadcast_in_dim3A_1176 = vector.shape_cast %reduce_sum3A_1175 : vector<256xi32> to vector<256x1xi32>
    %iota3A_1177 = tpu.iota {dimensions = array<i32: 1>} : vector<256x512xi32>
    %eq3A_1178 = vector.broadcast %broadcast_in_dim3A_1176 : vector<256x1xi32> to vector<256x512xi32>
    %eq3A_1179 = arith.cmpi eq, %eq3A_1178, %iota3A_1177 : vector<256x512xi32>
    %iota3A_1180 = tpu.iota {dimensions = array<i32: 0>} : vector<256x512xi32>
    %add3A_1181 = arith.constant 512 : i32
    %add3A_1182 = vector.broadcast %add3A_1181 : i32 to vector<256x512xi32>
    %add3A_1183 = arith.addi %add3A_1182, %iota3A_1180 : vector<256x512xi32>
    %jit3A_1184 = arith.constant 0 : i32
    %broadcast_in_dim3A_1185 = vector.broadcast %jit3A_1184 : i32 to vector<256x512xi32>
    %select_n3A_1186 = arith.select %eq3A_1179, %add3A_1183, %broadcast_in_dim3A_1185 : vector<256x512xi1>, vector<256x512xi32>
    %reduce_sum3A_1187 = arith.constant dense<0> : vector<512xi32>
    %reduce_sum3A_1188 = vector.multi_reduction <add>, %select_n3A_1186, %reduce_sum3A_1187 [0] : vector<256x512xi32> to vector<512xi32>
    %broadcast_in_dim3A_1189 = vector.shape_cast %reduce_sum3A_1188 : vector<512xi32> to vector<1x512xi32>
    %add3A_1190 = arith.addi %add3A_1148, %broadcast_in_dim3A_1189 : vector<1x512xi32>
    %jit3A_1191 = arith.constant 0.000000e+00 : f32
    %broadcast_in_dim3A_1192 = vector.shape_cast %slice3A_1158 : vector<256x1xf32> to vector<256x1xf32>
    %broadcast_in_dim3A_1193 = vector.broadcast %broadcast_in_dim3A_1192 : vector<256x1xf32> to vector<256x512xf32>
    %broadcast_in_dim3A_1194 = vector.broadcast %jit3A_1191 : f32 to vector<256x512xf32>
    %select_n3A_1195 = arith.select %eq3A_1179, %broadcast_in_dim3A_1193, %broadcast_in_dim3A_1194 : vector<256x512xi1>, vector<256x512xf32>
    %reduce_sum3A_1196 = arith.constant dense<0.000000e+00> : vector<512xf32>
    %reduce_sum3A_1197 = vector.multi_reduction <add>, %select_n3A_1195, %reduce_sum3A_1196 [0] : vector<256x512xf32> to vector<512xf32>
    %broadcast_in_dim3A_1198 = vector.shape_cast %reduce_sum3A_1197 : vector<512xf32> to vector<1x512xf32>
    %add3A_1199 = arith.addf %add3A_1157, %broadcast_in_dim3A_1198 : vector<1x512xf32>
    %slice3A_1200 = vector.extract_strided_slice %slice3A_1069 {offsets = [768, 0], sizes = [256, 1], strides = [1, 1]} : vector<2048x1xf32> to vector<256x1xf32>
    %iota3A_1201 = tpu.iota {dimensions = array<i32: 1>} : vector<256x2048xi32>
    %iota3A_1202 = tpu.iota {dimensions = array<i32: 0>} : vector<256x2048xi32>
    %add3A_1203 = arith.constant 768 : i32
    %add3A_1204 = vector.broadcast %add3A_1203 : i32 to vector<256x2048xi32>
    %add3A_1205 = arith.addi %add3A_1204, %iota3A_1202 : vector<256x2048xi32>
    %gt3A_1206 = vector.broadcast %slice3A_1068 : vector<1x2048xf32> to vector<256x2048xf32>
    %gt3A_1207 = vector.broadcast %slice3A_1200 : vector<256x1xf32> to vector<256x2048xf32>
    %gt3A_1208 = arith.cmpf ogt, %gt3A_1206, %gt3A_1207 : vector<256x2048xf32>
    %eq3A_1209 = vector.broadcast %slice3A_1068 : vector<1x2048xf32> to vector<256x2048xf32>
    %eq3A_1210 = vector.broadcast %slice3A_1200 : vector<256x1xf32> to vector<256x2048xf32>
    %eq3A_1211 = arith.cmpf oeq, %eq3A_1209, %eq3A_1210 : vector<256x2048xf32>
    %lt3A_1212 = arith.cmpi slt, %iota3A_1201, %add3A_1205 : vector<256x2048xi32>
    %and3A_1213 = arith.andi %eq3A_1211, %lt3A_1212 : vector<256x2048xi1>
    %or3A_1214 = arith.ori %gt3A_1208, %and3A_1213 : vector<256x2048xi1>
    %convert_element_type3A_1215 = arith.extui %or3A_1214 : vector<256x2048xi1> to vector<256x2048xi32>
    %reduce_sum3A_1216 = arith.constant dense<0> : vector<256xi32>
    %reduce_sum3A_1217 = vector.multi_reduction <add>, %convert_element_type3A_1215, %reduce_sum3A_1216 [1] : vector<256x2048xi32> to vector<256xi32>
    %broadcast_in_dim3A_1218 = vector.shape_cast %reduce_sum3A_1217 : vector<256xi32> to vector<256x1xi32>
    %iota3A_1219 = tpu.iota {dimensions = array<i32: 1>} : vector<256x512xi32>
    %eq3A_1220 = vector.broadcast %broadcast_in_dim3A_1218 : vector<256x1xi32> to vector<256x512xi32>
    %eq3A_1221 = arith.cmpi eq, %eq3A_1220, %iota3A_1219 : vector<256x512xi32>
    %iota3A_1222 = tpu.iota {dimensions = array<i32: 0>} : vector<256x512xi32>
    %add3A_1223 = arith.constant 768 : i32
    %add3A_1224 = vector.broadcast %add3A_1223 : i32 to vector<256x512xi32>
    %add3A_1225 = arith.addi %add3A_1224, %iota3A_1222 : vector<256x512xi32>
    %jit3A_1226 = arith.constant 0 : i32
    %broadcast_in_dim3A_1227 = vector.broadcast %jit3A_1226 : i32 to vector<256x512xi32>
    %select_n3A_1228 = arith.select %eq3A_1221, %add3A_1225, %broadcast_in_dim3A_1227 : vector<256x512xi1>, vector<256x512xi32>
    %reduce_sum3A_1229 = arith.constant dense<0> : vector<512xi32>
    %reduce_sum3A_1230 = vector.multi_reduction <add>, %select_n3A_1228, %reduce_sum3A_1229 [0] : vector<256x512xi32> to vector<512xi32>
    %broadcast_in_dim3A_1231 = vector.shape_cast %reduce_sum3A_1230 : vector<512xi32> to vector<1x512xi32>
    %add3A_1232 = arith.addi %add3A_1190, %broadcast_in_dim3A_1231 : vector<1x512xi32>
    %jit3A_1233 = arith.constant 0.000000e+00 : f32
    %broadcast_in_dim3A_1234 = vector.shape_cast %slice3A_1200 : vector<256x1xf32> to vector<256x1xf32>
    %broadcast_in_dim3A_1235 = vector.broadcast %broadcast_in_dim3A_1234 : vector<256x1xf32> to vector<256x512xf32>
    %broadcast_in_dim3A_1236 = vector.broadcast %jit3A_1233 : f32 to vector<256x512xf32>
    %select_n3A_1237 = arith.select %eq3A_1221, %broadcast_in_dim3A_1235, %broadcast_in_dim3A_1236 : vector<256x512xi1>, vector<256x512xf32>
    %reduce_sum3A_1238 = arith.constant dense<0.000000e+00> : vector<512xf32>
    %reduce_sum3A_1239 = vector.multi_reduction <add>, %select_n3A_1237, %reduce_sum3A_1238 [0] : vector<256x512xf32> to vector<512xf32>
    %broadcast_in_dim3A_1240 = vector.shape_cast %reduce_sum3A_1239 : vector<512xf32> to vector<1x512xf32>
    %add3A_1241 = arith.addf %add3A_1199, %broadcast_in_dim3A_1240 : vector<1x512xf32>
    %slice3A_1242 = vector.extract_strided_slice %slice3A_1069 {offsets = [1024, 0], sizes = [256, 1], strides = [1, 1]} : vector<2048x1xf32> to vector<256x1xf32>
    %iota3A_1243 = tpu.iota {dimensions = array<i32: 1>} : vector<256x2048xi32>
    %iota3A_1244 = tpu.iota {dimensions = array<i32: 0>} : vector<256x2048xi32>
    %add3A_1245 = arith.constant 1024 : i32
    %add3A_1246 = vector.broadcast %add3A_1245 : i32 to vector<256x2048xi32>
    %add3A_1247 = arith.addi %add3A_1246, %iota3A_1244 : vector<256x2048xi32>
    %gt3A_1248 = vector.broadcast %slice3A_1068 : vector<1x2048xf32> to vector<256x2048xf32>
    %gt3A_1249 = vector.broadcast %slice3A_1242 : vector<256x1xf32> to vector<256x2048xf32>
    %gt3A_1250 = arith.cmpf ogt, %gt3A_1248, %gt3A_1249 : vector<256x2048xf32>
    %eq3A_1251 = vector.broadcast %slice3A_1068 : vector<1x2048xf32> to vector<256x2048xf32>
    %eq3A_1252 = vector.broadcast %slice3A_1242 : vector<256x1xf32> to vector<256x2048xf32>
    %eq3A_1253 = arith.cmpf oeq, %eq3A_1251, %eq3A_1252 : vector<256x2048xf32>
    %lt3A_1254 = arith.cmpi slt, %iota3A_1243, %add3A_1247 : vector<256x2048xi32>
    %and3A_1255 = arith.andi %eq3A_1253, %lt3A_1254 : vector<256x2048xi1>
    %or3A_1256 = arith.ori %gt3A_1250, %and3A_1255 : vector<256x2048xi1>
    %convert_element_type3A_1257 = arith.extui %or3A_1256 : vector<256x2048xi1> to vector<256x2048xi32>
    %reduce_sum3A_1258 = arith.constant dense<0> : vector<256xi32>
    %reduce_sum3A_1259 = vector.multi_reduction <add>, %convert_element_type3A_1257, %reduce_sum3A_1258 [1] : vector<256x2048xi32> to vector<256xi32>
    %broadcast_in_dim3A_1260 = vector.shape_cast %reduce_sum3A_1259 : vector<256xi32> to vector<256x1xi32>
    %iota3A_1261 = tpu.iota {dimensions = array<i32: 1>} : vector<256x512xi32>
    %eq3A_1262 = vector.broadcast %broadcast_in_dim3A_1260 : vector<256x1xi32> to vector<256x512xi32>
    %eq3A_1263 = arith.cmpi eq, %eq3A_1262, %iota3A_1261 : vector<256x512xi32>
    %iota3A_1264 = tpu.iota {dimensions = array<i32: 0>} : vector<256x512xi32>
    %add3A_1265 = arith.constant 1024 : i32
    %add3A_1266 = vector.broadcast %add3A_1265 : i32 to vector<256x512xi32>
    %add3A_1267 = arith.addi %add3A_1266, %iota3A_1264 : vector<256x512xi32>
    %jit3A_1268 = arith.constant 0 : i32
    %broadcast_in_dim3A_1269 = vector.broadcast %jit3A_1268 : i32 to vector<256x512xi32>
    %select_n3A_1270 = arith.select %eq3A_1263, %add3A_1267, %broadcast_in_dim3A_1269 : vector<256x512xi1>, vector<256x512xi32>
    %reduce_sum3A_1271 = arith.constant dense<0> : vector<512xi32>
    %reduce_sum3A_1272 = vector.multi_reduction <add>, %select_n3A_1270, %reduce_sum3A_1271 [0] : vector<256x512xi32> to vector<512xi32>
    %broadcast_in_dim3A_1273 = vector.shape_cast %reduce_sum3A_1272 : vector<512xi32> to vector<1x512xi32>
    %add3A_1274 = arith.addi %add3A_1232, %broadcast_in_dim3A_1273 : vector<1x512xi32>
    %jit3A_1275 = arith.constant 0.000000e+00 : f32
    %broadcast_in_dim3A_1276 = vector.shape_cast %slice3A_1242 : vector<256x1xf32> to vector<256x1xf32>
    %broadcast_in_dim3A_1277 = vector.broadcast %broadcast_in_dim3A_1276 : vector<256x1xf32> to vector<256x512xf32>
    %broadcast_in_dim3A_1278 = vector.broadcast %jit3A_1275 : f32 to vector<256x512xf32>
    %select_n3A_1279 = arith.select %eq3A_1263, %broadcast_in_dim3A_1277, %broadcast_in_dim3A_1278 : vector<256x512xi1>, vector<256x512xf32>
    %reduce_sum3A_1280 = arith.constant dense<0.000000e+00> : vector<512xf32>
    %reduce_sum3A_1281 = vector.multi_reduction <add>, %select_n3A_1279, %reduce_sum3A_1280 [0] : vector<256x512xf32> to vector<512xf32>
    %broadcast_in_dim3A_1282 = vector.shape_cast %reduce_sum3A_1281 : vector<512xf32> to vector<1x512xf32>
    %add3A_1283 = arith.addf %add3A_1241, %broadcast_in_dim3A_1282 : vector<1x512xf32>
    %slice3A_1284 = vector.extract_strided_slice %slice3A_1069 {offsets = [1280, 0], sizes = [256, 1], strides = [1, 1]} : vector<2048x1xf32> to vector<256x1xf32>
    %iota3A_1285 = tpu.iota {dimensions = array<i32: 1>} : vector<256x2048xi32>
    %iota3A_1286 = tpu.iota {dimensions = array<i32: 0>} : vector<256x2048xi32>
    %add3A_1287 = arith.constant 1280 : i32
    %add3A_1288 = vector.broadcast %add3A_1287 : i32 to vector<256x2048xi32>
    %add3A_1289 = arith.addi %add3A_1288, %iota3A_1286 : vector<256x2048xi32>
    %gt3A_1290 = vector.broadcast %slice3A_1068 : vector<1x2048xf32> to vector<256x2048xf32>
    %gt3A_1291 = vector.broadcast %slice3A_1284 : vector<256x1xf32> to vector<256x2048xf32>
    %gt3A_1292 = arith.cmpf ogt, %gt3A_1290, %gt3A_1291 : vector<256x2048xf32>
    %eq3A_1293 = vector.broadcast %slice3A_1068 : vector<1x2048xf32> to vector<256x2048xf32>
    %eq3A_1294 = vector.broadcast %slice3A_1284 : vector<256x1xf32> to vector<256x2048xf32>
    %eq3A_1295 = arith.cmpf oeq, %eq3A_1293, %eq3A_1294 : vector<256x2048xf32>
    %lt3A_1296 = arith.cmpi slt, %iota3A_1285, %add3A_1289 : vector<256x2048xi32>
    %and3A_1297 = arith.andi %eq3A_1295, %lt3A_1296 : vector<256x2048xi1>
    %or3A_1298 = arith.ori %gt3A_1292, %and3A_1297 : vector<256x2048xi1>
    %convert_element_type3A_1299 = arith.extui %or3A_1298 : vector<256x2048xi1> to vector<256x2048xi32>
    %reduce_sum3A_1300 = arith.constant dense<0> : vector<256xi32>
    %reduce_sum3A_1301 = vector.multi_reduction <add>, %convert_element_type3A_1299, %reduce_sum3A_1300 [1] : vector<256x2048xi32> to vector<256xi32>
    %broadcast_in_dim3A_1302 = vector.shape_cast %reduce_sum3A_1301 : vector<256xi32> to vector<256x1xi32>
    %iota3A_1303 = tpu.iota {dimensions = array<i32: 1>} : vector<256x512xi32>
    %eq3A_1304 = vector.broadcast %broadcast_in_dim3A_1302 : vector<256x1xi32> to vector<256x512xi32>
    %eq3A_1305 = arith.cmpi eq, %eq3A_1304, %iota3A_1303 : vector<256x512xi32>
    %iota3A_1306 = tpu.iota {dimensions = array<i32: 0>} : vector<256x512xi32>
    %add3A_1307 = arith.constant 1280 : i32
    %add3A_1308 = vector.broadcast %add3A_1307 : i32 to vector<256x512xi32>
    %add3A_1309 = arith.addi %add3A_1308, %iota3A_1306 : vector<256x512xi32>
    %jit3A_1310 = arith.constant 0 : i32
    %broadcast_in_dim3A_1311 = vector.broadcast %jit3A_1310 : i32 to vector<256x512xi32>
    %select_n3A_1312 = arith.select %eq3A_1305, %add3A_1309, %broadcast_in_dim3A_1311 : vector<256x512xi1>, vector<256x512xi32>
    %reduce_sum3A_1313 = arith.constant dense<0> : vector<512xi32>
    %reduce_sum3A_1314 = vector.multi_reduction <add>, %select_n3A_1312, %reduce_sum3A_1313 [0] : vector<256x512xi32> to vector<512xi32>
    %broadcast_in_dim3A_1315 = vector.shape_cast %reduce_sum3A_1314 : vector<512xi32> to vector<1x512xi32>
    %add3A_1316 = arith.addi %add3A_1274, %broadcast_in_dim3A_1315 : vector<1x512xi32>
    %jit3A_1317 = arith.constant 0.000000e+00 : f32
    %broadcast_in_dim3A_1318 = vector.shape_cast %slice3A_1284 : vector<256x1xf32> to vector<256x1xf32>
    %broadcast_in_dim3A_1319 = vector.broadcast %broadcast_in_dim3A_1318 : vector<256x1xf32> to vector<256x512xf32>
    %broadcast_in_dim3A_1320 = vector.broadcast %jit3A_1317 : f32 to vector<256x512xf32>
    %select_n3A_1321 = arith.select %eq3A_1305, %broadcast_in_dim3A_1319, %broadcast_in_dim3A_1320 : vector<256x512xi1>, vector<256x512xf32>
    %reduce_sum3A_1322 = arith.constant dense<0.000000e+00> : vector<512xf32>
    %reduce_sum3A_1323 = vector.multi_reduction <add>, %select_n3A_1321, %reduce_sum3A_1322 [0] : vector<256x512xf32> to vector<512xf32>
    %broadcast_in_dim3A_1324 = vector.shape_cast %reduce_sum3A_1323 : vector<512xf32> to vector<1x512xf32>
    %add3A_1325 = arith.addf %add3A_1283, %broadcast_in_dim3A_1324 : vector<1x512xf32>
    %slice3A_1326 = vector.extract_strided_slice %slice3A_1069 {offsets = [1536, 0], sizes = [256, 1], strides = [1, 1]} : vector<2048x1xf32> to vector<256x1xf32>
    %iota3A_1327 = tpu.iota {dimensions = array<i32: 1>} : vector<256x2048xi32>
    %iota3A_1328 = tpu.iota {dimensions = array<i32: 0>} : vector<256x2048xi32>
    %add3A_1329 = arith.constant 1536 : i32
    %add3A_1330 = vector.broadcast %add3A_1329 : i32 to vector<256x2048xi32>
    %add3A_1331 = arith.addi %add3A_1330, %iota3A_1328 : vector<256x2048xi32>
    %gt3A_1332 = vector.broadcast %slice3A_1068 : vector<1x2048xf32> to vector<256x2048xf32>
    %gt3A_1333 = vector.broadcast %slice3A_1326 : vector<256x1xf32> to vector<256x2048xf32>
    %gt3A_1334 = arith.cmpf ogt, %gt3A_1332, %gt3A_1333 : vector<256x2048xf32>
    %eq3A_1335 = vector.broadcast %slice3A_1068 : vector<1x2048xf32> to vector<256x2048xf32>
    %eq3A_1336 = vector.broadcast %slice3A_1326 : vector<256x1xf32> to vector<256x2048xf32>
    %eq3A_1337 = arith.cmpf oeq, %eq3A_1335, %eq3A_1336 : vector<256x2048xf32>
    %lt3A_1338 = arith.cmpi slt, %iota3A_1327, %add3A_1331 : vector<256x2048xi32>
    %and3A_1339 = arith.andi %eq3A_1337, %lt3A_1338 : vector<256x2048xi1>
    %or3A_1340 = arith.ori %gt3A_1334, %and3A_1339 : vector<256x2048xi1>
    %convert_element_type3A_1341 = arith.extui %or3A_1340 : vector<256x2048xi1> to vector<256x2048xi32>
    %reduce_sum3A_1342 = arith.constant dense<0> : vector<256xi32>
    %reduce_sum3A_1343 = vector.multi_reduction <add>, %convert_element_type3A_1341, %reduce_sum3A_1342 [1] : vector<256x2048xi32> to vector<256xi32>
    %broadcast_in_dim3A_1344 = vector.shape_cast %reduce_sum3A_1343 : vector<256xi32> to vector<256x1xi32>
    %iota3A_1345 = tpu.iota {dimensions = array<i32: 1>} : vector<256x512xi32>
    %eq3A_1346 = vector.broadcast %broadcast_in_dim3A_1344 : vector<256x1xi32> to vector<256x512xi32>
    %eq3A_1347 = arith.cmpi eq, %eq3A_1346, %iota3A_1345 : vector<256x512xi32>
    %iota3A_1348 = tpu.iota {dimensions = array<i32: 0>} : vector<256x512xi32>
    %add3A_1349 = arith.constant 1536 : i32
    %add3A_1350 = vector.broadcast %add3A_1349 : i32 to vector<256x512xi32>
    %add3A_1351 = arith.addi %add3A_1350, %iota3A_1348 : vector<256x512xi32>
    %jit3A_1352 = arith.constant 0 : i32
    %broadcast_in_dim3A_1353 = vector.broadcast %jit3A_1352 : i32 to vector<256x512xi32>
    %select_n3A_1354 = arith.select %eq3A_1347, %add3A_1351, %broadcast_in_dim3A_1353 : vector<256x512xi1>, vector<256x512xi32>
    %reduce_sum3A_1355 = arith.constant dense<0> : vector<512xi32>
    %reduce_sum3A_1356 = vector.multi_reduction <add>, %select_n3A_1354, %reduce_sum3A_1355 [0] : vector<256x512xi32> to vector<512xi32>
    %broadcast_in_dim3A_1357 = vector.shape_cast %reduce_sum3A_1356 : vector<512xi32> to vector<1x512xi32>
    %add3A_1358 = arith.addi %add3A_1316, %broadcast_in_dim3A_1357 : vector<1x512xi32>
    %jit3A_1359 = arith.constant 0.000000e+00 : f32
    %broadcast_in_dim3A_1360 = vector.shape_cast %slice3A_1326 : vector<256x1xf32> to vector<256x1xf32>
    %broadcast_in_dim3A_1361 = vector.broadcast %broadcast_in_dim3A_1360 : vector<256x1xf32> to vector<256x512xf32>
    %broadcast_in_dim3A_1362 = vector.broadcast %jit3A_1359 : f32 to vector<256x512xf32>
    %select_n3A_1363 = arith.select %eq3A_1347, %broadcast_in_dim3A_1361, %broadcast_in_dim3A_1362 : vector<256x512xi1>, vector<256x512xf32>
    %reduce_sum3A_1364 = arith.constant dense<0.000000e+00> : vector<512xf32>
    %reduce_sum3A_1365 = vector.multi_reduction <add>, %select_n3A_1363, %reduce_sum3A_1364 [0] : vector<256x512xf32> to vector<512xf32>
    %broadcast_in_dim3A_1366 = vector.shape_cast %reduce_sum3A_1365 : vector<512xf32> to vector<1x512xf32>
    %add3A_1367 = arith.addf %add3A_1325, %broadcast_in_dim3A_1366 : vector<1x512xf32>
    %slice3A_1368 = vector.extract_strided_slice %slice3A_1069 {offsets = [1792, 0], sizes = [256, 1], strides = [1, 1]} : vector<2048x1xf32> to vector<256x1xf32>
    %iota3A_1369 = tpu.iota {dimensions = array<i32: 1>} : vector<256x2048xi32>
    %iota3A_1370 = tpu.iota {dimensions = array<i32: 0>} : vector<256x2048xi32>
    %add3A_1371 = arith.constant 1792 : i32
    %add3A_1372 = vector.broadcast %add3A_1371 : i32 to vector<256x2048xi32>
    %add3A_1373 = arith.addi %add3A_1372, %iota3A_1370 : vector<256x2048xi32>
    %gt3A_1374 = vector.broadcast %slice3A_1068 : vector<1x2048xf32> to vector<256x2048xf32>
    %gt3A_1375 = vector.broadcast %slice3A_1368 : vector<256x1xf32> to vector<256x2048xf32>
    %gt3A_1376 = arith.cmpf ogt, %gt3A_1374, %gt3A_1375 : vector<256x2048xf32>
    %eq3A_1377 = vector.broadcast %slice3A_1068 : vector<1x2048xf32> to vector<256x2048xf32>
    %eq3A_1378 = vector.broadcast %slice3A_1368 : vector<256x1xf32> to vector<256x2048xf32>
    %eq3A_1379 = arith.cmpf oeq, %eq3A_1377, %eq3A_1378 : vector<256x2048xf32>
    %lt3A_1380 = arith.cmpi slt, %iota3A_1369, %add3A_1373 : vector<256x2048xi32>
    %and3A_1381 = arith.andi %eq3A_1379, %lt3A_1380 : vector<256x2048xi1>
    %or3A_1382 = arith.ori %gt3A_1376, %and3A_1381 : vector<256x2048xi1>
    %convert_element_type3A_1383 = arith.extui %or3A_1382 : vector<256x2048xi1> to vector<256x2048xi32>
    %reduce_sum3A_1384 = arith.constant dense<0> : vector<256xi32>
    %reduce_sum3A_1385 = vector.multi_reduction <add>, %convert_element_type3A_1383, %reduce_sum3A_1384 [1] : vector<256x2048xi32> to vector<256xi32>
    %broadcast_in_dim3A_1386 = vector.shape_cast %reduce_sum3A_1385 : vector<256xi32> to vector<256x1xi32>
    %iota3A_1387 = tpu.iota {dimensions = array<i32: 1>} : vector<256x512xi32>
    %eq3A_1388 = vector.broadcast %broadcast_in_dim3A_1386 : vector<256x1xi32> to vector<256x512xi32>
    %eq3A_1389 = arith.cmpi eq, %eq3A_1388, %iota3A_1387 : vector<256x512xi32>
    %iota3A_1390 = tpu.iota {dimensions = array<i32: 0>} : vector<256x512xi32>
    %add3A_1391 = arith.constant 1792 : i32
    %add3A_1392 = vector.broadcast %add3A_1391 : i32 to vector<256x512xi32>
    %add3A_1393 = arith.addi %add3A_1392, %iota3A_1390 : vector<256x512xi32>
    %jit3A_1394 = arith.constant 0 : i32
    %broadcast_in_dim3A_1395 = vector.broadcast %jit3A_1394 : i32 to vector<256x512xi32>
    %select_n3A_1396 = arith.select %eq3A_1389, %add3A_1393, %broadcast_in_dim3A_1395 : vector<256x512xi1>, vector<256x512xi32>
    %reduce_sum3A_1397 = arith.constant dense<0> : vector<512xi32>
    %reduce_sum3A_1398 = vector.multi_reduction <add>, %select_n3A_1396, %reduce_sum3A_1397 [0] : vector<256x512xi32> to vector<512xi32>
    %broadcast_in_dim3A_1399 = vector.shape_cast %reduce_sum3A_1398 : vector<512xi32> to vector<1x512xi32>
    %add3A_1400 = arith.addi %add3A_1358, %broadcast_in_dim3A_1399 : vector<1x512xi32>
    %jit3A_1401 = arith.constant 0.000000e+00 : f32
    %broadcast_in_dim3A_1402 = vector.shape_cast %slice3A_1368 : vector<256x1xf32> to vector<256x1xf32>
    %broadcast_in_dim3A_1403 = vector.broadcast %broadcast_in_dim3A_1402 : vector<256x1xf32> to vector<256x512xf32>
    %broadcast_in_dim3A_1404 = vector.broadcast %jit3A_1401 : f32 to vector<256x512xf32>
    %select_n3A_1405 = arith.select %eq3A_1389, %broadcast_in_dim3A_1403, %broadcast_in_dim3A_1404 : vector<256x512xi1>, vector<256x512xf32>
    %reduce_sum3A_1406 = arith.constant dense<0.000000e+00> : vector<512xf32>
    %reduce_sum3A_1407 = vector.multi_reduction <add>, %select_n3A_1405, %reduce_sum3A_1406 [0] : vector<256x512xf32> to vector<512xf32>
    %broadcast_in_dim3A_1408 = vector.shape_cast %reduce_sum3A_1407 : vector<512xf32> to vector<1x512xf32>
    %add3A_1409 = arith.addf %add3A_1367, %broadcast_in_dim3A_1408 : vector<1x512xf32>
    %swap3A_1410 = arith.constant 0 : index
    %swap3A_1411 = arith.constant 0 : index
    %swap3A_1412 = arith.constant 1536 : index
    %swap3A_1413 = vector.load %arg4[%swap3A_1410, %swap3A_1411, %swap3A_1412] : memref<1x1x4096xi32, #tpu.memory_space<vmem>>, vector<1x1x512xi32>
    %swap3A_1414 = vector.shape_cast %swap3A_1413 : vector<1x1x512xi32> to vector<1x512xi32>
    %swap3A_1415 = vector.shape_cast %add3A_1400 : vector<1x512xi32> to vector<1x1x512xi32>
    tpu.vector_store %arg4[%swap3A_1410, %swap3A_1411, %swap3A_1412], %swap3A_1415 {strides = array<i32>} : memref<1x1x4096xi32, #tpu.memory_space<vmem>>, vector<1x1x512xi32>,
    %swap3A_1416 = arith.constant 0 : index
    %swap3A_1417 = arith.constant 0 : index
    %swap3A_1418 = arith.constant 1536 : index
    %swap3A_1419 = vector.load %arg5[%swap3A_1416, %swap3A_1417, %swap3A_1418] : memref<1x1x4096xf32, #tpu.memory_space<vmem>>, vector<1x1x512xf32>
    %swap3A_1420 = vector.shape_cast %swap3A_1419 : vector<1x1x512xf32> to vector<1x512xf32>
    %swap3A_1421 = vector.shape_cast %add3A_1409 : vector<1x512xf32> to vector<1x1x512xf32>
    tpu.vector_store %arg5[%swap3A_1416, %swap3A_1417, %swap3A_1418], %swap3A_1421 {strides = array<i32>} : memref<1x1x4096xf32, #tpu.memory_space<vmem>>, vector<1x1x512xf32>,
    %slice3A_1422 = vector.extract_strided_slice %div3A_17 {offsets = [4, 0], sizes = [1, 2048], strides = [1, 1]} : vector<8x2048xf32> to vector<1x2048xf32>
    %slice3A_1423 = vector.extract_strided_slice %transpose3A {offsets = [0, 4], sizes = [2048, 1], strides = [1, 1]} : vector<2048x8xf32> to vector<2048x1xf32>
    %broadcast_in_dim3A_1424 = arith.constant 0 : i32
    %broadcast_in_dim3A_1425 = vector.broadcast %broadcast_in_dim3A_1424 : i32 to vector<1x512xi32>
    %broadcast_in_dim3A_1426 = arith.constant 0.000000e+00 : f32
    %broadcast_in_dim3A_1427 = vector.broadcast %broadcast_in_dim3A_1426 : f32 to vector<1x512xf32>
    %slice3A_1428 = vector.extract_strided_slice %slice3A_1423 {offsets = [0, 0], sizes = [256, 1], strides = [1, 1]} : vector<2048x1xf32> to vector<256x1xf32>
    %iota3A_1429 = tpu.iota {dimensions = array<i32: 1>} : vector<256x2048xi32>
    %iota3A_1430 = tpu.iota {dimensions = array<i32: 0>} : vector<256x2048xi32>
    %add3A_1431 = arith.constant 0 : i32
    %add3A_1432 = vector.broadcast %add3A_1431 : i32 to vector<256x2048xi32>
    %add3A_1433 = arith.addi %add3A_1432, %iota3A_1430 : vector<256x2048xi32>
    %gt3A_1434 = vector.broadcast %slice3A_1422 : vector<1x2048xf32> to vector<256x2048xf32>
    %gt3A_1435 = vector.broadcast %slice3A_1428 : vector<256x1xf32> to vector<256x2048xf32>
    %gt3A_1436 = arith.cmpf ogt, %gt3A_1434, %gt3A_1435 : vector<256x2048xf32>
    %eq3A_1437 = vector.broadcast %slice3A_1422 : vector<1x2048xf32> to vector<256x2048xf32>
    %eq3A_1438 = vector.broadcast %slice3A_1428 : vector<256x1xf32> to vector<256x2048xf32>
    %eq3A_1439 = arith.cmpf oeq, %eq3A_1437, %eq3A_1438 : vector<256x2048xf32>
    %lt3A_1440 = arith.cmpi slt, %iota3A_1429, %add3A_1433 : vector<256x2048xi32>
    %and3A_1441 = arith.andi %eq3A_1439, %lt3A_1440 : vector<256x2048xi1>
    %or3A_1442 = arith.ori %gt3A_1436, %and3A_1441 : vector<256x2048xi1>
    %convert_element_type3A_1443 = arith.extui %or3A_1442 : vector<256x2048xi1> to vector<256x2048xi32>
    %reduce_sum3A_1444 = arith.constant dense<0> : vector<256xi32>
    %reduce_sum3A_1445 = vector.multi_reduction <add>, %convert_element_type3A_1443, %reduce_sum3A_1444 [1] : vector<256x2048xi32> to vector<256xi32>
    %broadcast_in_dim3A_1446 = vector.shape_cast %reduce_sum3A_1445 : vector<256xi32> to vector<256x1xi32>
    %iota3A_1447 = tpu.iota {dimensions = array<i32: 1>} : vector<256x512xi32>
    %eq3A_1448 = vector.broadcast %broadcast_in_dim3A_1446 : vector<256x1xi32> to vector<256x512xi32>
    %eq3A_1449 = arith.cmpi eq, %eq3A_1448, %iota3A_1447 : vector<256x512xi32>
    %iota3A_1450 = tpu.iota {dimensions = array<i32: 0>} : vector<256x512xi32>
    %add3A_1451 = arith.constant 0 : i32
    %add3A_1452 = vector.broadcast %add3A_1451 : i32 to vector<256x512xi32>
    %add3A_1453 = arith.addi %add3A_1452, %iota3A_1450 : vector<256x512xi32>
    %jit3A_1454 = arith.constant 0 : i32
    %broadcast_in_dim3A_1455 = vector.broadcast %jit3A_1454 : i32 to vector<256x512xi32>
    %select_n3A_1456 = arith.select %eq3A_1449, %add3A_1453, %broadcast_in_dim3A_1455 : vector<256x512xi1>, vector<256x512xi32>
    %reduce_sum3A_1457 = arith.constant dense<0> : vector<512xi32>
    %reduce_sum3A_1458 = vector.multi_reduction <add>, %select_n3A_1456, %reduce_sum3A_1457 [0] : vector<256x512xi32> to vector<512xi32>
    %broadcast_in_dim3A_1459 = vector.shape_cast %reduce_sum3A_1458 : vector<512xi32> to vector<1x512xi32>
    %add3A_1460 = arith.addi %broadcast_in_dim3A_1425, %broadcast_in_dim3A_1459 : vector<1x512xi32>
    %jit3A_1461 = arith.constant 0.000000e+00 : f32
    %broadcast_in_dim3A_1462 = vector.shape_cast %slice3A_1428 : vector<256x1xf32> to vector<256x1xf32>
    %broadcast_in_dim3A_1463 = vector.broadcast %broadcast_in_dim3A_1462 : vector<256x1xf32> to vector<256x512xf32>
    %broadcast_in_dim3A_1464 = vector.broadcast %jit3A_1461 : f32 to vector<256x512xf32>
    %select_n3A_1465 = arith.select %eq3A_1449, %broadcast_in_dim3A_1463, %broadcast_in_dim3A_1464 : vector<256x512xi1>, vector<256x512xf32>
    %reduce_sum3A_1466 = arith.constant dense<0.000000e+00> : vector<512xf32>
    %reduce_sum3A_1467 = vector.multi_reduction <add>, %select_n3A_1465, %reduce_sum3A_1466 [0] : vector<256x512xf32> to vector<512xf32>
    %broadcast_in_dim3A_1468 = vector.shape_cast %reduce_sum3A_1467 : vector<512xf32> to vector<1x512xf32>
    %add3A_1469 = arith.addf %broadcast_in_dim3A_1427, %broadcast_in_dim3A_1468 : vector<1x512xf32>
    %slice3A_1470 = vector.extract_strided_slice %slice3A_1423 {offsets = [256, 0], sizes = [256, 1], strides = [1, 1]} : vector<2048x1xf32> to vector<256x1xf32>
    %iota3A_1471 = tpu.iota {dimensions = array<i32: 1>} : vector<256x2048xi32>
    %iota3A_1472 = tpu.iota {dimensions = array<i32: 0>} : vector<256x2048xi32>
    %add3A_1473 = arith.constant 256 : i32
    %add3A_1474 = vector.broadcast %add3A_1473 : i32 to vector<256x2048xi32>
    %add3A_1475 = arith.addi %add3A_1474, %iota3A_1472 : vector<256x2048xi32>
    %gt3A_1476 = vector.broadcast %slice3A_1422 : vector<1x2048xf32> to vector<256x2048xf32>
    %gt3A_1477 = vector.broadcast %slice3A_1470 : vector<256x1xf32> to vector<256x2048xf32>
    %gt3A_1478 = arith.cmpf ogt, %gt3A_1476, %gt3A_1477 : vector<256x2048xf32>
    %eq3A_1479 = vector.broadcast %slice3A_1422 : vector<1x2048xf32> to vector<256x2048xf32>
    %eq3A_1480 = vector.broadcast %slice3A_1470 : vector<256x1xf32> to vector<256x2048xf32>
    %eq3A_1481 = arith.cmpf oeq, %eq3A_1479, %eq3A_1480 : vector<256x2048xf32>
    %lt3A_1482 = arith.cmpi slt, %iota3A_1471, %add3A_1475 : vector<256x2048xi32>
    %and3A_1483 = arith.andi %eq3A_1481, %lt3A_1482 : vector<256x2048xi1>
    %or3A_1484 = arith.ori %gt3A_1478, %and3A_1483 : vector<256x2048xi1>
    %convert_element_type3A_1485 = arith.extui %or3A_1484 : vector<256x2048xi1> to vector<256x2048xi32>
    %reduce_sum3A_1486 = arith.constant dense<0> : vector<256xi32>
    %reduce_sum3A_1487 = vector.multi_reduction <add>, %convert_element_type3A_1485, %reduce_sum3A_1486 [1] : vector<256x2048xi32> to vector<256xi32>
    %broadcast_in_dim3A_1488 = vector.shape_cast %reduce_sum3A_1487 : vector<256xi32> to vector<256x1xi32>
    %iota3A_1489 = tpu.iota {dimensions = array<i32: 1>} : vector<256x512xi32>
    %eq3A_1490 = vector.broadcast %broadcast_in_dim3A_1488 : vector<256x1xi32> to vector<256x512xi32>
    %eq3A_1491 = arith.cmpi eq, %eq3A_1490, %iota3A_1489 : vector<256x512xi32>
    %iota3A_1492 = tpu.iota {dimensions = array<i32: 0>} : vector<256x512xi32>
    %add3A_1493 = arith.constant 256 : i32
    %add3A_1494 = vector.broadcast %add3A_1493 : i32 to vector<256x512xi32>
    %add3A_1495 = arith.addi %add3A_1494, %iota3A_1492 : vector<256x512xi32>
    %jit3A_1496 = arith.constant 0 : i32
    %broadcast_in_dim3A_1497 = vector.broadcast %jit3A_1496 : i32 to vector<256x512xi32>
    %select_n3A_1498 = arith.select %eq3A_1491, %add3A_1495, %broadcast_in_dim3A_1497 : vector<256x512xi1>, vector<256x512xi32>
    %reduce_sum3A_1499 = arith.constant dense<0> : vector<512xi32>
    %reduce_sum3A_1500 = vector.multi_reduction <add>, %select_n3A_1498, %reduce_sum3A_1499 [0] : vector<256x512xi32> to vector<512xi32>
    %broadcast_in_dim3A_1501 = vector.shape_cast %reduce_sum3A_1500 : vector<512xi32> to vector<1x512xi32>
    %add3A_1502 = arith.addi %add3A_1460, %broadcast_in_dim3A_1501 : vector<1x512xi32>
    %jit3A_1503 = arith.constant 0.000000e+00 : f32
    %broadcast_in_dim3A_1504 = vector.shape_cast %slice3A_1470 : vector<256x1xf32> to vector<256x1xf32>
    %broadcast_in_dim3A_1505 = vector.broadcast %broadcast_in_dim3A_1504 : vector<256x1xf32> to vector<256x512xf32>
    %broadcast_in_dim3A_1506 = vector.broadcast %jit3A_1503 : f32 to vector<256x512xf32>
    %select_n3A_1507 = arith.select %eq3A_1491, %broadcast_in_dim3A_1505, %broadcast_in_dim3A_1506 : vector<256x512xi1>, vector<256x512xf32>
    %reduce_sum3A_1508 = arith.constant dense<0.000000e+00> : vector<512xf32>
    %reduce_sum3A_1509 = vector.multi_reduction <add>, %select_n3A_1507, %reduce_sum3A_1508 [0] : vector<256x512xf32> to vector<512xf32>
    %broadcast_in_dim3A_1510 = vector.shape_cast %reduce_sum3A_1509 : vector<512xf32> to vector<1x512xf32>
    %add3A_1511 = arith.addf %add3A_1469, %broadcast_in_dim3A_1510 : vector<1x512xf32>
    %slice3A_1512 = vector.extract_strided_slice %slice3A_1423 {offsets = [512, 0], sizes = [256, 1], strides = [1, 1]} : vector<2048x1xf32> to vector<256x1xf32>
    %iota3A_1513 = tpu.iota {dimensions = array<i32: 1>} : vector<256x2048xi32>
    %iota3A_1514 = tpu.iota {dimensions = array<i32: 0>} : vector<256x2048xi32>
    %add3A_1515 = arith.constant 512 : i32
    %add3A_1516 = vector.broadcast %add3A_1515 : i32 to vector<256x2048xi32>
    %add3A_1517 = arith.addi %add3A_1516, %iota3A_1514 : vector<256x2048xi32>
    %gt3A_1518 = vector.broadcast %slice3A_1422 : vector<1x2048xf32> to vector<256x2048xf32>
    %gt3A_1519 = vector.broadcast %slice3A_1512 : vector<256x1xf32> to vector<256x2048xf32>
    %gt3A_1520 = arith.cmpf ogt, %gt3A_1518, %gt3A_1519 : vector<256x2048xf32>
    %eq3A_1521 = vector.broadcast %slice3A_1422 : vector<1x2048xf32> to vector<256x2048xf32>
    %eq3A_1522 = vector.broadcast %slice3A_1512 : vector<256x1xf32> to vector<256x2048xf32>
    %eq3A_1523 = arith.cmpf oeq, %eq3A_1521, %eq3A_1522 : vector<256x2048xf32>
    %lt3A_1524 = arith.cmpi slt, %iota3A_1513, %add3A_1517 : vector<256x2048xi32>
    %and3A_1525 = arith.andi %eq3A_1523, %lt3A_1524 : vector<256x2048xi1>
    %or3A_1526 = arith.ori %gt3A_1520, %and3A_1525 : vector<256x2048xi1>
    %convert_element_type3A_1527 = arith.extui %or3A_1526 : vector<256x2048xi1> to vector<256x2048xi32>
    %reduce_sum3A_1528 = arith.constant dense<0> : vector<256xi32>
    %reduce_sum3A_1529 = vector.multi_reduction <add>, %convert_element_type3A_1527, %reduce_sum3A_1528 [1] : vector<256x2048xi32> to vector<256xi32>
    %broadcast_in_dim3A_1530 = vector.shape_cast %reduce_sum3A_1529 : vector<256xi32> to vector<256x1xi32>
    %iota3A_1531 = tpu.iota {dimensions = array<i32: 1>} : vector<256x512xi32>
    %eq3A_1532 = vector.broadcast %broadcast_in_dim3A_1530 : vector<256x1xi32> to vector<256x512xi32>
    %eq3A_1533 = arith.cmpi eq, %eq3A_1532, %iota3A_1531 : vector<256x512xi32>
    %iota3A_1534 = tpu.iota {dimensions = array<i32: 0>} : vector<256x512xi32>
    %add3A_1535 = arith.constant 512 : i32
    %add3A_1536 = vector.broadcast %add3A_1535 : i32 to vector<256x512xi32>
    %add3A_1537 = arith.addi %add3A_1536, %iota3A_1534 : vector<256x512xi32>
    %jit3A_1538 = arith.constant 0 : i32
    %broadcast_in_dim3A_1539 = vector.broadcast %jit3A_1538 : i32 to vector<256x512xi32>
    %select_n3A_1540 = arith.select %eq3A_1533, %add3A_1537, %broadcast_in_dim3A_1539 : vector<256x512xi1>, vector<256x512xi32>
    %reduce_sum3A_1541 = arith.constant dense<0> : vector<512xi32>
    %reduce_sum3A_1542 = vector.multi_reduction <add>, %select_n3A_1540, %reduce_sum3A_1541 [0] : vector<256x512xi32> to vector<512xi32>
    %broadcast_in_dim3A_1543 = vector.shape_cast %reduce_sum3A_1542 : vector<512xi32> to vector<1x512xi32>
    %add3A_1544 = arith.addi %add3A_1502, %broadcast_in_dim3A_1543 : vector<1x512xi32>
    %jit3A_1545 = arith.constant 0.000000e+00 : f32
    %broadcast_in_dim3A_1546 = vector.shape_cast %slice3A_1512 : vector<256x1xf32> to vector<256x1xf32>
    %broadcast_in_dim3A_1547 = vector.broadcast %broadcast_in_dim3A_1546 : vector<256x1xf32> to vector<256x512xf32>
    %broadcast_in_dim3A_1548 = vector.broadcast %jit3A_1545 : f32 to vector<256x512xf32>
    %select_n3A_1549 = arith.select %eq3A_1533, %broadcast_in_dim3A_1547, %broadcast_in_dim3A_1548 : vector<256x512xi1>, vector<256x512xf32>
    %reduce_sum3A_1550 = arith.constant dense<0.000000e+00> : vector<512xf32>
    %reduce_sum3A_1551 = vector.multi_reduction <add>, %select_n3A_1549, %reduce_sum3A_1550 [0] : vector<256x512xf32> to vector<512xf32>
    %broadcast_in_dim3A_1552 = vector.shape_cast %reduce_sum3A_1551 : vector<512xf32> to vector<1x512xf32>
    %add3A_1553 = arith.addf %add3A_1511, %broadcast_in_dim3A_1552 : vector<1x512xf32>
    %slice3A_1554 = vector.extract_strided_slice %slice3A_1423 {offsets = [768, 0], sizes = [256, 1], strides = [1, 1]} : vector<2048x1xf32> to vector<256x1xf32>
    %iota3A_1555 = tpu.iota {dimensions = array<i32: 1>} : vector<256x2048xi32>
    %iota3A_1556 = tpu.iota {dimensions = array<i32: 0>} : vector<256x2048xi32>
    %add3A_1557 = arith.constant 768 : i32
    %add3A_1558 = vector.broadcast %add3A_1557 : i32 to vector<256x2048xi32>
    %add3A_1559 = arith.addi %add3A_1558, %iota3A_1556 : vector<256x2048xi32>
    %gt3A_1560 = vector.broadcast %slice3A_1422 : vector<1x2048xf32> to vector<256x2048xf32>
    %gt3A_1561 = vector.broadcast %slice3A_1554 : vector<256x1xf32> to vector<256x2048xf32>
    %gt3A_1562 = arith.cmpf ogt, %gt3A_1560, %gt3A_1561 : vector<256x2048xf32>
    %eq3A_1563 = vector.broadcast %slice3A_1422 : vector<1x2048xf32> to vector<256x2048xf32>
    %eq3A_1564 = vector.broadcast %slice3A_1554 : vector<256x1xf32> to vector<256x2048xf32>
    %eq3A_1565 = arith.cmpf oeq, %eq3A_1563, %eq3A_1564 : vector<256x2048xf32>
    %lt3A_1566 = arith.cmpi slt, %iota3A_1555, %add3A_1559 : vector<256x2048xi32>
    %and3A_1567 = arith.andi %eq3A_1565, %lt3A_1566 : vector<256x2048xi1>
    %or3A_1568 = arith.ori %gt3A_1562, %and3A_1567 : vector<256x2048xi1>
    %convert_element_type3A_1569 = arith.extui %or3A_1568 : vector<256x2048xi1> to vector<256x2048xi32>
    %reduce_sum3A_1570 = arith.constant dense<0> : vector<256xi32>
    %reduce_sum3A_1571 = vector.multi_reduction <add>, %convert_element_type3A_1569, %reduce_sum3A_1570 [1] : vector<256x2048xi32> to vector<256xi32>
    %broadcast_in_dim3A_1572 = vector.shape_cast %reduce_sum3A_1571 : vector<256xi32> to vector<256x1xi32>
    %iota3A_1573 = tpu.iota {dimensions = array<i32: 1>} : vector<256x512xi32>
    %eq3A_1574 = vector.broadcast %broadcast_in_dim3A_1572 : vector<256x1xi32> to vector<256x512xi32>
    %eq3A_1575 = arith.cmpi eq, %eq3A_1574, %iota3A_1573 : vector<256x512xi32>
    %iota3A_1576 = tpu.iota {dimensions = array<i32: 0>} : vector<256x512xi32>
    %add3A_1577 = arith.constant 768 : i32
    %add3A_1578 = vector.broadcast %add3A_1577 : i32 to vector<256x512xi32>
    %add3A_1579 = arith.addi %add3A_1578, %iota3A_1576 : vector<256x512xi32>
    %jit3A_1580 = arith.constant 0 : i32
    %broadcast_in_dim3A_1581 = vector.broadcast %jit3A_1580 : i32 to vector<256x512xi32>
    %select_n3A_1582 = arith.select %eq3A_1575, %add3A_1579, %broadcast_in_dim3A_1581 : vector<256x512xi1>, vector<256x512xi32>
    %reduce_sum3A_1583 = arith.constant dense<0> : vector<512xi32>
    %reduce_sum3A_1584 = vector.multi_reduction <add>, %select_n3A_1582, %reduce_sum3A_1583 [0] : vector<256x512xi32> to vector<512xi32>
    %broadcast_in_dim3A_1585 = vector.shape_cast %reduce_sum3A_1584 : vector<512xi32> to vector<1x512xi32>
    %add3A_1586 = arith.addi %add3A_1544, %broadcast_in_dim3A_1585 : vector<1x512xi32>
    %jit3A_1587 = arith.constant 0.000000e+00 : f32
    %broadcast_in_dim3A_1588 = vector.shape_cast %slice3A_1554 : vector<256x1xf32> to vector<256x1xf32>
    %broadcast_in_dim3A_1589 = vector.broadcast %broadcast_in_dim3A_1588 : vector<256x1xf32> to vector<256x512xf32>
    %broadcast_in_dim3A_1590 = vector.broadcast %jit3A_1587 : f32 to vector<256x512xf32>
    %select_n3A_1591 = arith.select %eq3A_1575, %broadcast_in_dim3A_1589, %broadcast_in_dim3A_1590 : vector<256x512xi1>, vector<256x512xf32>
    %reduce_sum3A_1592 = arith.constant dense<0.000000e+00> : vector<512xf32>
    %reduce_sum3A_1593 = vector.multi_reduction <add>, %select_n3A_1591, %reduce_sum3A_1592 [0] : vector<256x512xf32> to vector<512xf32>
    %broadcast_in_dim3A_1594 = vector.shape_cast %reduce_sum3A_1593 : vector<512xf32> to vector<1x512xf32>
    %add3A_1595 = arith.addf %add3A_1553, %broadcast_in_dim3A_1594 : vector<1x512xf32>
    %slice3A_1596 = vector.extract_strided_slice %slice3A_1423 {offsets = [1024, 0], sizes = [256, 1], strides = [1, 1]} : vector<2048x1xf32> to vector<256x1xf32>
    %iota3A_1597 = tpu.iota {dimensions = array<i32: 1>} : vector<256x2048xi32>
    %iota3A_1598 = tpu.iota {dimensions = array<i32: 0>} : vector<256x2048xi32>
    %add3A_1599 = arith.constant 1024 : i32
    %add3A_1600 = vector.broadcast %add3A_1599 : i32 to vector<256x2048xi32>
    %add3A_1601 = arith.addi %add3A_1600, %iota3A_1598 : vector<256x2048xi32>
    %gt3A_1602 = vector.broadcast %slice3A_1422 : vector<1x2048xf32> to vector<256x2048xf32>
    %gt3A_1603 = vector.broadcast %slice3A_1596 : vector<256x1xf32> to vector<256x2048xf32>
    %gt3A_1604 = arith.cmpf ogt, %gt3A_1602, %gt3A_1603 : vector<256x2048xf32>
    %eq3A_1605 = vector.broadcast %slice3A_1422 : vector<1x2048xf32> to vector<256x2048xf32>
    %eq3A_1606 = vector.broadcast %slice3A_1596 : vector<256x1xf32> to vector<256x2048xf32>
    %eq3A_1607 = arith.cmpf oeq, %eq3A_1605, %eq3A_1606 : vector<256x2048xf32>
    %lt3A_1608 = arith.cmpi slt, %iota3A_1597, %add3A_1601 : vector<256x2048xi32>
    %and3A_1609 = arith.andi %eq3A_1607, %lt3A_1608 : vector<256x2048xi1>
    %or3A_1610 = arith.ori %gt3A_1604, %and3A_1609 : vector<256x2048xi1>
    %convert_element_type3A_1611 = arith.extui %or3A_1610 : vector<256x2048xi1> to vector<256x2048xi32>
    %reduce_sum3A_1612 = arith.constant dense<0> : vector<256xi32>
    %reduce_sum3A_1613 = vector.multi_reduction <add>, %convert_element_type3A_1611, %reduce_sum3A_1612 [1] : vector<256x2048xi32> to vector<256xi32>
    %broadcast_in_dim3A_1614 = vector.shape_cast %reduce_sum3A_1613 : vector<256xi32> to vector<256x1xi32>
    %iota3A_1615 = tpu.iota {dimensions = array<i32: 1>} : vector<256x512xi32>
    %eq3A_1616 = vector.broadcast %broadcast_in_dim3A_1614 : vector<256x1xi32> to vector<256x512xi32>
    %eq3A_1617 = arith.cmpi eq, %eq3A_1616, %iota3A_1615 : vector<256x512xi32>
    %iota3A_1618 = tpu.iota {dimensions = array<i32: 0>} : vector<256x512xi32>
    %add3A_1619 = arith.constant 1024 : i32
    %add3A_1620 = vector.broadcast %add3A_1619 : i32 to vector<256x512xi32>
    %add3A_1621 = arith.addi %add3A_1620, %iota3A_1618 : vector<256x512xi32>
    %jit3A_1622 = arith.constant 0 : i32
    %broadcast_in_dim3A_1623 = vector.broadcast %jit3A_1622 : i32 to vector<256x512xi32>
    %select_n3A_1624 = arith.select %eq3A_1617, %add3A_1621, %broadcast_in_dim3A_1623 : vector<256x512xi1>, vector<256x512xi32>
    %reduce_sum3A_1625 = arith.constant dense<0> : vector<512xi32>
    %reduce_sum3A_1626 = vector.multi_reduction <add>, %select_n3A_1624, %reduce_sum3A_1625 [0] : vector<256x512xi32> to vector<512xi32>
    %broadcast_in_dim3A_1627 = vector.shape_cast %reduce_sum3A_1626 : vector<512xi32> to vector<1x512xi32>
    %add3A_1628 = arith.addi %add3A_1586, %broadcast_in_dim3A_1627 : vector<1x512xi32>
    %jit3A_1629 = arith.constant 0.000000e+00 : f32
    %broadcast_in_dim3A_1630 = vector.shape_cast %slice3A_1596 : vector<256x1xf32> to vector<256x1xf32>
    %broadcast_in_dim3A_1631 = vector.broadcast %broadcast_in_dim3A_1630 : vector<256x1xf32> to vector<256x512xf32>
    %broadcast_in_dim3A_1632 = vector.broadcast %jit3A_1629 : f32 to vector<256x512xf32>
    %select_n3A_1633 = arith.select %eq3A_1617, %broadcast_in_dim3A_1631, %broadcast_in_dim3A_1632 : vector<256x512xi1>, vector<256x512xf32>
    %reduce_sum3A_1634 = arith.constant dense<0.000000e+00> : vector<512xf32>
    %reduce_sum3A_1635 = vector.multi_reduction <add>, %select_n3A_1633, %reduce_sum3A_1634 [0] : vector<256x512xf32> to vector<512xf32>
    %broadcast_in_dim3A_1636 = vector.shape_cast %reduce_sum3A_1635 : vector<512xf32> to vector<1x512xf32>
    %add3A_1637 = arith.addf %add3A_1595, %broadcast_in_dim3A_1636 : vector<1x512xf32>
    %slice3A_1638 = vector.extract_strided_slice %slice3A_1423 {offsets = [1280, 0], sizes = [256, 1], strides = [1, 1]} : vector<2048x1xf32> to vector<256x1xf32>
    %iota3A_1639 = tpu.iota {dimensions = array<i32: 1>} : vector<256x2048xi32>
    %iota3A_1640 = tpu.iota {dimensions = array<i32: 0>} : vector<256x2048xi32>
    %add3A_1641 = arith.constant 1280 : i32
    %add3A_1642 = vector.broadcast %add3A_1641 : i32 to vector<256x2048xi32>
    %add3A_1643 = arith.addi %add3A_1642, %iota3A_1640 : vector<256x2048xi32>
    %gt3A_1644 = vector.broadcast %slice3A_1422 : vector<1x2048xf32> to vector<256x2048xf32>
    %gt3A_1645 = vector.broadcast %slice3A_1638 : vector<256x1xf32> to vector<256x2048xf32>
    %gt3A_1646 = arith.cmpf ogt, %gt3A_1644, %gt3A_1645 : vector<256x2048xf32>
    %eq3A_1647 = vector.broadcast %slice3A_1422 : vector<1x2048xf32> to vector<256x2048xf32>
    %eq3A_1648 = vector.broadcast %slice3A_1638 : vector<256x1xf32> to vector<256x2048xf32>
    %eq3A_1649 = arith.cmpf oeq, %eq3A_1647, %eq3A_1648 : vector<256x2048xf32>
    %lt3A_1650 = arith.cmpi slt, %iota3A_1639, %add3A_1643 : vector<256x2048xi32>
    %and3A_1651 = arith.andi %eq3A_1649, %lt3A_1650 : vector<256x2048xi1>
    %or3A_1652 = arith.ori %gt3A_1646, %and3A_1651 : vector<256x2048xi1>
    %convert_element_type3A_1653 = arith.extui %or3A_1652 : vector<256x2048xi1> to vector<256x2048xi32>
    %reduce_sum3A_1654 = arith.constant dense<0> : vector<256xi32>
    %reduce_sum3A_1655 = vector.multi_reduction <add>, %convert_element_type3A_1653, %reduce_sum3A_1654 [1] : vector<256x2048xi32> to vector<256xi32>
    %broadcast_in_dim3A_1656 = vector.shape_cast %reduce_sum3A_1655 : vector<256xi32> to vector<256x1xi32>
    %iota3A_1657 = tpu.iota {dimensions = array<i32: 1>} : vector<256x512xi32>
    %eq3A_1658 = vector.broadcast %broadcast_in_dim3A_1656 : vector<256x1xi32> to vector<256x512xi32>
    %eq3A_1659 = arith.cmpi eq, %eq3A_1658, %iota3A_1657 : vector<256x512xi32>
    %iota3A_1660 = tpu.iota {dimensions = array<i32: 0>} : vector<256x512xi32>
    %add3A_1661 = arith.constant 1280 : i32
    %add3A_1662 = vector.broadcast %add3A_1661 : i32 to vector<256x512xi32>
    %add3A_1663 = arith.addi %add3A_1662, %iota3A_1660 : vector<256x512xi32>
    %jit3A_1664 = arith.constant 0 : i32
    %broadcast_in_dim3A_1665 = vector.broadcast %jit3A_1664 : i32 to vector<256x512xi32>
    %select_n3A_1666 = arith.select %eq3A_1659, %add3A_1663, %broadcast_in_dim3A_1665 : vector<256x512xi1>, vector<256x512xi32>
    %reduce_sum3A_1667 = arith.constant dense<0> : vector<512xi32>
    %reduce_sum3A_1668 = vector.multi_reduction <add>, %select_n3A_1666, %reduce_sum3A_1667 [0] : vector<256x512xi32> to vector<512xi32>
    %broadcast_in_dim3A_1669 = vector.shape_cast %reduce_sum3A_1668 : vector<512xi32> to vector<1x512xi32>
    %add3A_1670 = arith.addi %add3A_1628, %broadcast_in_dim3A_1669 : vector<1x512xi32>
    %jit3A_1671 = arith.constant 0.000000e+00 : f32
    %broadcast_in_dim3A_1672 = vector.shape_cast %slice3A_1638 : vector<256x1xf32> to vector<256x1xf32>
    %broadcast_in_dim3A_1673 = vector.broadcast %broadcast_in_dim3A_1672 : vector<256x1xf32> to vector<256x512xf32>
    %broadcast_in_dim3A_1674 = vector.broadcast %jit3A_1671 : f32 to vector<256x512xf32>
    %select_n3A_1675 = arith.select %eq3A_1659, %broadcast_in_dim3A_1673, %broadcast_in_dim3A_1674 : vector<256x512xi1>, vector<256x512xf32>
    %reduce_sum3A_1676 = arith.constant dense<0.000000e+00> : vector<512xf32>
    %reduce_sum3A_1677 = vector.multi_reduction <add>, %select_n3A_1675, %reduce_sum3A_1676 [0] : vector<256x512xf32> to vector<512xf32>
    %broadcast_in_dim3A_1678 = vector.shape_cast %reduce_sum3A_1677 : vector<512xf32> to vector<1x512xf32>
    %add3A_1679 = arith.addf %add3A_1637, %broadcast_in_dim3A_1678 : vector<1x512xf32>
    %slice3A_1680 = vector.extract_strided_slice %slice3A_1423 {offsets = [1536, 0], sizes = [256, 1], strides = [1, 1]} : vector<2048x1xf32> to vector<256x1xf32>
    %iota3A_1681 = tpu.iota {dimensions = array<i32: 1>} : vector<256x2048xi32>
    %iota3A_1682 = tpu.iota {dimensions = array<i32: 0>} : vector<256x2048xi32>
    %add3A_1683 = arith.constant 1536 : i32
    %add3A_1684 = vector.broadcast %add3A_1683 : i32 to vector<256x2048xi32>
    %add3A_1685 = arith.addi %add3A_1684, %iota3A_1682 : vector<256x2048xi32>
    %gt3A_1686 = vector.broadcast %slice3A_1422 : vector<1x2048xf32> to vector<256x2048xf32>
    %gt3A_1687 = vector.broadcast %slice3A_1680 : vector<256x1xf32> to vector<256x2048xf32>
    %gt3A_1688 = arith.cmpf ogt, %gt3A_1686, %gt3A_1687 : vector<256x2048xf32>
    %eq3A_1689 = vector.broadcast %slice3A_1422 : vector<1x2048xf32> to vector<256x2048xf32>
    %eq3A_1690 = vector.broadcast %slice3A_1680 : vector<256x1xf32> to vector<256x2048xf32>
    %eq3A_1691 = arith.cmpf oeq, %eq3A_1689, %eq3A_1690 : vector<256x2048xf32>
    %lt3A_1692 = arith.cmpi slt, %iota3A_1681, %add3A_1685 : vector<256x2048xi32>
    %and3A_1693 = arith.andi %eq3A_1691, %lt3A_1692 : vector<256x2048xi1>
    %or3A_1694 = arith.ori %gt3A_1688, %and3A_1693 : vector<256x2048xi1>
    %convert_element_type3A_1695 = arith.extui %or3A_1694 : vector<256x2048xi1> to vector<256x2048xi32>
    %reduce_sum3A_1696 = arith.constant dense<0> : vector<256xi32>
    %reduce_sum3A_1697 = vector.multi_reduction <add>, %convert_element_type3A_1695, %reduce_sum3A_1696 [1] : vector<256x2048xi32> to vector<256xi32>
    %broadcast_in_dim3A_1698 = vector.shape_cast %reduce_sum3A_1697 : vector<256xi32> to vector<256x1xi32>
    %iota3A_1699 = tpu.iota {dimensions = array<i32: 1>} : vector<256x512xi32>
    %eq3A_1700 = vector.broadcast %broadcast_in_dim3A_1698 : vector<256x1xi32> to vector<256x512xi32>
    %eq3A_1701 = arith.cmpi eq, %eq3A_1700, %iota3A_1699 : vector<256x512xi32>
    %iota3A_1702 = tpu.iota {dimensions = array<i32: 0>} : vector<256x512xi32>
    %add3A_1703 = arith.constant 1536 : i32
    %add3A_1704 = vector.broadcast %add3A_1703 : i32 to vector<256x512xi32>
    %add3A_1705 = arith.addi %add3A_1704, %iota3A_1702 : vector<256x512xi32>
    %jit3A_1706 = arith.constant 0 : i32
    %broadcast_in_dim3A_1707 = vector.broadcast %jit3A_1706 : i32 to vector<256x512xi32>
    %select_n3A_1708 = arith.select %eq3A_1701, %add3A_1705, %broadcast_in_dim3A_1707 : vector<256x512xi1>, vector<256x512xi32>
    %reduce_sum3A_1709 = arith.constant dense<0> : vector<512xi32>
    %reduce_sum3A_1710 = vector.multi_reduction <add>, %select_n3A_1708, %reduce_sum3A_1709 [0] : vector<256x512xi32> to vector<512xi32>
    %broadcast_in_dim3A_1711 = vector.shape_cast %reduce_sum3A_1710 : vector<512xi32> to vector<1x512xi32>
    %add3A_1712 = arith.addi %add3A_1670, %broadcast_in_dim3A_1711 : vector<1x512xi32>
    %jit3A_1713 = arith.constant 0.000000e+00 : f32
    %broadcast_in_dim3A_1714 = vector.shape_cast %slice3A_1680 : vector<256x1xf32> to vector<256x1xf32>
    %broadcast_in_dim3A_1715 = vector.broadcast %broadcast_in_dim3A_1714 : vector<256x1xf32> to vector<256x512xf32>
    %broadcast_in_dim3A_1716 = vector.broadcast %jit3A_1713 : f32 to vector<256x512xf32>
    %select_n3A_1717 = arith.select %eq3A_1701, %broadcast_in_dim3A_1715, %broadcast_in_dim3A_1716 : vector<256x512xi1>, vector<256x512xf32>
    %reduce_sum3A_1718 = arith.constant dense<0.000000e+00> : vector<512xf32>
    %reduce_sum3A_1719 = vector.multi_reduction <add>, %select_n3A_1717, %reduce_sum3A_1718 [0] : vector<256x512xf32> to vector<512xf32>
    %broadcast_in_dim3A_1720 = vector.shape_cast %reduce_sum3A_1719 : vector<512xf32> to vector<1x512xf32>
    %add3A_1721 = arith.addf %add3A_1679, %broadcast_in_dim3A_1720 : vector<1x512xf32>
    %slice3A_1722 = vector.extract_strided_slice %slice3A_1423 {offsets = [1792, 0], sizes = [256, 1], strides = [1, 1]} : vector<2048x1xf32> to vector<256x1xf32>
    %iota3A_1723 = tpu.iota {dimensions = array<i32: 1>} : vector<256x2048xi32>
    %iota3A_1724 = tpu.iota {dimensions = array<i32: 0>} : vector<256x2048xi32>
    %add3A_1725 = arith.constant 1792 : i32
    %add3A_1726 = vector.broadcast %add3A_1725 : i32 to vector<256x2048xi32>
    %add3A_1727 = arith.addi %add3A_1726, %iota3A_1724 : vector<256x2048xi32>
    %gt3A_1728 = vector.broadcast %slice3A_1422 : vector<1x2048xf32> to vector<256x2048xf32>
    %gt3A_1729 = vector.broadcast %slice3A_1722 : vector<256x1xf32> to vector<256x2048xf32>
    %gt3A_1730 = arith.cmpf ogt, %gt3A_1728, %gt3A_1729 : vector<256x2048xf32>
    %eq3A_1731 = vector.broadcast %slice3A_1422 : vector<1x2048xf32> to vector<256x2048xf32>
    %eq3A_1732 = vector.broadcast %slice3A_1722 : vector<256x1xf32> to vector<256x2048xf32>
    %eq3A_1733 = arith.cmpf oeq, %eq3A_1731, %eq3A_1732 : vector<256x2048xf32>
    %lt3A_1734 = arith.cmpi slt, %iota3A_1723, %add3A_1727 : vector<256x2048xi32>
    %and3A_1735 = arith.andi %eq3A_1733, %lt3A_1734 : vector<256x2048xi1>
    %or3A_1736 = arith.ori %gt3A_1730, %and3A_1735 : vector<256x2048xi1>
    %convert_element_type3A_1737 = arith.extui %or3A_1736 : vector<256x2048xi1> to vector<256x2048xi32>
    %reduce_sum3A_1738 = arith.constant dense<0> : vector<256xi32>
    %reduce_sum3A_1739 = vector.multi_reduction <add>, %convert_element_type3A_1737, %reduce_sum3A_1738 [1] : vector<256x2048xi32> to vector<256xi32>
    %broadcast_in_dim3A_1740 = vector.shape_cast %reduce_sum3A_1739 : vector<256xi32> to vector<256x1xi32>
    %iota3A_1741 = tpu.iota {dimensions = array<i32: 1>} : vector<256x512xi32>
    %eq3A_1742 = vector.broadcast %broadcast_in_dim3A_1740 : vector<256x1xi32> to vector<256x512xi32>
    %eq3A_1743 = arith.cmpi eq, %eq3A_1742, %iota3A_1741 : vector<256x512xi32>
    %iota3A_1744 = tpu.iota {dimensions = array<i32: 0>} : vector<256x512xi32>
    %add3A_1745 = arith.constant 1792 : i32
    %add3A_1746 = vector.broadcast %add3A_1745 : i32 to vector<256x512xi32>
    %add3A_1747 = arith.addi %add3A_1746, %iota3A_1744 : vector<256x512xi32>
    %jit3A_1748 = arith.constant 0 : i32
    %broadcast_in_dim3A_1749 = vector.broadcast %jit3A_1748 : i32 to vector<256x512xi32>
    %select_n3A_1750 = arith.select %eq3A_1743, %add3A_1747, %broadcast_in_dim3A_1749 : vector<256x512xi1>, vector<256x512xi32>
    %reduce_sum3A_1751 = arith.constant dense<0> : vector<512xi32>
    %reduce_sum3A_1752 = vector.multi_reduction <add>, %select_n3A_1750, %reduce_sum3A_1751 [0] : vector<256x512xi32> to vector<512xi32>
    %broadcast_in_dim3A_1753 = vector.shape_cast %reduce_sum3A_1752 : vector<512xi32> to vector<1x512xi32>
    %add3A_1754 = arith.addi %add3A_1712, %broadcast_in_dim3A_1753 : vector<1x512xi32>
    %jit3A_1755 = arith.constant 0.000000e+00 : f32
    %broadcast_in_dim3A_1756 = vector.shape_cast %slice3A_1722 : vector<256x1xf32> to vector<256x1xf32>
    %broadcast_in_dim3A_1757 = vector.broadcast %broadcast_in_dim3A_1756 : vector<256x1xf32> to vector<256x512xf32>
    %broadcast_in_dim3A_1758 = vector.broadcast %jit3A_1755 : f32 to vector<256x512xf32>
    %select_n3A_1759 = arith.select %eq3A_1743, %broadcast_in_dim3A_1757, %broadcast_in_dim3A_1758 : vector<256x512xi1>, vector<256x512xf32>
    %reduce_sum3A_1760 = arith.constant dense<0.000000e+00> : vector<512xf32>
    %reduce_sum3A_1761 = vector.multi_reduction <add>, %select_n3A_1759, %reduce_sum3A_1760 [0] : vector<256x512xf32> to vector<512xf32>
    %broadcast_in_dim3A_1762 = vector.shape_cast %reduce_sum3A_1761 : vector<512xf32> to vector<1x512xf32>
    %add3A_1763 = arith.addf %add3A_1721, %broadcast_in_dim3A_1762 : vector<1x512xf32>
    %swap3A_1764 = arith.constant 0 : index
    %swap3A_1765 = arith.constant 0 : index
    %swap3A_1766 = arith.constant 2048 : index
    %swap3A_1767 = vector.load %arg4[%swap3A_1764, %swap3A_1765, %swap3A_1766] : memref<1x1x4096xi32, #tpu.memory_space<vmem>>, vector<1x1x512xi32>
    %swap3A_1768 = vector.shape_cast %swap3A_1767 : vector<1x1x512xi32> to vector<1x512xi32>
    %swap3A_1769 = vector.shape_cast %add3A_1754 : vector<1x512xi32> to vector<1x1x512xi32>
    tpu.vector_store %arg4[%swap3A_1764, %swap3A_1765, %swap3A_1766], %swap3A_1769 {strides = array<i32>} : memref<1x1x4096xi32, #tpu.memory_space<vmem>>, vector<1x1x512xi32>,
    %swap3A_1770 = arith.constant 0 : index
    %swap3A_1771 = arith.constant 0 : index
    %swap3A_1772 = arith.constant 2048 : index
    %swap3A_1773 = vector.load %arg5[%swap3A_1770, %swap3A_1771, %swap3A_1772] : memref<1x1x4096xf32, #tpu.memory_space<vmem>>, vector<1x1x512xf32>
    %swap3A_1774 = vector.shape_cast %swap3A_1773 : vector<1x1x512xf32> to vector<1x512xf32>
    %swap3A_1775 = vector.shape_cast %add3A_1763 : vector<1x512xf32> to vector<1x1x512xf32>
    tpu.vector_store %arg5[%swap3A_1770, %swap3A_1771, %swap3A_1772], %swap3A_1775 {strides = array<i32>} : memref<1x1x4096xf32, #tpu.memory_space<vmem>>, vector<1x1x512xf32>,
    %slice3A_1776 = vector.extract_strided_slice %div3A_17 {offsets = [5, 0], sizes = [1, 2048], strides = [1, 1]} : vector<8x2048xf32> to vector<1x2048xf32>
    %slice3A_1777 = vector.extract_strided_slice %transpose3A {offsets = [0, 5], sizes = [2048, 1], strides = [1, 1]} : vector<2048x8xf32> to vector<2048x1xf32>
    %broadcast_in_dim3A_1778 = arith.constant 0 : i32
    %broadcast_in_dim3A_1779 = vector.broadcast %broadcast_in_dim3A_1778 : i32 to vector<1x512xi32>
    %broadcast_in_dim3A_1780 = arith.constant 0.000000e+00 : f32
    %broadcast_in_dim3A_1781 = vector.broadcast %broadcast_in_dim3A_1780 : f32 to vector<1x512xf32>
    %slice3A_1782 = vector.extract_strided_slice %slice3A_1777 {offsets = [0, 0], sizes = [256, 1], strides = [1, 1]} : vector<2048x1xf32> to vector<256x1xf32>
    %iota3A_1783 = tpu.iota {dimensions = array<i32: 1>} : vector<256x2048xi32>
    %iota3A_1784 = tpu.iota {dimensions = array<i32: 0>} : vector<256x2048xi32>
    %add3A_1785 = arith.constant 0 : i32
    %add3A_1786 = vector.broadcast %add3A_1785 : i32 to vector<256x2048xi32>
    %add3A_1787 = arith.addi %add3A_1786, %iota3A_1784 : vector<256x2048xi32>
    %gt3A_1788 = vector.broadcast %slice3A_1776 : vector<1x2048xf32> to vector<256x2048xf32>
    %gt3A_1789 = vector.broadcast %slice3A_1782 : vector<256x1xf32> to vector<256x2048xf32>
    %gt3A_1790 = arith.cmpf ogt, %gt3A_1788, %gt3A_1789 : vector<256x2048xf32>
    %eq3A_1791 = vector.broadcast %slice3A_1776 : vector<1x2048xf32> to vector<256x2048xf32>
    %eq3A_1792 = vector.broadcast %slice3A_1782 : vector<256x1xf32> to vector<256x2048xf32>
    %eq3A_1793 = arith.cmpf oeq, %eq3A_1791, %eq3A_1792 : vector<256x2048xf32>
    %lt3A_1794 = arith.cmpi slt, %iota3A_1783, %add3A_1787 : vector<256x2048xi32>
    %and3A_1795 = arith.andi %eq3A_1793, %lt3A_1794 : vector<256x2048xi1>
    %or3A_1796 = arith.ori %gt3A_1790, %and3A_1795 : vector<256x2048xi1>
    %convert_element_type3A_1797 = arith.extui %or3A_1796 : vector<256x2048xi1> to vector<256x2048xi32>
    %reduce_sum3A_1798 = arith.constant dense<0> : vector<256xi32>
    %reduce_sum3A_1799 = vector.multi_reduction <add>, %convert_element_type3A_1797, %reduce_sum3A_1798 [1] : vector<256x2048xi32> to vector<256xi32>
    %broadcast_in_dim3A_1800 = vector.shape_cast %reduce_sum3A_1799 : vector<256xi32> to vector<256x1xi32>
    %iota3A_1801 = tpu.iota {dimensions = array<i32: 1>} : vector<256x512xi32>
    %eq3A_1802 = vector.broadcast %broadcast_in_dim3A_1800 : vector<256x1xi32> to vector<256x512xi32>
    %eq3A_1803 = arith.cmpi eq, %eq3A_1802, %iota3A_1801 : vector<256x512xi32>
    %iota3A_1804 = tpu.iota {dimensions = array<i32: 0>} : vector<256x512xi32>
    %add3A_1805 = arith.constant 0 : i32
    %add3A_1806 = vector.broadcast %add3A_1805 : i32 to vector<256x512xi32>
    %add3A_1807 = arith.addi %add3A_1806, %iota3A_1804 : vector<256x512xi32>
    %jit3A_1808 = arith.constant 0 : i32
    %broadcast_in_dim3A_1809 = vector.broadcast %jit3A_1808 : i32 to vector<256x512xi32>
    %select_n3A_1810 = arith.select %eq3A_1803, %add3A_1807, %broadcast_in_dim3A_1809 : vector<256x512xi1>, vector<256x512xi32>
    %reduce_sum3A_1811 = arith.constant dense<0> : vector<512xi32>
    %reduce_sum3A_1812 = vector.multi_reduction <add>, %select_n3A_1810, %reduce_sum3A_1811 [0] : vector<256x512xi32> to vector<512xi32>
    %broadcast_in_dim3A_1813 = vector.shape_cast %reduce_sum3A_1812 : vector<512xi32> to vector<1x512xi32>
    %add3A_1814 = arith.addi %broadcast_in_dim3A_1779, %broadcast_in_dim3A_1813 : vector<1x512xi32>
    %jit3A_1815 = arith.constant 0.000000e+00 : f32
    %broadcast_in_dim3A_1816 = vector.shape_cast %slice3A_1782 : vector<256x1xf32> to vector<256x1xf32>
    %broadcast_in_dim3A_1817 = vector.broadcast %broadcast_in_dim3A_1816 : vector<256x1xf32> to vector<256x512xf32>
    %broadcast_in_dim3A_1818 = vector.broadcast %jit3A_1815 : f32 to vector<256x512xf32>
    %select_n3A_1819 = arith.select %eq3A_1803, %broadcast_in_dim3A_1817, %broadcast_in_dim3A_1818 : vector<256x512xi1>, vector<256x512xf32>
    %reduce_sum3A_1820 = arith.constant dense<0.000000e+00> : vector<512xf32>
    %reduce_sum3A_1821 = vector.multi_reduction <add>, %select_n3A_1819, %reduce_sum3A_1820 [0] : vector<256x512xf32> to vector<512xf32>
    %broadcast_in_dim3A_1822 = vector.shape_cast %reduce_sum3A_1821 : vector<512xf32> to vector<1x512xf32>
    %add3A_1823 = arith.addf %broadcast_in_dim3A_1781, %broadcast_in_dim3A_1822 : vector<1x512xf32>
    %slice3A_1824 = vector.extract_strided_slice %slice3A_1777 {offsets = [256, 0], sizes = [256, 1], strides = [1, 1]} : vector<2048x1xf32> to vector<256x1xf32>
    %iota3A_1825 = tpu.iota {dimensions = array<i32: 1>} : vector<256x2048xi32>
    %iota3A_1826 = tpu.iota {dimensions = array<i32: 0>} : vector<256x2048xi32>
    %add3A_1827 = arith.constant 256 : i32
    %add3A_1828 = vector.broadcast %add3A_1827 : i32 to vector<256x2048xi32>
    %add3A_1829 = arith.addi %add3A_1828, %iota3A_1826 : vector<256x2048xi32>
    %gt3A_1830 = vector.broadcast %slice3A_1776 : vector<1x2048xf32> to vector<256x2048xf32>
    %gt3A_1831 = vector.broadcast %slice3A_1824 : vector<256x1xf32> to vector<256x2048xf32>
    %gt3A_1832 = arith.cmpf ogt, %gt3A_1830, %gt3A_1831 : vector<256x2048xf32>
    %eq3A_1833 = vector.broadcast %slice3A_1776 : vector<1x2048xf32> to vector<256x2048xf32>
    %eq3A_1834 = vector.broadcast %slice3A_1824 : vector<256x1xf32> to vector<256x2048xf32>
    %eq3A_1835 = arith.cmpf oeq, %eq3A_1833, %eq3A_1834 : vector<256x2048xf32>
    %lt3A_1836 = arith.cmpi slt, %iota3A_1825, %add3A_1829 : vector<256x2048xi32>
    %and3A_1837 = arith.andi %eq3A_1835, %lt3A_1836 : vector<256x2048xi1>
    %or3A_1838 = arith.ori %gt3A_1832, %and3A_1837 : vector<256x2048xi1>
    %convert_element_type3A_1839 = arith.extui %or3A_1838 : vector<256x2048xi1> to vector<256x2048xi32>
    %reduce_sum3A_1840 = arith.constant dense<0> : vector<256xi32>
    %reduce_sum3A_1841 = vector.multi_reduction <add>, %convert_element_type3A_1839, %reduce_sum3A_1840 [1] : vector<256x2048xi32> to vector<256xi32>
    %broadcast_in_dim3A_1842 = vector.shape_cast %reduce_sum3A_1841 : vector<256xi32> to vector<256x1xi32>
    %iota3A_1843 = tpu.iota {dimensions = array<i32: 1>} : vector<256x512xi32>
    %eq3A_1844 = vector.broadcast %broadcast_in_dim3A_1842 : vector<256x1xi32> to vector<256x512xi32>
    %eq3A_1845 = arith.cmpi eq, %eq3A_1844, %iota3A_1843 : vector<256x512xi32>
    %iota3A_1846 = tpu.iota {dimensions = array<i32: 0>} : vector<256x512xi32>
    %add3A_1847 = arith.constant 256 : i32
    %add3A_1848 = vector.broadcast %add3A_1847 : i32 to vector<256x512xi32>
    %add3A_1849 = arith.addi %add3A_1848, %iota3A_1846 : vector<256x512xi32>
    %jit3A_1850 = arith.constant 0 : i32
    %broadcast_in_dim3A_1851 = vector.broadcast %jit3A_1850 : i32 to vector<256x512xi32>
    %select_n3A_1852 = arith.select %eq3A_1845, %add3A_1849, %broadcast_in_dim3A_1851 : vector<256x512xi1>, vector<256x512xi32>
    %reduce_sum3A_1853 = arith.constant dense<0> : vector<512xi32>
    %reduce_sum3A_1854 = vector.multi_reduction <add>, %select_n3A_1852, %reduce_sum3A_1853 [0] : vector<256x512xi32> to vector<512xi32>
    %broadcast_in_dim3A_1855 = vector.shape_cast %reduce_sum3A_1854 : vector<512xi32> to vector<1x512xi32>
    %add3A_1856 = arith.addi %add3A_1814, %broadcast_in_dim3A_1855 : vector<1x512xi32>
    %jit3A_1857 = arith.constant 0.000000e+00 : f32
    %broadcast_in_dim3A_1858 = vector.shape_cast %slice3A_1824 : vector<256x1xf32> to vector<256x1xf32>
    %broadcast_in_dim3A_1859 = vector.broadcast %broadcast_in_dim3A_1858 : vector<256x1xf32> to vector<256x512xf32>
    %broadcast_in_dim3A_1860 = vector.broadcast %jit3A_1857 : f32 to vector<256x512xf32>
    %select_n3A_1861 = arith.select %eq3A_1845, %broadcast_in_dim3A_1859, %broadcast_in_dim3A_1860 : vector<256x512xi1>, vector<256x512xf32>
    %reduce_sum3A_1862 = arith.constant dense<0.000000e+00> : vector<512xf32>
    %reduce_sum3A_1863 = vector.multi_reduction <add>, %select_n3A_1861, %reduce_sum3A_1862 [0] : vector<256x512xf32> to vector<512xf32>
    %broadcast_in_dim3A_1864 = vector.shape_cast %reduce_sum3A_1863 : vector<512xf32> to vector<1x512xf32>
    %add3A_1865 = arith.addf %add3A_1823, %broadcast_in_dim3A_1864 : vector<1x512xf32>
    %slice3A_1866 = vector.extract_strided_slice %slice3A_1777 {offsets = [512, 0], sizes = [256, 1], strides = [1, 1]} : vector<2048x1xf32> to vector<256x1xf32>
    %iota3A_1867 = tpu.iota {dimensions = array<i32: 1>} : vector<256x2048xi32>
    %iota3A_1868 = tpu.iota {dimensions = array<i32: 0>} : vector<256x2048xi32>
    %add3A_1869 = arith.constant 512 : i32
    %add3A_1870 = vector.broadcast %add3A_1869 : i32 to vector<256x2048xi32>
    %add3A_1871 = arith.addi %add3A_1870, %iota3A_1868 : vector<256x2048xi32>
    %gt3A_1872 = vector.broadcast %slice3A_1776 : vector<1x2048xf32> to vector<256x2048xf32>
    %gt3A_1873 = vector.broadcast %slice3A_1866 : vector<256x1xf32> to vector<256x2048xf32>
    %gt3A_1874 = arith.cmpf ogt, %gt3A_1872, %gt3A_1873 : vector<256x2048xf32>
    %eq3A_1875 = vector.broadcast %slice3A_1776 : vector<1x2048xf32> to vector<256x2048xf32>
    %eq3A_1876 = vector.broadcast %slice3A_1866 : vector<256x1xf32> to vector<256x2048xf32>
    %eq3A_1877 = arith.cmpf oeq, %eq3A_1875, %eq3A_1876 : vector<256x2048xf32>
    %lt3A_1878 = arith.cmpi slt, %iota3A_1867, %add3A_1871 : vector<256x2048xi32>
    %and3A_1879 = arith.andi %eq3A_1877, %lt3A_1878 : vector<256x2048xi1>
    %or3A_1880 = arith.ori %gt3A_1874, %and3A_1879 : vector<256x2048xi1>
    %convert_element_type3A_1881 = arith.extui %or3A_1880 : vector<256x2048xi1> to vector<256x2048xi32>
    %reduce_sum3A_1882 = arith.constant dense<0> : vector<256xi32>
    %reduce_sum3A_1883 = vector.multi_reduction <add>, %convert_element_type3A_1881, %reduce_sum3A_1882 [1] : vector<256x2048xi32> to vector<256xi32>
    %broadcast_in_dim3A_1884 = vector.shape_cast %reduce_sum3A_1883 : vector<256xi32> to vector<256x1xi32>
    %iota3A_1885 = tpu.iota {dimensions = array<i32: 1>} : vector<256x512xi32>
    %eq3A_1886 = vector.broadcast %broadcast_in_dim3A_1884 : vector<256x1xi32> to vector<256x512xi32>
    %eq3A_1887 = arith.cmpi eq, %eq3A_1886, %iota3A_1885 : vector<256x512xi32>
    %iota3A_1888 = tpu.iota {dimensions = array<i32: 0>} : vector<256x512xi32>
    %add3A_1889 = arith.constant 512 : i32
    %add3A_1890 = vector.broadcast %add3A_1889 : i32 to vector<256x512xi32>
    %add3A_1891 = arith.addi %add3A_1890, %iota3A_1888 : vector<256x512xi32>
    %jit3A_1892 = arith.constant 0 : i32
    %broadcast_in_dim3A_1893 = vector.broadcast %jit3A_1892 : i32 to vector<256x512xi32>
    %select_n3A_1894 = arith.select %eq3A_1887, %add3A_1891, %broadcast_in_dim3A_1893 : vector<256x512xi1>, vector<256x512xi32>
    %reduce_sum3A_1895 = arith.constant dense<0> : vector<512xi32>
    %reduce_sum3A_1896 = vector.multi_reduction <add>, %select_n3A_1894, %reduce_sum3A_1895 [0] : vector<256x512xi32> to vector<512xi32>
    %broadcast_in_dim3A_1897 = vector.shape_cast %reduce_sum3A_1896 : vector<512xi32> to vector<1x512xi32>
    %add3A_1898 = arith.addi %add3A_1856, %broadcast_in_dim3A_1897 : vector<1x512xi32>
    %jit3A_1899 = arith.constant 0.000000e+00 : f32
    %broadcast_in_dim3A_1900 = vector.shape_cast %slice3A_1866 : vector<256x1xf32> to vector<256x1xf32>
    %broadcast_in_dim3A_1901 = vector.broadcast %broadcast_in_dim3A_1900 : vector<256x1xf32> to vector<256x512xf32>
    %broadcast_in_dim3A_1902 = vector.broadcast %jit3A_1899 : f32 to vector<256x512xf32>
    %select_n3A_1903 = arith.select %eq3A_1887, %broadcast_in_dim3A_1901, %broadcast_in_dim3A_1902 : vector<256x512xi1>, vector<256x512xf32>
    %reduce_sum3A_1904 = arith.constant dense<0.000000e+00> : vector<512xf32>
    %reduce_sum3A_1905 = vector.multi_reduction <add>, %select_n3A_1903, %reduce_sum3A_1904 [0] : vector<256x512xf32> to vector<512xf32>
    %broadcast_in_dim3A_1906 = vector.shape_cast %reduce_sum3A_1905 : vector<512xf32> to vector<1x512xf32>
    %add3A_1907 = arith.addf %add3A_1865, %broadcast_in_dim3A_1906 : vector<1x512xf32>
    %slice3A_1908 = vector.extract_strided_slice %slice3A_1777 {offsets = [768, 0], sizes = [256, 1], strides = [1, 1]} : vector<2048x1xf32> to vector<256x1xf32>
    %iota3A_1909 = tpu.iota {dimensions = array<i32: 1>} : vector<256x2048xi32>
    %iota3A_1910 = tpu.iota {dimensions = array<i32: 0>} : vector<256x2048xi32>
    %add3A_1911 = arith.constant 768 : i32
    %add3A_1912 = vector.broadcast %add3A_1911 : i32 to vector<256x2048xi32>
    %add3A_1913 = arith.addi %add3A_1912, %iota3A_1910 : vector<256x2048xi32>
    %gt3A_1914 = vector.broadcast %slice3A_1776 : vector<1x2048xf32> to vector<256x2048xf32>
    %gt3A_1915 = vector.broadcast %slice3A_1908 : vector<256x1xf32> to vector<256x2048xf32>
    %gt3A_1916 = arith.cmpf ogt, %gt3A_1914, %gt3A_1915 : vector<256x2048xf32>
    %eq3A_1917 = vector.broadcast %slice3A_1776 : vector<1x2048xf32> to vector<256x2048xf32>
    %eq3A_1918 = vector.broadcast %slice3A_1908 : vector<256x1xf32> to vector<256x2048xf32>
    %eq3A_1919 = arith.cmpf oeq, %eq3A_1917, %eq3A_1918 : vector<256x2048xf32>
    %lt3A_1920 = arith.cmpi slt, %iota3A_1909, %add3A_1913 : vector<256x2048xi32>
    %and3A_1921 = arith.andi %eq3A_1919, %lt3A_1920 : vector<256x2048xi1>
    %or3A_1922 = arith.ori %gt3A_1916, %and3A_1921 : vector<256x2048xi1>
    %convert_element_type3A_1923 = arith.extui %or3A_1922 : vector<256x2048xi1> to vector<256x2048xi32>
    %reduce_sum3A_1924 = arith.constant dense<0> : vector<256xi32>
    %reduce_sum3A_1925 = vector.multi_reduction <add>, %convert_element_type3A_1923, %reduce_sum3A_1924 [1] : vector<256x2048xi32> to vector<256xi32>
    %broadcast_in_dim3A_1926 = vector.shape_cast %reduce_sum3A_1925 : vector<256xi32> to vector<256x1xi32>
    %iota3A_1927 = tpu.iota {dimensions = array<i32: 1>} : vector<256x512xi32>
    %eq3A_1928 = vector.broadcast %broadcast_in_dim3A_1926 : vector<256x1xi32> to vector<256x512xi32>
    %eq3A_1929 = arith.cmpi eq, %eq3A_1928, %iota3A_1927 : vector<256x512xi32>
    %iota3A_1930 = tpu.iota {dimensions = array<i32: 0>} : vector<256x512xi32>
    %add3A_1931 = arith.constant 768 : i32
    %add3A_1932 = vector.broadcast %add3A_1931 : i32 to vector<256x512xi32>
    %add3A_1933 = arith.addi %add3A_1932, %iota3A_1930 : vector<256x512xi32>
    %jit3A_1934 = arith.constant 0 : i32
    %broadcast_in_dim3A_1935 = vector.broadcast %jit3A_1934 : i32 to vector<256x512xi32>
    %select_n3A_1936 = arith.select %eq3A_1929, %add3A_1933, %broadcast_in_dim3A_1935 : vector<256x512xi1>, vector<256x512xi32>
    %reduce_sum3A_1937 = arith.constant dense<0> : vector<512xi32>
    %reduce_sum3A_1938 = vector.multi_reduction <add>, %select_n3A_1936, %reduce_sum3A_1937 [0] : vector<256x512xi32> to vector<512xi32>
    %broadcast_in_dim3A_1939 = vector.shape_cast %reduce_sum3A_1938 : vector<512xi32> to vector<1x512xi32>
    %add3A_1940 = arith.addi %add3A_1898, %broadcast_in_dim3A_1939 : vector<1x512xi32>
    %jit3A_1941 = arith.constant 0.000000e+00 : f32
    %broadcast_in_dim3A_1942 = vector.shape_cast %slice3A_1908 : vector<256x1xf32> to vector<256x1xf32>
    %broadcast_in_dim3A_1943 = vector.broadcast %broadcast_in_dim3A_1942 : vector<256x1xf32> to vector<256x512xf32>
    %broadcast_in_dim3A_1944 = vector.broadcast %jit3A_1941 : f32 to vector<256x512xf32>
    %select_n3A_1945 = arith.select %eq3A_1929, %broadcast_in_dim3A_1943, %broadcast_in_dim3A_1944 : vector<256x512xi1>, vector<256x512xf32>
    %reduce_sum3A_1946 = arith.constant dense<0.000000e+00> : vector<512xf32>
    %reduce_sum3A_1947 = vector.multi_reduction <add>, %select_n3A_1945, %reduce_sum3A_1946 [0] : vector<256x512xf32> to vector<512xf32>
    %broadcast_in_dim3A_1948 = vector.shape_cast %reduce_sum3A_1947 : vector<512xf32> to vector<1x512xf32>
    %add3A_1949 = arith.addf %add3A_1907, %broadcast_in_dim3A_1948 : vector<1x512xf32>
    %slice3A_1950 = vector.extract_strided_slice %slice3A_1777 {offsets = [1024, 0], sizes = [256, 1], strides = [1, 1]} : vector<2048x1xf32> to vector<256x1xf32>
    %iota3A_1951 = tpu.iota {dimensions = array<i32: 1>} : vector<256x2048xi32>
    %iota3A_1952 = tpu.iota {dimensions = array<i32: 0>} : vector<256x2048xi32>
    %add3A_1953 = arith.constant 1024 : i32
    %add3A_1954 = vector.broadcast %add3A_1953 : i32 to vector<256x2048xi32>
    %add3A_1955 = arith.addi %add3A_1954, %iota3A_1952 : vector<256x2048xi32>
    %gt3A_1956 = vector.broadcast %slice3A_1776 : vector<1x2048xf32> to vector<256x2048xf32>
    %gt3A_1957 = vector.broadcast %slice3A_1950 : vector<256x1xf32> to vector<256x2048xf32>
    %gt3A_1958 = arith.cmpf ogt, %gt3A_1956, %gt3A_1957 : vector<256x2048xf32>
    %eq3A_1959 = vector.broadcast %slice3A_1776 : vector<1x2048xf32> to vector<256x2048xf32>
    %eq3A_1960 = vector.broadcast %slice3A_1950 : vector<256x1xf32> to vector<256x2048xf32>
    %eq3A_1961 = arith.cmpf oeq, %eq3A_1959, %eq3A_1960 : vector<256x2048xf32>
    %lt3A_1962 = arith.cmpi slt, %iota3A_1951, %add3A_1955 : vector<256x2048xi32>
    %and3A_1963 = arith.andi %eq3A_1961, %lt3A_1962 : vector<256x2048xi1>
    %or3A_1964 = arith.ori %gt3A_1958, %and3A_1963 : vector<256x2048xi1>
    %convert_element_type3A_1965 = arith.extui %or3A_1964 : vector<256x2048xi1> to vector<256x2048xi32>
    %reduce_sum3A_1966 = arith.constant dense<0> : vector<256xi32>
    %reduce_sum3A_1967 = vector.multi_reduction <add>, %convert_element_type3A_1965, %reduce_sum3A_1966 [1] : vector<256x2048xi32> to vector<256xi32>
    %broadcast_in_dim3A_1968 = vector.shape_cast %reduce_sum3A_1967 : vector<256xi32> to vector<256x1xi32>
    %iota3A_1969 = tpu.iota {dimensions = array<i32: 1>} : vector<256x512xi32>
    %eq3A_1970 = vector.broadcast %broadcast_in_dim3A_1968 : vector<256x1xi32> to vector<256x512xi32>
    %eq3A_1971 = arith.cmpi eq, %eq3A_1970, %iota3A_1969 : vector<256x512xi32>
    %iota3A_1972 = tpu.iota {dimensions = array<i32: 0>} : vector<256x512xi32>
    %add3A_1973 = arith.constant 1024 : i32
    %add3A_1974 = vector.broadcast %add3A_1973 : i32 to vector<256x512xi32>
    %add3A_1975 = arith.addi %add3A_1974, %iota3A_1972 : vector<256x512xi32>
    %jit3A_1976 = arith.constant 0 : i32
    %broadcast_in_dim3A_1977 = vector.broadcast %jit3A_1976 : i32 to vector<256x512xi32>
    %select_n3A_1978 = arith.select %eq3A_1971, %add3A_1975, %broadcast_in_dim3A_1977 : vector<256x512xi1>, vector<256x512xi32>
    %reduce_sum3A_1979 = arith.constant dense<0> : vector<512xi32>
    %reduce_sum3A_1980 = vector.multi_reduction <add>, %select_n3A_1978, %reduce_sum3A_1979 [0] : vector<256x512xi32> to vector<512xi32>
    %broadcast_in_dim3A_1981 = vector.shape_cast %reduce_sum3A_1980 : vector<512xi32> to vector<1x512xi32>
    %add3A_1982 = arith.addi %add3A_1940, %broadcast_in_dim3A_1981 : vector<1x512xi32>
    %jit3A_1983 = arith.constant 0.000000e+00 : f32
    %broadcast_in_dim3A_1984 = vector.shape_cast %slice3A_1950 : vector<256x1xf32> to vector<256x1xf32>
    %broadcast_in_dim3A_1985 = vector.broadcast %broadcast_in_dim3A_1984 : vector<256x1xf32> to vector<256x512xf32>
    %broadcast_in_dim3A_1986 = vector.broadcast %jit3A_1983 : f32 to vector<256x512xf32>
    %select_n3A_1987 = arith.select %eq3A_1971, %broadcast_in_dim3A_1985, %broadcast_in_dim3A_1986 : vector<256x512xi1>, vector<256x512xf32>
    %reduce_sum3A_1988 = arith.constant dense<0.000000e+00> : vector<512xf32>
    %reduce_sum3A_1989 = vector.multi_reduction <add>, %select_n3A_1987, %reduce_sum3A_1988 [0] : vector<256x512xf32> to vector<512xf32>
    %broadcast_in_dim3A_1990 = vector.shape_cast %reduce_sum3A_1989 : vector<512xf32> to vector<1x512xf32>
    %add3A_1991 = arith.addf %add3A_1949, %broadcast_in_dim3A_1990 : vector<1x512xf32>
    %slice3A_1992 = vector.extract_strided_slice %slice3A_1777 {offsets = [1280, 0], sizes = [256, 1], strides = [1, 1]} : vector<2048x1xf32> to vector<256x1xf32>
    %iota3A_1993 = tpu.iota {dimensions = array<i32: 1>} : vector<256x2048xi32>
    %iota3A_1994 = tpu.iota {dimensions = array<i32: 0>} : vector<256x2048xi32>
    %add3A_1995 = arith.constant 1280 : i32
    %add3A_1996 = vector.broadcast %add3A_1995 : i32 to vector<256x2048xi32>
    %add3A_1997 = arith.addi %add3A_1996, %iota3A_1994 : vector<256x2048xi32>
    %gt3A_1998 = vector.broadcast %slice3A_1776 : vector<1x2048xf32> to vector<256x2048xf32>
    %gt3A_1999 = vector.broadcast %slice3A_1992 : vector<256x1xf32> to vector<256x2048xf32>
    %gt3A_2000 = arith.cmpf ogt, %gt3A_1998, %gt3A_1999 : vector<256x2048xf32>
    %eq3A_2001 = vector.broadcast %slice3A_1776 : vector<1x2048xf32> to vector<256x2048xf32>
    %eq3A_2002 = vector.broadcast %slice3A_1992 : vector<256x1xf32> to vector<256x2048xf32>
    %eq3A_2003 = arith.cmpf oeq, %eq3A_2001, %eq3A_2002 : vector<256x2048xf32>
    %lt3A_2004 = arith.cmpi slt, %iota3A_1993, %add3A_1997 : vector<256x2048xi32>
    %and3A_2005 = arith.andi %eq3A_2003, %lt3A_2004 : vector<256x2048xi1>
    %or3A_2006 = arith.ori %gt3A_2000, %and3A_2005 : vector<256x2048xi1>
    %convert_element_type3A_2007 = arith.extui %or3A_2006 : vector<256x2048xi1> to vector<256x2048xi32>
    %reduce_sum3A_2008 = arith.constant dense<0> : vector<256xi32>
    %reduce_sum3A_2009 = vector.multi_reduction <add>, %convert_element_type3A_2007, %reduce_sum3A_2008 [1] : vector<256x2048xi32> to vector<256xi32>
    %broadcast_in_dim3A_2010 = vector.shape_cast %reduce_sum3A_2009 : vector<256xi32> to vector<256x1xi32>
    %iota3A_2011 = tpu.iota {dimensions = array<i32: 1>} : vector<256x512xi32>
    %eq3A_2012 = vector.broadcast %broadcast_in_dim3A_2010 : vector<256x1xi32> to vector<256x512xi32>
    %eq3A_2013 = arith.cmpi eq, %eq3A_2012, %iota3A_2011 : vector<256x512xi32>
    %iota3A_2014 = tpu.iota {dimensions = array<i32: 0>} : vector<256x512xi32>
    %add3A_2015 = arith.constant 1280 : i32
    %add3A_2016 = vector.broadcast %add3A_2015 : i32 to vector<256x512xi32>
    %add3A_2017 = arith.addi %add3A_2016, %iota3A_2014 : vector<256x512xi32>
    %jit3A_2018 = arith.constant 0 : i32
    %broadcast_in_dim3A_2019 = vector.broadcast %jit3A_2018 : i32 to vector<256x512xi32>
    %select_n3A_2020 = arith.select %eq3A_2013, %add3A_2017, %broadcast_in_dim3A_2019 : vector<256x512xi1>, vector<256x512xi32>
    %reduce_sum3A_2021 = arith.constant dense<0> : vector<512xi32>
    %reduce_sum3A_2022 = vector.multi_reduction <add>, %select_n3A_2020, %reduce_sum3A_2021 [0] : vector<256x512xi32> to vector<512xi32>
    %broadcast_in_dim3A_2023 = vector.shape_cast %reduce_sum3A_2022 : vector<512xi32> to vector<1x512xi32>
    %add3A_2024 = arith.addi %add3A_1982, %broadcast_in_dim3A_2023 : vector<1x512xi32>
    %jit3A_2025 = arith.constant 0.000000e+00 : f32
    %broadcast_in_dim3A_2026 = vector.shape_cast %slice3A_1992 : vector<256x1xf32> to vector<256x1xf32>
    %broadcast_in_dim3A_2027 = vector.broadcast %broadcast_in_dim3A_2026 : vector<256x1xf32> to vector<256x512xf32>
    %broadcast_in_dim3A_2028 = vector.broadcast %jit3A_2025 : f32 to vector<256x512xf32>
    %select_n3A_2029 = arith.select %eq3A_2013, %broadcast_in_dim3A_2027, %broadcast_in_dim3A_2028 : vector<256x512xi1>, vector<256x512xf32>
    %reduce_sum3A_2030 = arith.constant dense<0.000000e+00> : vector<512xf32>
    %reduce_sum3A_2031 = vector.multi_reduction <add>, %select_n3A_2029, %reduce_sum3A_2030 [0] : vector<256x512xf32> to vector<512xf32>
    %broadcast_in_dim3A_2032 = vector.shape_cast %reduce_sum3A_2031 : vector<512xf32> to vector<1x512xf32>
    %add3A_2033 = arith.addf %add3A_1991, %broadcast_in_dim3A_2032 : vector<1x512xf32>
    %slice3A_2034 = vector.extract_strided_slice %slice3A_1777 {offsets = [1536, 0], sizes = [256, 1], strides = [1, 1]} : vector<2048x1xf32> to vector<256x1xf32>
    %iota3A_2035 = tpu.iota {dimensions = array<i32: 1>} : vector<256x2048xi32>
    %iota3A_2036 = tpu.iota {dimensions = array<i32: 0>} : vector<256x2048xi32>
    %add3A_2037 = arith.constant 1536 : i32
    %add3A_2038 = vector.broadcast %add3A_2037 : i32 to vector<256x2048xi32>
    %add3A_2039 = arith.addi %add3A_2038, %iota3A_2036 : vector<256x2048xi32>
    %gt3A_2040 = vector.broadcast %slice3A_1776 : vector<1x2048xf32> to vector<256x2048xf32>
    %gt3A_2041 = vector.broadcast %slice3A_2034 : vector<256x1xf32> to vector<256x2048xf32>
    %gt3A_2042 = arith.cmpf ogt, %gt3A_2040, %gt3A_2041 : vector<256x2048xf32>
    %eq3A_2043 = vector.broadcast %slice3A_1776 : vector<1x2048xf32> to vector<256x2048xf32>
    %eq3A_2044 = vector.broadcast %slice3A_2034 : vector<256x1xf32> to vector<256x2048xf32>
    %eq3A_2045 = arith.cmpf oeq, %eq3A_2043, %eq3A_2044 : vector<256x2048xf32>
    %lt3A_2046 = arith.cmpi slt, %iota3A_2035, %add3A_2039 : vector<256x2048xi32>
    %and3A_2047 = arith.andi %eq3A_2045, %lt3A_2046 : vector<256x2048xi1>
    %or3A_2048 = arith.ori %gt3A_2042, %and3A_2047 : vector<256x2048xi1>
    %convert_element_type3A_2049 = arith.extui %or3A_2048 : vector<256x2048xi1> to vector<256x2048xi32>
    %reduce_sum3A_2050 = arith.constant dense<0> : vector<256xi32>
    %reduce_sum3A_2051 = vector.multi_reduction <add>, %convert_element_type3A_2049, %reduce_sum3A_2050 [1] : vector<256x2048xi32> to vector<256xi32>
    %broadcast_in_dim3A_2052 = vector.shape_cast %reduce_sum3A_2051 : vector<256xi32> to vector<256x1xi32>
    %iota3A_2053 = tpu.iota {dimensions = array<i32: 1>} : vector<256x512xi32>
    %eq3A_2054 = vector.broadcast %broadcast_in_dim3A_2052 : vector<256x1xi32> to vector<256x512xi32>
    %eq3A_2055 = arith.cmpi eq, %eq3A_2054, %iota3A_2053 : vector<256x512xi32>
    %iota3A_2056 = tpu.iota {dimensions = array<i32: 0>} : vector<256x512xi32>
    %add3A_2057 = arith.constant 1536 : i32
    %add3A_2058 = vector.broadcast %add3A_2057 : i32 to vector<256x512xi32>
    %add3A_2059 = arith.addi %add3A_2058, %iota3A_2056 : vector<256x512xi32>
    %jit3A_2060 = arith.constant 0 : i32
    %broadcast_in_dim3A_2061 = vector.broadcast %jit3A_2060 : i32 to vector<256x512xi32>
    %select_n3A_2062 = arith.select %eq3A_2055, %add3A_2059, %broadcast_in_dim3A_2061 : vector<256x512xi1>, vector<256x512xi32>
    %reduce_sum3A_2063 = arith.constant dense<0> : vector<512xi32>
    %reduce_sum3A_2064 = vector.multi_reduction <add>, %select_n3A_2062, %reduce_sum3A_2063 [0] : vector<256x512xi32> to vector<512xi32>
    %broadcast_in_dim3A_2065 = vector.shape_cast %reduce_sum3A_2064 : vector<512xi32> to vector<1x512xi32>
    %add3A_2066 = arith.addi %add3A_2024, %broadcast_in_dim3A_2065 : vector<1x512xi32>
    %jit3A_2067 = arith.constant 0.000000e+00 : f32
    %broadcast_in_dim3A_2068 = vector.shape_cast %slice3A_2034 : vector<256x1xf32> to vector<256x1xf32>
    %broadcast_in_dim3A_2069 = vector.broadcast %broadcast_in_dim3A_2068 : vector<256x1xf32> to vector<256x512xf32>
    %broadcast_in_dim3A_2070 = vector.broadcast %jit3A_2067 : f32 to vector<256x512xf32>
    %select_n3A_2071 = arith.select %eq3A_2055, %broadcast_in_dim3A_2069, %broadcast_in_dim3A_2070 : vector<256x512xi1>, vector<256x512xf32>
    %reduce_sum3A_2072 = arith.constant dense<0.000000e+00> : vector<512xf32>
    %reduce_sum3A_2073 = vector.multi_reduction <add>, %select_n3A_2071, %reduce_sum3A_2072 [0] : vector<256x512xf32> to vector<512xf32>
    %broadcast_in_dim3A_2074 = vector.shape_cast %reduce_sum3A_2073 : vector<512xf32> to vector<1x512xf32>
    %add3A_2075 = arith.addf %add3A_2033, %broadcast_in_dim3A_2074 : vector<1x512xf32>
    %slice3A_2076 = vector.extract_strided_slice %slice3A_1777 {offsets = [1792, 0], sizes = [256, 1], strides = [1, 1]} : vector<2048x1xf32> to vector<256x1xf32>
    %iota3A_2077 = tpu.iota {dimensions = array<i32: 1>} : vector<256x2048xi32>
    %iota3A_2078 = tpu.iota {dimensions = array<i32: 0>} : vector<256x2048xi32>
    %add3A_2079 = arith.constant 1792 : i32
    %add3A_2080 = vector.broadcast %add3A_2079 : i32 to vector<256x2048xi32>
    %add3A_2081 = arith.addi %add3A_2080, %iota3A_2078 : vector<256x2048xi32>
    %gt3A_2082 = vector.broadcast %slice3A_1776 : vector<1x2048xf32> to vector<256x2048xf32>
    %gt3A_2083 = vector.broadcast %slice3A_2076 : vector<256x1xf32> to vector<256x2048xf32>
    %gt3A_2084 = arith.cmpf ogt, %gt3A_2082, %gt3A_2083 : vector<256x2048xf32>
    %eq3A_2085 = vector.broadcast %slice3A_1776 : vector<1x2048xf32> to vector<256x2048xf32>
    %eq3A_2086 = vector.broadcast %slice3A_2076 : vector<256x1xf32> to vector<256x2048xf32>
    %eq3A_2087 = arith.cmpf oeq, %eq3A_2085, %eq3A_2086 : vector<256x2048xf32>
    %lt3A_2088 = arith.cmpi slt, %iota3A_2077, %add3A_2081 : vector<256x2048xi32>
    %and3A_2089 = arith.andi %eq3A_2087, %lt3A_2088 : vector<256x2048xi1>
    %or3A_2090 = arith.ori %gt3A_2084, %and3A_2089 : vector<256x2048xi1>
    %convert_element_type3A_2091 = arith.extui %or3A_2090 : vector<256x2048xi1> to vector<256x2048xi32>
    %reduce_sum3A_2092 = arith.constant dense<0> : vector<256xi32>
    %reduce_sum3A_2093 = vector.multi_reduction <add>, %convert_element_type3A_2091, %reduce_sum3A_2092 [1] : vector<256x2048xi32> to vector<256xi32>
    %broadcast_in_dim3A_2094 = vector.shape_cast %reduce_sum3A_2093 : vector<256xi32> to vector<256x1xi32>
    %iota3A_2095 = tpu.iota {dimensions = array<i32: 1>} : vector<256x512xi32>
    %eq3A_2096 = vector.broadcast %broadcast_in_dim3A_2094 : vector<256x1xi32> to vector<256x512xi32>
    %eq3A_2097 = arith.cmpi eq, %eq3A_2096, %iota3A_2095 : vector<256x512xi32>
    %iota3A_2098 = tpu.iota {dimensions = array<i32: 0>} : vector<256x512xi32>
    %add3A_2099 = arith.constant 1792 : i32
    %add3A_2100 = vector.broadcast %add3A_2099 : i32 to vector<256x512xi32>
    %add3A_2101 = arith.addi %add3A_2100, %iota3A_2098 : vector<256x512xi32>
    %jit3A_2102 = arith.constant 0 : i32
    %broadcast_in_dim3A_2103 = vector.broadcast %jit3A_2102 : i32 to vector<256x512xi32>
    %select_n3A_2104 = arith.select %eq3A_2097, %add3A_2101, %broadcast_in_dim3A_2103 : vector<256x512xi1>, vector<256x512xi32>
    %reduce_sum3A_2105 = arith.constant dense<0> : vector<512xi32>
    %reduce_sum3A_2106 = vector.multi_reduction <add>, %select_n3A_2104, %reduce_sum3A_2105 [0] : vector<256x512xi32> to vector<512xi32>
    %broadcast_in_dim3A_2107 = vector.shape_cast %reduce_sum3A_2106 : vector<512xi32> to vector<1x512xi32>
    %add3A_2108 = arith.addi %add3A_2066, %broadcast_in_dim3A_2107 : vector<1x512xi32>
    %jit3A_2109 = arith.constant 0.000000e+00 : f32
    %broadcast_in_dim3A_2110 = vector.shape_cast %slice3A_2076 : vector<256x1xf32> to vector<256x1xf32>
    %broadcast_in_dim3A_2111 = vector.broadcast %broadcast_in_dim3A_2110 : vector<256x1xf32> to vector<256x512xf32>
    %broadcast_in_dim3A_2112 = vector.broadcast %jit3A_2109 : f32 to vector<256x512xf32>
    %select_n3A_2113 = arith.select %eq3A_2097, %broadcast_in_dim3A_2111, %broadcast_in_dim3A_2112 : vector<256x512xi1>, vector<256x512xf32>
    %reduce_sum3A_2114 = arith.constant dense<0.000000e+00> : vector<512xf32>
    %reduce_sum3A_2115 = vector.multi_reduction <add>, %select_n3A_2113, %reduce_sum3A_2114 [0] : vector<256x512xf32> to vector<512xf32>
    %broadcast_in_dim3A_2116 = vector.shape_cast %reduce_sum3A_2115 : vector<512xf32> to vector<1x512xf32>
    %add3A_2117 = arith.addf %add3A_2075, %broadcast_in_dim3A_2116 : vector<1x512xf32>
    %swap3A_2118 = arith.constant 0 : index
    %swap3A_2119 = arith.constant 0 : index
    %swap3A_2120 = arith.constant 2560 : index
    %swap3A_2121 = vector.load %arg4[%swap3A_2118, %swap3A_2119, %swap3A_2120] : memref<1x1x4096xi32, #tpu.memory_space<vmem>>, vector<1x1x512xi32>
    %swap3A_2122 = vector.shape_cast %swap3A_2121 : vector<1x1x512xi32> to vector<1x512xi32>
    %swap3A_2123 = vector.shape_cast %add3A_2108 : vector<1x512xi32> to vector<1x1x512xi32>
    tpu.vector_store %arg4[%swap3A_2118, %swap3A_2119, %swap3A_2120], %swap3A_2123 {strides = array<i32>} : memref<1x1x4096xi32, #tpu.memory_space<vmem>>, vector<1x1x512xi32>,
    %swap3A_2124 = arith.constant 0 : index
    %swap3A_2125 = arith.constant 0 : index
    %swap3A_2126 = arith.constant 2560 : index
    %swap3A_2127 = vector.load %arg5[%swap3A_2124, %swap3A_2125, %swap3A_2126] : memref<1x1x4096xf32, #tpu.memory_space<vmem>>, vector<1x1x512xf32>
    %swap3A_2128 = vector.shape_cast %swap3A_2127 : vector<1x1x512xf32> to vector<1x512xf32>
    %swap3A_2129 = vector.shape_cast %add3A_2117 : vector<1x512xf32> to vector<1x1x512xf32>
    tpu.vector_store %arg5[%swap3A_2124, %swap3A_2125, %swap3A_2126], %swap3A_2129 {strides = array<i32>} : memref<1x1x4096xf32, #tpu.memory_space<vmem>>, vector<1x1x512xf32>,
    %slice3A_2130 = vector.extract_strided_slice %div3A_17 {offsets = [6, 0], sizes = [1, 2048], strides = [1, 1]} : vector<8x2048xf32> to vector<1x2048xf32>
    %slice3A_2131 = vector.extract_strided_slice %transpose3A {offsets = [0, 6], sizes = [2048, 1], strides = [1, 1]} : vector<2048x8xf32> to vector<2048x1xf32>
    %broadcast_in_dim3A_2132 = arith.constant 0 : i32
    %broadcast_in_dim3A_2133 = vector.broadcast %broadcast_in_dim3A_2132 : i32 to vector<1x512xi32>
    %broadcast_in_dim3A_2134 = arith.constant 0.000000e+00 : f32
    %broadcast_in_dim3A_2135 = vector.broadcast %broadcast_in_dim3A_2134 : f32 to vector<1x512xf32>
    %slice3A_2136 = vector.extract_strided_slice %slice3A_2131 {offsets = [0, 0], sizes = [256, 1], strides = [1, 1]} : vector<2048x1xf32> to vector<256x1xf32>
    %iota3A_2137 = tpu.iota {dimensions = array<i32: 1>} : vector<256x2048xi32>
    %iota3A_2138 = tpu.iota {dimensions = array<i32: 0>} : vector<256x2048xi32>
    %add3A_2139 = arith.constant 0 : i32
    %add3A_2140 = vector.broadcast %add3A_2139 : i32 to vector<256x2048xi32>
    %add3A_2141 = arith.addi %add3A_2140, %iota3A_2138 : vector<256x2048xi32>
    %gt3A_2142 = vector.broadcast %slice3A_2130 : vector<1x2048xf32> to vector<256x2048xf32>
    %gt3A_2143 = vector.broadcast %slice3A_2136 : vector<256x1xf32> to vector<256x2048xf32>
    %gt3A_2144 = arith.cmpf ogt, %gt3A_2142, %gt3A_2143 : vector<256x2048xf32>
    %eq3A_2145 = vector.broadcast %slice3A_2130 : vector<1x2048xf32> to vector<256x2048xf32>
    %eq3A_2146 = vector.broadcast %slice3A_2136 : vector<256x1xf32> to vector<256x2048xf32>
    %eq3A_2147 = arith.cmpf oeq, %eq3A_2145, %eq3A_2146 : vector<256x2048xf32>
    %lt3A_2148 = arith.cmpi slt, %iota3A_2137, %add3A_2141 : vector<256x2048xi32>
    %and3A_2149 = arith.andi %eq3A_2147, %lt3A_2148 : vector<256x2048xi1>
    %or3A_2150 = arith.ori %gt3A_2144, %and3A_2149 : vector<256x2048xi1>
    %convert_element_type3A_2151 = arith.extui %or3A_2150 : vector<256x2048xi1> to vector<256x2048xi32>
    %reduce_sum3A_2152 = arith.constant dense<0> : vector<256xi32>
    %reduce_sum3A_2153 = vector.multi_reduction <add>, %convert_element_type3A_2151, %reduce_sum3A_2152 [1] : vector<256x2048xi32> to vector<256xi32>
    %broadcast_in_dim3A_2154 = vector.shape_cast %reduce_sum3A_2153 : vector<256xi32> to vector<256x1xi32>
    %iota3A_2155 = tpu.iota {dimensions = array<i32: 1>} : vector<256x512xi32>
    %eq3A_2156 = vector.broadcast %broadcast_in_dim3A_2154 : vector<256x1xi32> to vector<256x512xi32>
    %eq3A_2157 = arith.cmpi eq, %eq3A_2156, %iota3A_2155 : vector<256x512xi32>
    %iota3A_2158 = tpu.iota {dimensions = array<i32: 0>} : vector<256x512xi32>
    %add3A_2159 = arith.constant 0 : i32
    %add3A_2160 = vector.broadcast %add3A_2159 : i32 to vector<256x512xi32>
    %add3A_2161 = arith.addi %add3A_2160, %iota3A_2158 : vector<256x512xi32>
    %jit3A_2162 = arith.constant 0 : i32
    %broadcast_in_dim3A_2163 = vector.broadcast %jit3A_2162 : i32 to vector<256x512xi32>
    %select_n3A_2164 = arith.select %eq3A_2157, %add3A_2161, %broadcast_in_dim3A_2163 : vector<256x512xi1>, vector<256x512xi32>
    %reduce_sum3A_2165 = arith.constant dense<0> : vector<512xi32>
    %reduce_sum3A_2166 = vector.multi_reduction <add>, %select_n3A_2164, %reduce_sum3A_2165 [0] : vector<256x512xi32> to vector<512xi32>
    %broadcast_in_dim3A_2167 = vector.shape_cast %reduce_sum3A_2166 : vector<512xi32> to vector<1x512xi32>
    %add3A_2168 = arith.addi %broadcast_in_dim3A_2133, %broadcast_in_dim3A_2167 : vector<1x512xi32>
    %jit3A_2169 = arith.constant 0.000000e+00 : f32
    %broadcast_in_dim3A_2170 = vector.shape_cast %slice3A_2136 : vector<256x1xf32> to vector<256x1xf32>
    %broadcast_in_dim3A_2171 = vector.broadcast %broadcast_in_dim3A_2170 : vector<256x1xf32> to vector<256x512xf32>
    %broadcast_in_dim3A_2172 = vector.broadcast %jit3A_2169 : f32 to vector<256x512xf32>
    %select_n3A_2173 = arith.select %eq3A_2157, %broadcast_in_dim3A_2171, %broadcast_in_dim3A_2172 : vector<256x512xi1>, vector<256x512xf32>
    %reduce_sum3A_2174 = arith.constant dense<0.000000e+00> : vector<512xf32>
    %reduce_sum3A_2175 = vector.multi_reduction <add>, %select_n3A_2173, %reduce_sum3A_2174 [0] : vector<256x512xf32> to vector<512xf32>
    %broadcast_in_dim3A_2176 = vector.shape_cast %reduce_sum3A_2175 : vector<512xf32> to vector<1x512xf32>
    %add3A_2177 = arith.addf %broadcast_in_dim3A_2135, %broadcast_in_dim3A_2176 : vector<1x512xf32>
    %slice3A_2178 = vector.extract_strided_slice %slice3A_2131 {offsets = [256, 0], sizes = [256, 1], strides = [1, 1]} : vector<2048x1xf32> to vector<256x1xf32>
    %iota3A_2179 = tpu.iota {dimensions = array<i32: 1>} : vector<256x2048xi32>
    %iota3A_2180 = tpu.iota {dimensions = array<i32: 0>} : vector<256x2048xi32>
    %add3A_2181 = arith.constant 256 : i32
    %add3A_2182 = vector.broadcast %add3A_2181 : i32 to vector<256x2048xi32>
    %add3A_2183 = arith.addi %add3A_2182, %iota3A_2180 : vector<256x2048xi32>
    %gt3A_2184 = vector.broadcast %slice3A_2130 : vector<1x2048xf32> to vector<256x2048xf32>
    %gt3A_2185 = vector.broadcast %slice3A_2178 : vector<256x1xf32> to vector<256x2048xf32>
    %gt3A_2186 = arith.cmpf ogt, %gt3A_2184, %gt3A_2185 : vector<256x2048xf32>
    %eq3A_2187 = vector.broadcast %slice3A_2130 : vector<1x2048xf32> to vector<256x2048xf32>
    %eq3A_2188 = vector.broadcast %slice3A_2178 : vector<256x1xf32> to vector<256x2048xf32>
    %eq3A_2189 = arith.cmpf oeq, %eq3A_2187, %eq3A_2188 : vector<256x2048xf32>
    %lt3A_2190 = arith.cmpi slt, %iota3A_2179, %add3A_2183 : vector<256x2048xi32>
    %and3A_2191 = arith.andi %eq3A_2189, %lt3A_2190 : vector<256x2048xi1>
    %or3A_2192 = arith.ori %gt3A_2186, %and3A_2191 : vector<256x2048xi1>
    %convert_element_type3A_2193 = arith.extui %or3A_2192 : vector<256x2048xi1> to vector<256x2048xi32>
    %reduce_sum3A_2194 = arith.constant dense<0> : vector<256xi32>
    %reduce_sum3A_2195 = vector.multi_reduction <add>, %convert_element_type3A_2193, %reduce_sum3A_2194 [1] : vector<256x2048xi32> to vector<256xi32>
    %broadcast_in_dim3A_2196 = vector.shape_cast %reduce_sum3A_2195 : vector<256xi32> to vector<256x1xi32>
    %iota3A_2197 = tpu.iota {dimensions = array<i32: 1>} : vector<256x512xi32>
    %eq3A_2198 = vector.broadcast %broadcast_in_dim3A_2196 : vector<256x1xi32> to vector<256x512xi32>
    %eq3A_2199 = arith.cmpi eq, %eq3A_2198, %iota3A_2197 : vector<256x512xi32>
    %iota3A_2200 = tpu.iota {dimensions = array<i32: 0>} : vector<256x512xi32>
    %add3A_2201 = arith.constant 256 : i32
    %add3A_2202 = vector.broadcast %add3A_2201 : i32 to vector<256x512xi32>
    %add3A_2203 = arith.addi %add3A_2202, %iota3A_2200 : vector<256x512xi32>
    %jit3A_2204 = arith.constant 0 : i32
    %broadcast_in_dim3A_2205 = vector.broadcast %jit3A_2204 : i32 to vector<256x512xi32>
    %select_n3A_2206 = arith.select %eq3A_2199, %add3A_2203, %broadcast_in_dim3A_2205 : vector<256x512xi1>, vector<256x512xi32>
    %reduce_sum3A_2207 = arith.constant dense<0> : vector<512xi32>
    %reduce_sum3A_2208 = vector.multi_reduction <add>, %select_n3A_2206, %reduce_sum3A_2207 [0] : vector<256x512xi32> to vector<512xi32>
    %broadcast_in_dim3A_2209 = vector.shape_cast %reduce_sum3A_2208 : vector<512xi32> to vector<1x512xi32>
    %add3A_2210 = arith.addi %add3A_2168, %broadcast_in_dim3A_2209 : vector<1x512xi32>
    %jit3A_2211 = arith.constant 0.000000e+00 : f32
    %broadcast_in_dim3A_2212 = vector.shape_cast %slice3A_2178 : vector<256x1xf32> to vector<256x1xf32>
    %broadcast_in_dim3A_2213 = vector.broadcast %broadcast_in_dim3A_2212 : vector<256x1xf32> to vector<256x512xf32>
    %broadcast_in_dim3A_2214 = vector.broadcast %jit3A_2211 : f32 to vector<256x512xf32>
    %select_n3A_2215 = arith.select %eq3A_2199, %broadcast_in_dim3A_2213, %broadcast_in_dim3A_2214 : vector<256x512xi1>, vector<256x512xf32>
    %reduce_sum3A_2216 = arith.constant dense<0.000000e+00> : vector<512xf32>
    %reduce_sum3A_2217 = vector.multi_reduction <add>, %select_n3A_2215, %reduce_sum3A_2216 [0] : vector<256x512xf32> to vector<512xf32>
    %broadcast_in_dim3A_2218 = vector.shape_cast %reduce_sum3A_2217 : vector<512xf32> to vector<1x512xf32>
    %add3A_2219 = arith.addf %add3A_2177, %broadcast_in_dim3A_2218 : vector<1x512xf32>
    %slice3A_2220 = vector.extract_strided_slice %slice3A_2131 {offsets = [512, 0], sizes = [256, 1], strides = [1, 1]} : vector<2048x1xf32> to vector<256x1xf32>
    %iota3A_2221 = tpu.iota {dimensions = array<i32: 1>} : vector<256x2048xi32>
    %iota3A_2222 = tpu.iota {dimensions = array<i32: 0>} : vector<256x2048xi32>
    %add3A_2223 = arith.constant 512 : i32
    %add3A_2224 = vector.broadcast %add3A_2223 : i32 to vector<256x2048xi32>
    %add3A_2225 = arith.addi %add3A_2224, %iota3A_2222 : vector<256x2048xi32>
    %gt3A_2226 = vector.broadcast %slice3A_2130 : vector<1x2048xf32> to vector<256x2048xf32>
    %gt3A_2227 = vector.broadcast %slice3A_2220 : vector<256x1xf32> to vector<256x2048xf32>
    %gt3A_2228 = arith.cmpf ogt, %gt3A_2226, %gt3A_2227 : vector<256x2048xf32>
    %eq3A_2229 = vector.broadcast %slice3A_2130 : vector<1x2048xf32> to vector<256x2048xf32>
    %eq3A_2230 = vector.broadcast %slice3A_2220 : vector<256x1xf32> to vector<256x2048xf32>
    %eq3A_2231 = arith.cmpf oeq, %eq3A_2229, %eq3A_2230 : vector<256x2048xf32>
    %lt3A_2232 = arith.cmpi slt, %iota3A_2221, %add3A_2225 : vector<256x2048xi32>
    %and3A_2233 = arith.andi %eq3A_2231, %lt3A_2232 : vector<256x2048xi1>
    %or3A_2234 = arith.ori %gt3A_2228, %and3A_2233 : vector<256x2048xi1>
    %convert_element_type3A_2235 = arith.extui %or3A_2234 : vector<256x2048xi1> to vector<256x2048xi32>
    %reduce_sum3A_2236 = arith.constant dense<0> : vector<256xi32>
    %reduce_sum3A_2237 = vector.multi_reduction <add>, %convert_element_type3A_2235, %reduce_sum3A_2236 [1] : vector<256x2048xi32> to vector<256xi32>
    %broadcast_in_dim3A_2238 = vector.shape_cast %reduce_sum3A_2237 : vector<256xi32> to vector<256x1xi32>
    %iota3A_2239 = tpu.iota {dimensions = array<i32: 1>} : vector<256x512xi32>
    %eq3A_2240 = vector.broadcast %broadcast_in_dim3A_2238 : vector<256x1xi32> to vector<256x512xi32>
    %eq3A_2241 = arith.cmpi eq, %eq3A_2240, %iota3A_2239 : vector<256x512xi32>
    %iota3A_2242 = tpu.iota {dimensions = array<i32: 0>} : vector<256x512xi32>
    %add3A_2243 = arith.constant 512 : i32
    %add3A_2244 = vector.broadcast %add3A_2243 : i32 to vector<256x512xi32>
    %add3A_2245 = arith.addi %add3A_2244, %iota3A_2242 : vector<256x512xi32>
    %jit3A_2246 = arith.constant 0 : i32
    %broadcast_in_dim3A_2247 = vector.broadcast %jit3A_2246 : i32 to vector<256x512xi32>
    %select_n3A_2248 = arith.select %eq3A_2241, %add3A_2245, %broadcast_in_dim3A_2247 : vector<256x512xi1>, vector<256x512xi32>
    %reduce_sum3A_2249 = arith.constant dense<0> : vector<512xi32>
    %reduce_sum3A_2250 = vector.multi_reduction <add>, %select_n3A_2248, %reduce_sum3A_2249 [0] : vector<256x512xi32> to vector<512xi32>
    %broadcast_in_dim3A_2251 = vector.shape_cast %reduce_sum3A_2250 : vector<512xi32> to vector<1x512xi32>
    %add3A_2252 = arith.addi %add3A_2210, %broadcast_in_dim3A_2251 : vector<1x512xi32>
    %jit3A_2253 = arith.constant 0.000000e+00 : f32
    %broadcast_in_dim3A_2254 = vector.shape_cast %slice3A_2220 : vector<256x1xf32> to vector<256x1xf32>
    %broadcast_in_dim3A_2255 = vector.broadcast %broadcast_in_dim3A_2254 : vector<256x1xf32> to vector<256x512xf32>
    %broadcast_in_dim3A_2256 = vector.broadcast %jit3A_2253 : f32 to vector<256x512xf32>
    %select_n3A_2257 = arith.select %eq3A_2241, %broadcast_in_dim3A_2255, %broadcast_in_dim3A_2256 : vector<256x512xi1>, vector<256x512xf32>
    %reduce_sum3A_2258 = arith.constant dense<0.000000e+00> : vector<512xf32>
    %reduce_sum3A_2259 = vector.multi_reduction <add>, %select_n3A_2257, %reduce_sum3A_2258 [0] : vector<256x512xf32> to vector<512xf32>
    %broadcast_in_dim3A_2260 = vector.shape_cast %reduce_sum3A_2259 : vector<512xf32> to vector<1x512xf32>
    %add3A_2261 = arith.addf %add3A_2219, %broadcast_in_dim3A_2260 : vector<1x512xf32>
    %slice3A_2262 = vector.extract_strided_slice %slice3A_2131 {offsets = [768, 0], sizes = [256, 1], strides = [1, 1]} : vector<2048x1xf32> to vector<256x1xf32>
    %iota3A_2263 = tpu.iota {dimensions = array<i32: 1>} : vector<256x2048xi32>
    %iota3A_2264 = tpu.iota {dimensions = array<i32: 0>} : vector<256x2048xi32>
    %add3A_2265 = arith.constant 768 : i32
    %add3A_2266 = vector.broadcast %add3A_2265 : i32 to vector<256x2048xi32>
    %add3A_2267 = arith.addi %add3A_2266, %iota3A_2264 : vector<256x2048xi32>
    %gt3A_2268 = vector.broadcast %slice3A_2130 : vector<1x2048xf32> to vector<256x2048xf32>
    %gt3A_2269 = vector.broadcast %slice3A_2262 : vector<256x1xf32> to vector<256x2048xf32>
    %gt3A_2270 = arith.cmpf ogt, %gt3A_2268, %gt3A_2269 : vector<256x2048xf32>
    %eq3A_2271 = vector.broadcast %slice3A_2130 : vector<1x2048xf32> to vector<256x2048xf32>
    %eq3A_2272 = vector.broadcast %slice3A_2262 : vector<256x1xf32> to vector<256x2048xf32>
    %eq3A_2273 = arith.cmpf oeq, %eq3A_2271, %eq3A_2272 : vector<256x2048xf32>
    %lt3A_2274 = arith.cmpi slt, %iota3A_2263, %add3A_2267 : vector<256x2048xi32>
    %and3A_2275 = arith.andi %eq3A_2273, %lt3A_2274 : vector<256x2048xi1>
    %or3A_2276 = arith.ori %gt3A_2270, %and3A_2275 : vector<256x2048xi1>
    %convert_element_type3A_2277 = arith.extui %or3A_2276 : vector<256x2048xi1> to vector<256x2048xi32>
    %reduce_sum3A_2278 = arith.constant dense<0> : vector<256xi32>
    %reduce_sum3A_2279 = vector.multi_reduction <add>, %convert_element_type3A_2277, %reduce_sum3A_2278 [1] : vector<256x2048xi32> to vector<256xi32>
    %broadcast_in_dim3A_2280 = vector.shape_cast %reduce_sum3A_2279 : vector<256xi32> to vector<256x1xi32>
    %iota3A_2281 = tpu.iota {dimensions = array<i32: 1>} : vector<256x512xi32>
    %eq3A_2282 = vector.broadcast %broadcast_in_dim3A_2280 : vector<256x1xi32> to vector<256x512xi32>
    %eq3A_2283 = arith.cmpi eq, %eq3A_2282, %iota3A_2281 : vector<256x512xi32>
    %iota3A_2284 = tpu.iota {dimensions = array<i32: 0>} : vector<256x512xi32>
    %add3A_2285 = arith.constant 768 : i32
    %add3A_2286 = vector.broadcast %add3A_2285 : i32 to vector<256x512xi32>
    %add3A_2287 = arith.addi %add3A_2286, %iota3A_2284 : vector<256x512xi32>
    %jit3A_2288 = arith.constant 0 : i32
    %broadcast_in_dim3A_2289 = vector.broadcast %jit3A_2288 : i32 to vector<256x512xi32>
    %select_n3A_2290 = arith.select %eq3A_2283, %add3A_2287, %broadcast_in_dim3A_2289 : vector<256x512xi1>, vector<256x512xi32>
    %reduce_sum3A_2291 = arith.constant dense<0> : vector<512xi32>
    %reduce_sum3A_2292 = vector.multi_reduction <add>, %select_n3A_2290, %reduce_sum3A_2291 [0] : vector<256x512xi32> to vector<512xi32>
    %broadcast_in_dim3A_2293 = vector.shape_cast %reduce_sum3A_2292 : vector<512xi32> to vector<1x512xi32>
    %add3A_2294 = arith.addi %add3A_2252, %broadcast_in_dim3A_2293 : vector<1x512xi32>
    %jit3A_2295 = arith.constant 0.000000e+00 : f32
    %broadcast_in_dim3A_2296 = vector.shape_cast %slice3A_2262 : vector<256x1xf32> to vector<256x1xf32>
    %broadcast_in_dim3A_2297 = vector.broadcast %broadcast_in_dim3A_2296 : vector<256x1xf32> to vector<256x512xf32>
    %broadcast_in_dim3A_2298 = vector.broadcast %jit3A_2295 : f32 to vector<256x512xf32>
    %select_n3A_2299 = arith.select %eq3A_2283, %broadcast_in_dim3A_2297, %broadcast_in_dim3A_2298 : vector<256x512xi1>, vector<256x512xf32>
    %reduce_sum3A_2300 = arith.constant dense<0.000000e+00> : vector<512xf32>
    %reduce_sum3A_2301 = vector.multi_reduction <add>, %select_n3A_2299, %reduce_sum3A_2300 [0] : vector<256x512xf32> to vector<512xf32>
    %broadcast_in_dim3A_2302 = vector.shape_cast %reduce_sum3A_2301 : vector<512xf32> to vector<1x512xf32>
    %add3A_2303 = arith.addf %add3A_2261, %broadcast_in_dim3A_2302 : vector<1x512xf32>
    %slice3A_2304 = vector.extract_strided_slice %slice3A_2131 {offsets = [1024, 0], sizes = [256, 1], strides = [1, 1]} : vector<2048x1xf32> to vector<256x1xf32>
    %iota3A_2305 = tpu.iota {dimensions = array<i32: 1>} : vector<256x2048xi32>
    %iota3A_2306 = tpu.iota {dimensions = array<i32: 0>} : vector<256x2048xi32>
    %add3A_2307 = arith.constant 1024 : i32
    %add3A_2308 = vector.broadcast %add3A_2307 : i32 to vector<256x2048xi32>
    %add3A_2309 = arith.addi %add3A_2308, %iota3A_2306 : vector<256x2048xi32>
    %gt3A_2310 = vector.broadcast %slice3A_2130 : vector<1x2048xf32> to vector<256x2048xf32>
    %gt3A_2311 = vector.broadcast %slice3A_2304 : vector<256x1xf32> to vector<256x2048xf32>
    %gt3A_2312 = arith.cmpf ogt, %gt3A_2310, %gt3A_2311 : vector<256x2048xf32>
    %eq3A_2313 = vector.broadcast %slice3A_2130 : vector<1x2048xf32> to vector<256x2048xf32>
    %eq3A_2314 = vector.broadcast %slice3A_2304 : vector<256x1xf32> to vector<256x2048xf32>
    %eq3A_2315 = arith.cmpf oeq, %eq3A_2313, %eq3A_2314 : vector<256x2048xf32>
    %lt3A_2316 = arith.cmpi slt, %iota3A_2305, %add3A_2309 : vector<256x2048xi32>
    %and3A_2317 = arith.andi %eq3A_2315, %lt3A_2316 : vector<256x2048xi1>
    %or3A_2318 = arith.ori %gt3A_2312, %and3A_2317 : vector<256x2048xi1>
    %convert_element_type3A_2319 = arith.extui %or3A_2318 : vector<256x2048xi1> to vector<256x2048xi32>
    %reduce_sum3A_2320 = arith.constant dense<0> : vector<256xi32>
    %reduce_sum3A_2321 = vector.multi_reduction <add>, %convert_element_type3A_2319, %reduce_sum3A_2320 [1] : vector<256x2048xi32> to vector<256xi32>
    %broadcast_in_dim3A_2322 = vector.shape_cast %reduce_sum3A_2321 : vector<256xi32> to vector<256x1xi32>
    %iota3A_2323 = tpu.iota {dimensions = array<i32: 1>} : vector<256x512xi32>
    %eq3A_2324 = vector.broadcast %broadcast_in_dim3A_2322 : vector<256x1xi32> to vector<256x512xi32>
    %eq3A_2325 = arith.cmpi eq, %eq3A_2324, %iota3A_2323 : vector<256x512xi32>
    %iota3A_2326 = tpu.iota {dimensions = array<i32: 0>} : vector<256x512xi32>
    %add3A_2327 = arith.constant 1024 : i32
    %add3A_2328 = vector.broadcast %add3A_2327 : i32 to vector<256x512xi32>
    %add3A_2329 = arith.addi %add3A_2328, %iota3A_2326 : vector<256x512xi32>
    %jit3A_2330 = arith.constant 0 : i32
    %broadcast_in_dim3A_2331 = vector.broadcast %jit3A_2330 : i32 to vector<256x512xi32>
    %select_n3A_2332 = arith.select %eq3A_2325, %add3A_2329, %broadcast_in_dim3A_2331 : vector<256x512xi1>, vector<256x512xi32>
    %reduce_sum3A_2333 = arith.constant dense<0> : vector<512xi32>
    %reduce_sum3A_2334 = vector.multi_reduction <add>, %select_n3A_2332, %reduce_sum3A_2333 [0] : vector<256x512xi32> to vector<512xi32>
    %broadcast_in_dim3A_2335 = vector.shape_cast %reduce_sum3A_2334 : vector<512xi32> to vector<1x512xi32>
    %add3A_2336 = arith.addi %add3A_2294, %broadcast_in_dim3A_2335 : vector<1x512xi32>
    %jit3A_2337 = arith.constant 0.000000e+00 : f32
    %broadcast_in_dim3A_2338 = vector.shape_cast %slice3A_2304 : vector<256x1xf32> to vector<256x1xf32>
    %broadcast_in_dim3A_2339 = vector.broadcast %broadcast_in_dim3A_2338 : vector<256x1xf32> to vector<256x512xf32>
    %broadcast_in_dim3A_2340 = vector.broadcast %jit3A_2337 : f32 to vector<256x512xf32>
    %select_n3A_2341 = arith.select %eq3A_2325, %broadcast_in_dim3A_2339, %broadcast_in_dim3A_2340 : vector<256x512xi1>, vector<256x512xf32>
    %reduce_sum3A_2342 = arith.constant dense<0.000000e+00> : vector<512xf32>
    %reduce_sum3A_2343 = vector.multi_reduction <add>, %select_n3A_2341, %reduce_sum3A_2342 [0] : vector<256x512xf32> to vector<512xf32>
    %broadcast_in_dim3A_2344 = vector.shape_cast %reduce_sum3A_2343 : vector<512xf32> to vector<1x512xf32>
    %add3A_2345 = arith.addf %add3A_2303, %broadcast_in_dim3A_2344 : vector<1x512xf32>
    %slice3A_2346 = vector.extract_strided_slice %slice3A_2131 {offsets = [1280, 0], sizes = [256, 1], strides = [1, 1]} : vector<2048x1xf32> to vector<256x1xf32>
    %iota3A_2347 = tpu.iota {dimensions = array<i32: 1>} : vector<256x2048xi32>
    %iota3A_2348 = tpu.iota {dimensions = array<i32: 0>} : vector<256x2048xi32>
    %add3A_2349 = arith.constant 1280 : i32
    %add3A_2350 = vector.broadcast %add3A_2349 : i32 to vector<256x2048xi32>
    %add3A_2351 = arith.addi %add3A_2350, %iota3A_2348 : vector<256x2048xi32>
    %gt3A_2352 = vector.broadcast %slice3A_2130 : vector<1x2048xf32> to vector<256x2048xf32>
    %gt3A_2353 = vector.broadcast %slice3A_2346 : vector<256x1xf32> to vector<256x2048xf32>
    %gt3A_2354 = arith.cmpf ogt, %gt3A_2352, %gt3A_2353 : vector<256x2048xf32>
    %eq3A_2355 = vector.broadcast %slice3A_2130 : vector<1x2048xf32> to vector<256x2048xf32>
    %eq3A_2356 = vector.broadcast %slice3A_2346 : vector<256x1xf32> to vector<256x2048xf32>
    %eq3A_2357 = arith.cmpf oeq, %eq3A_2355, %eq3A_2356 : vector<256x2048xf32>
    %lt3A_2358 = arith.cmpi slt, %iota3A_2347, %add3A_2351 : vector<256x2048xi32>
    %and3A_2359 = arith.andi %eq3A_2357, %lt3A_2358 : vector<256x2048xi1>
    %or3A_2360 = arith.ori %gt3A_2354, %and3A_2359 : vector<256x2048xi1>
    %convert_element_type3A_2361 = arith.extui %or3A_2360 : vector<256x2048xi1> to vector<256x2048xi32>
    %reduce_sum3A_2362 = arith.constant dense<0> : vector<256xi32>
    %reduce_sum3A_2363 = vector.multi_reduction <add>, %convert_element_type3A_2361, %reduce_sum3A_2362 [1] : vector<256x2048xi32> to vector<256xi32>
    %broadcast_in_dim3A_2364 = vector.shape_cast %reduce_sum3A_2363 : vector<256xi32> to vector<256x1xi32>
    %iota3A_2365 = tpu.iota {dimensions = array<i32: 1>} : vector<256x512xi32>
    %eq3A_2366 = vector.broadcast %broadcast_in_dim3A_2364 : vector<256x1xi32> to vector<256x512xi32>
    %eq3A_2367 = arith.cmpi eq, %eq3A_2366, %iota3A_2365 : vector<256x512xi32>
    %iota3A_2368 = tpu.iota {dimensions = array<i32: 0>} : vector<256x512xi32>
    %add3A_2369 = arith.constant 1280 : i32
    %add3A_2370 = vector.broadcast %add3A_2369 : i32 to vector<256x512xi32>
    %add3A_2371 = arith.addi %add3A_2370, %iota3A_2368 : vector<256x512xi32>
    %jit3A_2372 = arith.constant 0 : i32
    %broadcast_in_dim3A_2373 = vector.broadcast %jit3A_2372 : i32 to vector<256x512xi32>
    %select_n3A_2374 = arith.select %eq3A_2367, %add3A_2371, %broadcast_in_dim3A_2373 : vector<256x512xi1>, vector<256x512xi32>
    %reduce_sum3A_2375 = arith.constant dense<0> : vector<512xi32>
    %reduce_sum3A_2376 = vector.multi_reduction <add>, %select_n3A_2374, %reduce_sum3A_2375 [0] : vector<256x512xi32> to vector<512xi32>
    %broadcast_in_dim3A_2377 = vector.shape_cast %reduce_sum3A_2376 : vector<512xi32> to vector<1x512xi32>
    %add3A_2378 = arith.addi %add3A_2336, %broadcast_in_dim3A_2377 : vector<1x512xi32>
    %jit3A_2379 = arith.constant 0.000000e+00 : f32
    %broadcast_in_dim3A_2380 = vector.shape_cast %slice3A_2346 : vector<256x1xf32> to vector<256x1xf32>
    %broadcast_in_dim3A_2381 = vector.broadcast %broadcast_in_dim3A_2380 : vector<256x1xf32> to vector<256x512xf32>
    %broadcast_in_dim3A_2382 = vector.broadcast %jit3A_2379 : f32 to vector<256x512xf32>
    %select_n3A_2383 = arith.select %eq3A_2367, %broadcast_in_dim3A_2381, %broadcast_in_dim3A_2382 : vector<256x512xi1>, vector<256x512xf32>
    %reduce_sum3A_2384 = arith.constant dense<0.000000e+00> : vector<512xf32>
    %reduce_sum3A_2385 = vector.multi_reduction <add>, %select_n3A_2383, %reduce_sum3A_2384 [0] : vector<256x512xf32> to vector<512xf32>
    %broadcast_in_dim3A_2386 = vector.shape_cast %reduce_sum3A_2385 : vector<512xf32> to vector<1x512xf32>
    %add3A_2387 = arith.addf %add3A_2345, %broadcast_in_dim3A_2386 : vector<1x512xf32>
    %slice3A_2388 = vector.extract_strided_slice %slice3A_2131 {offsets = [1536, 0], sizes = [256, 1], strides = [1, 1]} : vector<2048x1xf32> to vector<256x1xf32>
    %iota3A_2389 = tpu.iota {dimensions = array<i32: 1>} : vector<256x2048xi32>
    %iota3A_2390 = tpu.iota {dimensions = array<i32: 0>} : vector<256x2048xi32>
    %add3A_2391 = arith.constant 1536 : i32
    %add3A_2392 = vector.broadcast %add3A_2391 : i32 to vector<256x2048xi32>
    %add3A_2393 = arith.addi %add3A_2392, %iota3A_2390 : vector<256x2048xi32>
    %gt3A_2394 = vector.broadcast %slice3A_2130 : vector<1x2048xf32> to vector<256x2048xf32>
    %gt3A_2395 = vector.broadcast %slice3A_2388 : vector<256x1xf32> to vector<256x2048xf32>
    %gt3A_2396 = arith.cmpf ogt, %gt3A_2394, %gt3A_2395 : vector<256x2048xf32>
    %eq3A_2397 = vector.broadcast %slice3A_2130 : vector<1x2048xf32> to vector<256x2048xf32>
    %eq3A_2398 = vector.broadcast %slice3A_2388 : vector<256x1xf32> to vector<256x2048xf32>
    %eq3A_2399 = arith.cmpf oeq, %eq3A_2397, %eq3A_2398 : vector<256x2048xf32>
    %lt3A_2400 = arith.cmpi slt, %iota3A_2389, %add3A_2393 : vector<256x2048xi32>
    %and3A_2401 = arith.andi %eq3A_2399, %lt3A_2400 : vector<256x2048xi1>
    %or3A_2402 = arith.ori %gt3A_2396, %and3A_2401 : vector<256x2048xi1>
    %convert_element_type3A_2403 = arith.extui %or3A_2402 : vector<256x2048xi1> to vector<256x2048xi32>
    %reduce_sum3A_2404 = arith.constant dense<0> : vector<256xi32>
    %reduce_sum3A_2405 = vector.multi_reduction <add>, %convert_element_type3A_2403, %reduce_sum3A_2404 [1] : vector<256x2048xi32> to vector<256xi32>
    %broadcast_in_dim3A_2406 = vector.shape_cast %reduce_sum3A_2405 : vector<256xi32> to vector<256x1xi32>
    %iota3A_2407 = tpu.iota {dimensions = array<i32: 1>} : vector<256x512xi32>
    %eq3A_2408 = vector.broadcast %broadcast_in_dim3A_2406 : vector<256x1xi32> to vector<256x512xi32>
    %eq3A_2409 = arith.cmpi eq, %eq3A_2408, %iota3A_2407 : vector<256x512xi32>
    %iota3A_2410 = tpu.iota {dimensions = array<i32: 0>} : vector<256x512xi32>
    %add3A_2411 = arith.constant 1536 : i32
    %add3A_2412 = vector.broadcast %add3A_2411 : i32 to vector<256x512xi32>
    %add3A_2413 = arith.addi %add3A_2412, %iota3A_2410 : vector<256x512xi32>
    %jit3A_2414 = arith.constant 0 : i32
    %broadcast_in_dim3A_2415 = vector.broadcast %jit3A_2414 : i32 to vector<256x512xi32>
    %select_n3A_2416 = arith.select %eq3A_2409, %add3A_2413, %broadcast_in_dim3A_2415 : vector<256x512xi1>, vector<256x512xi32>
    %reduce_sum3A_2417 = arith.constant dense<0> : vector<512xi32>
    %reduce_sum3A_2418 = vector.multi_reduction <add>, %select_n3A_2416, %reduce_sum3A_2417 [0] : vector<256x512xi32> to vector<512xi32>
    %broadcast_in_dim3A_2419 = vector.shape_cast %reduce_sum3A_2418 : vector<512xi32> to vector<1x512xi32>
    %add3A_2420 = arith.addi %add3A_2378, %broadcast_in_dim3A_2419 : vector<1x512xi32>
    %jit3A_2421 = arith.constant 0.000000e+00 : f32
    %broadcast_in_dim3A_2422 = vector.shape_cast %slice3A_2388 : vector<256x1xf32> to vector<256x1xf32>
    %broadcast_in_dim3A_2423 = vector.broadcast %broadcast_in_dim3A_2422 : vector<256x1xf32> to vector<256x512xf32>
    %broadcast_in_dim3A_2424 = vector.broadcast %jit3A_2421 : f32 to vector<256x512xf32>
    %select_n3A_2425 = arith.select %eq3A_2409, %broadcast_in_dim3A_2423, %broadcast_in_dim3A_2424 : vector<256x512xi1>, vector<256x512xf32>
    %reduce_sum3A_2426 = arith.constant dense<0.000000e+00> : vector<512xf32>
    %reduce_sum3A_2427 = vector.multi_reduction <add>, %select_n3A_2425, %reduce_sum3A_2426 [0] : vector<256x512xf32> to vector<512xf32>
    %broadcast_in_dim3A_2428 = vector.shape_cast %reduce_sum3A_2427 : vector<512xf32> to vector<1x512xf32>
    %add3A_2429 = arith.addf %add3A_2387, %broadcast_in_dim3A_2428 : vector<1x512xf32>
    %slice3A_2430 = vector.extract_strided_slice %slice3A_2131 {offsets = [1792, 0], sizes = [256, 1], strides = [1, 1]} : vector<2048x1xf32> to vector<256x1xf32>
    %iota3A_2431 = tpu.iota {dimensions = array<i32: 1>} : vector<256x2048xi32>
    %iota3A_2432 = tpu.iota {dimensions = array<i32: 0>} : vector<256x2048xi32>
    %add3A_2433 = arith.constant 1792 : i32
    %add3A_2434 = vector.broadcast %add3A_2433 : i32 to vector<256x2048xi32>
    %add3A_2435 = arith.addi %add3A_2434, %iota3A_2432 : vector<256x2048xi32>
    %gt3A_2436 = vector.broadcast %slice3A_2130 : vector<1x2048xf32> to vector<256x2048xf32>
    %gt3A_2437 = vector.broadcast %slice3A_2430 : vector<256x1xf32> to vector<256x2048xf32>
    %gt3A_2438 = arith.cmpf ogt, %gt3A_2436, %gt3A_2437 : vector<256x2048xf32>
    %eq3A_2439 = vector.broadcast %slice3A_2130 : vector<1x2048xf32> to vector<256x2048xf32>
    %eq3A_2440 = vector.broadcast %slice3A_2430 : vector<256x1xf32> to vector<256x2048xf32>
    %eq3A_2441 = arith.cmpf oeq, %eq3A_2439, %eq3A_2440 : vector<256x2048xf32>
    %lt3A_2442 = arith.cmpi slt, %iota3A_2431, %add3A_2435 : vector<256x2048xi32>
    %and3A_2443 = arith.andi %eq3A_2441, %lt3A_2442 : vector<256x2048xi1>
    %or3A_2444 = arith.ori %gt3A_2438, %and3A_2443 : vector<256x2048xi1>
    %convert_element_type3A_2445 = arith.extui %or3A_2444 : vector<256x2048xi1> to vector<256x2048xi32>
    %reduce_sum3A_2446 = arith.constant dense<0> : vector<256xi32>
    %reduce_sum3A_2447 = vector.multi_reduction <add>, %convert_element_type3A_2445, %reduce_sum3A_2446 [1] : vector<256x2048xi32> to vector<256xi32>
    %broadcast_in_dim3A_2448 = vector.shape_cast %reduce_sum3A_2447 : vector<256xi32> to vector<256x1xi32>
    %iota3A_2449 = tpu.iota {dimensions = array<i32: 1>} : vector<256x512xi32>
    %eq3A_2450 = vector.broadcast %broadcast_in_dim3A_2448 : vector<256x1xi32> to vector<256x512xi32>
    %eq3A_2451 = arith.cmpi eq, %eq3A_2450, %iota3A_2449 : vector<256x512xi32>
    %iota3A_2452 = tpu.iota {dimensions = array<i32: 0>} : vector<256x512xi32>
    %add3A_2453 = arith.constant 1792 : i32
    %add3A_2454 = vector.broadcast %add3A_2453 : i32 to vector<256x512xi32>
    %add3A_2455 = arith.addi %add3A_2454, %iota3A_2452 : vector<256x512xi32>
    %jit3A_2456 = arith.constant 0 : i32
    %broadcast_in_dim3A_2457 = vector.broadcast %jit3A_2456 : i32 to vector<256x512xi32>
    %select_n3A_2458 = arith.select %eq3A_2451, %add3A_2455, %broadcast_in_dim3A_2457 : vector<256x512xi1>, vector<256x512xi32>
    %reduce_sum3A_2459 = arith.constant dense<0> : vector<512xi32>
    %reduce_sum3A_2460 = vector.multi_reduction <add>, %select_n3A_2458, %reduce_sum3A_2459 [0] : vector<256x512xi32> to vector<512xi32>
    %broadcast_in_dim3A_2461 = vector.shape_cast %reduce_sum3A_2460 : vector<512xi32> to vector<1x512xi32>
    %add3A_2462 = arith.addi %add3A_2420, %broadcast_in_dim3A_2461 : vector<1x512xi32>
    %jit3A_2463 = arith.constant 0.000000e+00 : f32
    %broadcast_in_dim3A_2464 = vector.shape_cast %slice3A_2430 : vector<256x1xf32> to vector<256x1xf32>
    %broadcast_in_dim3A_2465 = vector.broadcast %broadcast_in_dim3A_2464 : vector<256x1xf32> to vector<256x512xf32>
    %broadcast_in_dim3A_2466 = vector.broadcast %jit3A_2463 : f32 to vector<256x512xf32>
    %select_n3A_2467 = arith.select %eq3A_2451, %broadcast_in_dim3A_2465, %broadcast_in_dim3A_2466 : vector<256x512xi1>, vector<256x512xf32>
    %reduce_sum3A_2468 = arith.constant dense<0.000000e+00> : vector<512xf32>
    %reduce_sum3A_2469 = vector.multi_reduction <add>, %select_n3A_2467, %reduce_sum3A_2468 [0] : vector<256x512xf32> to vector<512xf32>
    %broadcast_in_dim3A_2470 = vector.shape_cast %reduce_sum3A_2469 : vector<512xf32> to vector<1x512xf32>
    %add3A_2471 = arith.addf %add3A_2429, %broadcast_in_dim3A_2470 : vector<1x512xf32>
    %swap3A_2472 = arith.constant 0 : index
    %swap3A_2473 = arith.constant 0 : index
    %swap3A_2474 = arith.constant 3072 : index
    %swap3A_2475 = vector.load %arg4[%swap3A_2472, %swap3A_2473, %swap3A_2474] : memref<1x1x4096xi32, #tpu.memory_space<vmem>>, vector<1x1x512xi32>
    %swap3A_2476 = vector.shape_cast %swap3A_2475 : vector<1x1x512xi32> to vector<1x512xi32>
    %swap3A_2477 = vector.shape_cast %add3A_2462 : vector<1x512xi32> to vector<1x1x512xi32>
    tpu.vector_store %arg4[%swap3A_2472, %swap3A_2473, %swap3A_2474], %swap3A_2477 {strides = array<i32>} : memref<1x1x4096xi32, #tpu.memory_space<vmem>>, vector<1x1x512xi32>,
    %swap3A_2478 = arith.constant 0 : index
    %swap3A_2479 = arith.constant 0 : index
    %swap3A_2480 = arith.constant 3072 : index
    %swap3A_2481 = vector.load %arg5[%swap3A_2478, %swap3A_2479, %swap3A_2480] : memref<1x1x4096xf32, #tpu.memory_space<vmem>>, vector<1x1x512xf32>
    %swap3A_2482 = vector.shape_cast %swap3A_2481 : vector<1x1x512xf32> to vector<1x512xf32>
    %swap3A_2483 = vector.shape_cast %add3A_2471 : vector<1x512xf32> to vector<1x1x512xf32>
    tpu.vector_store %arg5[%swap3A_2478, %swap3A_2479, %swap3A_2480], %swap3A_2483 {strides = array<i32>} : memref<1x1x4096xf32, #tpu.memory_space<vmem>>, vector<1x1x512xf32>,
    %slice3A_2484 = vector.extract_strided_slice %div3A_17 {offsets = [7, 0], sizes = [1, 2048], strides = [1, 1]} : vector<8x2048xf32> to vector<1x2048xf32>
    %slice3A_2485 = vector.extract_strided_slice %transpose3A {offsets = [0, 7], sizes = [2048, 1], strides = [1, 1]} : vector<2048x8xf32> to vector<2048x1xf32>
    %broadcast_in_dim3A_2486 = arith.constant 0 : i32
    %broadcast_in_dim3A_2487 = vector.broadcast %broadcast_in_dim3A_2486 : i32 to vector<1x512xi32>
    %broadcast_in_dim3A_2488 = arith.constant 0.000000e+00 : f32
    %broadcast_in_dim3A_2489 = vector.broadcast %broadcast_in_dim3A_2488 : f32 to vector<1x512xf32>
    %slice3A_2490 = vector.extract_strided_slice %slice3A_2485 {offsets = [0, 0], sizes = [256, 1], strides = [1, 1]} : vector<2048x1xf32> to vector<256x1xf32>
    %iota3A_2491 = tpu.iota {dimensions = array<i32: 1>} : vector<256x2048xi32>
    %iota3A_2492 = tpu.iota {dimensions = array<i32: 0>} : vector<256x2048xi32>
    %add3A_2493 = arith.constant 0 : i32
    %add3A_2494 = vector.broadcast %add3A_2493 : i32 to vector<256x2048xi32>
    %add3A_2495 = arith.addi %add3A_2494, %iota3A_2492 : vector<256x2048xi32>
    %gt3A_2496 = vector.broadcast %slice3A_2484 : vector<1x2048xf32> to vector<256x2048xf32>
    %gt3A_2497 = vector.broadcast %slice3A_2490 : vector<256x1xf32> to vector<256x2048xf32>
    %gt3A_2498 = arith.cmpf ogt, %gt3A_2496, %gt3A_2497 : vector<256x2048xf32>
    %eq3A_2499 = vector.broadcast %slice3A_2484 : vector<1x2048xf32> to vector<256x2048xf32>
    %eq3A_2500 = vector.broadcast %slice3A_2490 : vector<256x1xf32> to vector<256x2048xf32>
    %eq3A_2501 = arith.cmpf oeq, %eq3A_2499, %eq3A_2500 : vector<256x2048xf32>
    %lt3A_2502 = arith.cmpi slt, %iota3A_2491, %add3A_2495 : vector<256x2048xi32>
    %and3A_2503 = arith.andi %eq3A_2501, %lt3A_2502 : vector<256x2048xi1>
    %or3A_2504 = arith.ori %gt3A_2498, %and3A_2503 : vector<256x2048xi1>
    %convert_element_type3A_2505 = arith.extui %or3A_2504 : vector<256x2048xi1> to vector<256x2048xi32>
    %reduce_sum3A_2506 = arith.constant dense<0> : vector<256xi32>
    %reduce_sum3A_2507 = vector.multi_reduction <add>, %convert_element_type3A_2505, %reduce_sum3A_2506 [1] : vector<256x2048xi32> to vector<256xi32>
    %broadcast_in_dim3A_2508 = vector.shape_cast %reduce_sum3A_2507 : vector<256xi32> to vector<256x1xi32>
    %iota3A_2509 = tpu.iota {dimensions = array<i32: 1>} : vector<256x512xi32>
    %eq3A_2510 = vector.broadcast %broadcast_in_dim3A_2508 : vector<256x1xi32> to vector<256x512xi32>
    %eq3A_2511 = arith.cmpi eq, %eq3A_2510, %iota3A_2509 : vector<256x512xi32>
    %iota3A_2512 = tpu.iota {dimensions = array<i32: 0>} : vector<256x512xi32>
    %add3A_2513 = arith.constant 0 : i32
    %add3A_2514 = vector.broadcast %add3A_2513 : i32 to vector<256x512xi32>
    %add3A_2515 = arith.addi %add3A_2514, %iota3A_2512 : vector<256x512xi32>
    %jit3A_2516 = arith.constant 0 : i32
    %broadcast_in_dim3A_2517 = vector.broadcast %jit3A_2516 : i32 to vector<256x512xi32>
    %select_n3A_2518 = arith.select %eq3A_2511, %add3A_2515, %broadcast_in_dim3A_2517 : vector<256x512xi1>, vector<256x512xi32>
    %reduce_sum3A_2519 = arith.constant dense<0> : vector<512xi32>
    %reduce_sum3A_2520 = vector.multi_reduction <add>, %select_n3A_2518, %reduce_sum3A_2519 [0] : vector<256x512xi32> to vector<512xi32>
    %broadcast_in_dim3A_2521 = vector.shape_cast %reduce_sum3A_2520 : vector<512xi32> to vector<1x512xi32>
    %add3A_2522 = arith.addi %broadcast_in_dim3A_2487, %broadcast_in_dim3A_2521 : vector<1x512xi32>
    %jit3A_2523 = arith.constant 0.000000e+00 : f32
    %broadcast_in_dim3A_2524 = vector.shape_cast %slice3A_2490 : vector<256x1xf32> to vector<256x1xf32>
    %broadcast_in_dim3A_2525 = vector.broadcast %broadcast_in_dim3A_2524 : vector<256x1xf32> to vector<256x512xf32>
    %broadcast_in_dim3A_2526 = vector.broadcast %jit3A_2523 : f32 to vector<256x512xf32>
    %select_n3A_2527 = arith.select %eq3A_2511, %broadcast_in_dim3A_2525, %broadcast_in_dim3A_2526 : vector<256x512xi1>, vector<256x512xf32>
    %reduce_sum3A_2528 = arith.constant dense<0.000000e+00> : vector<512xf32>
    %reduce_sum3A_2529 = vector.multi_reduction <add>, %select_n3A_2527, %reduce_sum3A_2528 [0] : vector<256x512xf32> to vector<512xf32>
    %broadcast_in_dim3A_2530 = vector.shape_cast %reduce_sum3A_2529 : vector<512xf32> to vector<1x512xf32>
    %add3A_2531 = arith.addf %broadcast_in_dim3A_2489, %broadcast_in_dim3A_2530 : vector<1x512xf32>
    %slice3A_2532 = vector.extract_strided_slice %slice3A_2485 {offsets = [256, 0], sizes = [256, 1], strides = [1, 1]} : vector<2048x1xf32> to vector<256x1xf32>
    %iota3A_2533 = tpu.iota {dimensions = array<i32: 1>} : vector<256x2048xi32>
    %iota3A_2534 = tpu.iota {dimensions = array<i32: 0>} : vector<256x2048xi32>
    %add3A_2535 = arith.constant 256 : i32
    %add3A_2536 = vector.broadcast %add3A_2535 : i32 to vector<256x2048xi32>
    %add3A_2537 = arith.addi %add3A_2536, %iota3A_2534 : vector<256x2048xi32>
    %gt3A_2538 = vector.broadcast %slice3A_2484 : vector<1x2048xf32> to vector<256x2048xf32>
    %gt3A_2539 = vector.broadcast %slice3A_2532 : vector<256x1xf32> to vector<256x2048xf32>
    %gt3A_2540 = arith.cmpf ogt, %gt3A_2538, %gt3A_2539 : vector<256x2048xf32>
    %eq3A_2541 = vector.broadcast %slice3A_2484 : vector<1x2048xf32> to vector<256x2048xf32>
    %eq3A_2542 = vector.broadcast %slice3A_2532 : vector<256x1xf32> to vector<256x2048xf32>
    %eq3A_2543 = arith.cmpf oeq, %eq3A_2541, %eq3A_2542 : vector<256x2048xf32>
    %lt3A_2544 = arith.cmpi slt, %iota3A_2533, %add3A_2537 : vector<256x2048xi32>
    %and3A_2545 = arith.andi %eq3A_2543, %lt3A_2544 : vector<256x2048xi1>
    %or3A_2546 = arith.ori %gt3A_2540, %and3A_2545 : vector<256x2048xi1>
    %convert_element_type3A_2547 = arith.extui %or3A_2546 : vector<256x2048xi1> to vector<256x2048xi32>
    %reduce_sum3A_2548 = arith.constant dense<0> : vector<256xi32>
    %reduce_sum3A_2549 = vector.multi_reduction <add>, %convert_element_type3A_2547, %reduce_sum3A_2548 [1] : vector<256x2048xi32> to vector<256xi32>
    %broadcast_in_dim3A_2550 = vector.shape_cast %reduce_sum3A_2549 : vector<256xi32> to vector<256x1xi32>
    %iota3A_2551 = tpu.iota {dimensions = array<i32: 1>} : vector<256x512xi32>
    %eq3A_2552 = vector.broadcast %broadcast_in_dim3A_2550 : vector<256x1xi32> to vector<256x512xi32>
    %eq3A_2553 = arith.cmpi eq, %eq3A_2552, %iota3A_2551 : vector<256x512xi32>
    %iota3A_2554 = tpu.iota {dimensions = array<i32: 0>} : vector<256x512xi32>
    %add3A_2555 = arith.constant 256 : i32
    %add3A_2556 = vector.broadcast %add3A_2555 : i32 to vector<256x512xi32>
    %add3A_2557 = arith.addi %add3A_2556, %iota3A_2554 : vector<256x512xi32>
    %jit3A_2558 = arith.constant 0 : i32
    %broadcast_in_dim3A_2559 = vector.broadcast %jit3A_2558 : i32 to vector<256x512xi32>
    %select_n3A_2560 = arith.select %eq3A_2553, %add3A_2557, %broadcast_in_dim3A_2559 : vector<256x512xi1>, vector<256x512xi32>
    %reduce_sum3A_2561 = arith.constant dense<0> : vector<512xi32>
    %reduce_sum3A_2562 = vector.multi_reduction <add>, %select_n3A_2560, %reduce_sum3A_2561 [0] : vector<256x512xi32> to vector<512xi32>
    %broadcast_in_dim3A_2563 = vector.shape_cast %reduce_sum3A_2562 : vector<512xi32> to vector<1x512xi32>
    %add3A_2564 = arith.addi %add3A_2522, %broadcast_in_dim3A_2563 : vector<1x512xi32>
    %jit3A_2565 = arith.constant 0.000000e+00 : f32
    %broadcast_in_dim3A_2566 = vector.shape_cast %slice3A_2532 : vector<256x1xf32> to vector<256x1xf32>
    %broadcast_in_dim3A_2567 = vector.broadcast %broadcast_in_dim3A_2566 : vector<256x1xf32> to vector<256x512xf32>
    %broadcast_in_dim3A_2568 = vector.broadcast %jit3A_2565 : f32 to vector<256x512xf32>
    %select_n3A_2569 = arith.select %eq3A_2553, %broadcast_in_dim3A_2567, %broadcast_in_dim3A_2568 : vector<256x512xi1>, vector<256x512xf32>
    %reduce_sum3A_2570 = arith.constant dense<0.000000e+00> : vector<512xf32>
    %reduce_sum3A_2571 = vector.multi_reduction <add>, %select_n3A_2569, %reduce_sum3A_2570 [0] : vector<256x512xf32> to vector<512xf32>
    %broadcast_in_dim3A_2572 = vector.shape_cast %reduce_sum3A_2571 : vector<512xf32> to vector<1x512xf32>
    %add3A_2573 = arith.addf %add3A_2531, %broadcast_in_dim3A_2572 : vector<1x512xf32>
    %slice3A_2574 = vector.extract_strided_slice %slice3A_2485 {offsets = [512, 0], sizes = [256, 1], strides = [1, 1]} : vector<2048x1xf32> to vector<256x1xf32>
    %iota3A_2575 = tpu.iota {dimensions = array<i32: 1>} : vector<256x2048xi32>
    %iota3A_2576 = tpu.iota {dimensions = array<i32: 0>} : vector<256x2048xi32>
    %add3A_2577 = arith.constant 512 : i32
    %add3A_2578 = vector.broadcast %add3A_2577 : i32 to vector<256x2048xi32>
    %add3A_2579 = arith.addi %add3A_2578, %iota3A_2576 : vector<256x2048xi32>
    %gt3A_2580 = vector.broadcast %slice3A_2484 : vector<1x2048xf32> to vector<256x2048xf32>
    %gt3A_2581 = vector.broadcast %slice3A_2574 : vector<256x1xf32> to vector<256x2048xf32>
    %gt3A_2582 = arith.cmpf ogt, %gt3A_2580, %gt3A_2581 : vector<256x2048xf32>
    %eq3A_2583 = vector.broadcast %slice3A_2484 : vector<1x2048xf32> to vector<256x2048xf32>
    %eq3A_2584 = vector.broadcast %slice3A_2574 : vector<256x1xf32> to vector<256x2048xf32>
    %eq3A_2585 = arith.cmpf oeq, %eq3A_2583, %eq3A_2584 : vector<256x2048xf32>
    %lt3A_2586 = arith.cmpi slt, %iota3A_2575, %add3A_2579 : vector<256x2048xi32>
    %and3A_2587 = arith.andi %eq3A_2585, %lt3A_2586 : vector<256x2048xi1>
    %or3A_2588 = arith.ori %gt3A_2582, %and3A_2587 : vector<256x2048xi1>
    %convert_element_type3A_2589 = arith.extui %or3A_2588 : vector<256x2048xi1> to vector<256x2048xi32>
    %reduce_sum3A_2590 = arith.constant dense<0> : vector<256xi32>
    %reduce_sum3A_2591 = vector.multi_reduction <add>, %convert_element_type3A_2589, %reduce_sum3A_2590 [1] : vector<256x2048xi32> to vector<256xi32>
    %broadcast_in_dim3A_2592 = vector.shape_cast %reduce_sum3A_2591 : vector<256xi32> to vector<256x1xi32>
    %iota3A_2593 = tpu.iota {dimensions = array<i32: 1>} : vector<256x512xi32>
    %eq3A_2594 = vector.broadcast %broadcast_in_dim3A_2592 : vector<256x1xi32> to vector<256x512xi32>
    %eq3A_2595 = arith.cmpi eq, %eq3A_2594, %iota3A_2593 : vector<256x512xi32>
    %iota3A_2596 = tpu.iota {dimensions = array<i32: 0>} : vector<256x512xi32>
    %add3A_2597 = arith.constant 512 : i32
    %add3A_2598 = vector.broadcast %add3A_2597 : i32 to vector<256x512xi32>
    %add3A_2599 = arith.addi %add3A_2598, %iota3A_2596 : vector<256x512xi32>
    %jit3A_2600 = arith.constant 0 : i32
    %broadcast_in_dim3A_2601 = vector.broadcast %jit3A_2600 : i32 to vector<256x512xi32>
    %select_n3A_2602 = arith.select %eq3A_2595, %add3A_2599, %broadcast_in_dim3A_2601 : vector<256x512xi1>, vector<256x512xi32>
    %reduce_sum3A_2603 = arith.constant dense<0> : vector<512xi32>
    %reduce_sum3A_2604 = vector.multi_reduction <add>, %select_n3A_2602, %reduce_sum3A_2603 [0] : vector<256x512xi32> to vector<512xi32>
    %broadcast_in_dim3A_2605 = vector.shape_cast %reduce_sum3A_2604 : vector<512xi32> to vector<1x512xi32>
    %add3A_2606 = arith.addi %add3A_2564, %broadcast_in_dim3A_2605 : vector<1x512xi32>
    %jit3A_2607 = arith.constant 0.000000e+00 : f32
    %broadcast_in_dim3A_2608 = vector.shape_cast %slice3A_2574 : vector<256x1xf32> to vector<256x1xf32>
    %broadcast_in_dim3A_2609 = vector.broadcast %broadcast_in_dim3A_2608 : vector<256x1xf32> to vector<256x512xf32>
    %broadcast_in_dim3A_2610 = vector.broadcast %jit3A_2607 : f32 to vector<256x512xf32>
    %select_n3A_2611 = arith.select %eq3A_2595, %broadcast_in_dim3A_2609, %broadcast_in_dim3A_2610 : vector<256x512xi1>, vector<256x512xf32>
    %reduce_sum3A_2612 = arith.constant dense<0.000000e+00> : vector<512xf32>
    %reduce_sum3A_2613 = vector.multi_reduction <add>, %select_n3A_2611, %reduce_sum3A_2612 [0] : vector<256x512xf32> to vector<512xf32>
    %broadcast_in_dim3A_2614 = vector.shape_cast %reduce_sum3A_2613 : vector<512xf32> to vector<1x512xf32>
    %add3A_2615 = arith.addf %add3A_2573, %broadcast_in_dim3A_2614 : vector<1x512xf32>
    %slice3A_2616 = vector.extract_strided_slice %slice3A_2485 {offsets = [768, 0], sizes = [256, 1], strides = [1, 1]} : vector<2048x1xf32> to vector<256x1xf32>
    %iota3A_2617 = tpu.iota {dimensions = array<i32: 1>} : vector<256x2048xi32>
    %iota3A_2618 = tpu.iota {dimensions = array<i32: 0>} : vector<256x2048xi32>
    %add3A_2619 = arith.constant 768 : i32
    %add3A_2620 = vector.broadcast %add3A_2619 : i32 to vector<256x2048xi32>
    %add3A_2621 = arith.addi %add3A_2620, %iota3A_2618 : vector<256x2048xi32>
    %gt3A_2622 = vector.broadcast %slice3A_2484 : vector<1x2048xf32> to vector<256x2048xf32>
    %gt3A_2623 = vector.broadcast %slice3A_2616 : vector<256x1xf32> to vector<256x2048xf32>
    %gt3A_2624 = arith.cmpf ogt, %gt3A_2622, %gt3A_2623 : vector<256x2048xf32>
    %eq3A_2625 = vector.broadcast %slice3A_2484 : vector<1x2048xf32> to vector<256x2048xf32>
    %eq3A_2626 = vector.broadcast %slice3A_2616 : vector<256x1xf32> to vector<256x2048xf32>
    %eq3A_2627 = arith.cmpf oeq, %eq3A_2625, %eq3A_2626 : vector<256x2048xf32>
    %lt3A_2628 = arith.cmpi slt, %iota3A_2617, %add3A_2621 : vector<256x2048xi32>
    %and3A_2629 = arith.andi %eq3A_2627, %lt3A_2628 : vector<256x2048xi1>
    %or3A_2630 = arith.ori %gt3A_2624, %and3A_2629 : vector<256x2048xi1>
    %convert_element_type3A_2631 = arith.extui %or3A_2630 : vector<256x2048xi1> to vector<256x2048xi32>
    %reduce_sum3A_2632 = arith.constant dense<0> : vector<256xi32>
    %reduce_sum3A_2633 = vector.multi_reduction <add>, %convert_element_type3A_2631, %reduce_sum3A_2632 [1] : vector<256x2048xi32> to vector<256xi32>
    %broadcast_in_dim3A_2634 = vector.shape_cast %reduce_sum3A_2633 : vector<256xi32> to vector<256x1xi32>
    %iota3A_2635 = tpu.iota {dimensions = array<i32: 1>} : vector<256x512xi32>
    %eq3A_2636 = vector.broadcast %broadcast_in_dim3A_2634 : vector<256x1xi32> to vector<256x512xi32>
    %eq3A_2637 = arith.cmpi eq, %eq3A_2636, %iota3A_2635 : vector<256x512xi32>
    %iota3A_2638 = tpu.iota {dimensions = array<i32: 0>} : vector<256x512xi32>
    %add3A_2639 = arith.constant 768 : i32
    %add3A_2640 = vector.broadcast %add3A_2639 : i32 to vector<256x512xi32>
    %add3A_2641 = arith.addi %add3A_2640, %iota3A_2638 : vector<256x512xi32>
    %jit3A_2642 = arith.constant 0 : i32
    %broadcast_in_dim3A_2643 = vector.broadcast %jit3A_2642 : i32 to vector<256x512xi32>
    %select_n3A_2644 = arith.select %eq3A_2637, %add3A_2641, %broadcast_in_dim3A_2643 : vector<256x512xi1>, vector<256x512xi32>
    %reduce_sum3A_2645 = arith.constant dense<0> : vector<512xi32>
    %reduce_sum3A_2646 = vector.multi_reduction <add>, %select_n3A_2644, %reduce_sum3A_2645 [0] : vector<256x512xi32> to vector<512xi32>
    %broadcast_in_dim3A_2647 = vector.shape_cast %reduce_sum3A_2646 : vector<512xi32> to vector<1x512xi32>
    %add3A_2648 = arith.addi %add3A_2606, %broadcast_in_dim3A_2647 : vector<1x512xi32>
    %jit3A_2649 = arith.constant 0.000000e+00 : f32
    %broadcast_in_dim3A_2650 = vector.shape_cast %slice3A_2616 : vector<256x1xf32> to vector<256x1xf32>
    %broadcast_in_dim3A_2651 = vector.broadcast %broadcast_in_dim3A_2650 : vector<256x1xf32> to vector<256x512xf32>
    %broadcast_in_dim3A_2652 = vector.broadcast %jit3A_2649 : f32 to vector<256x512xf32>
    %select_n3A_2653 = arith.select %eq3A_2637, %broadcast_in_dim3A_2651, %broadcast_in_dim3A_2652 : vector<256x512xi1>, vector<256x512xf32>
    %reduce_sum3A_2654 = arith.constant dense<0.000000e+00> : vector<512xf32>
    %reduce_sum3A_2655 = vector.multi_reduction <add>, %select_n3A_2653, %reduce_sum3A_2654 [0] : vector<256x512xf32> to vector<512xf32>
    %broadcast_in_dim3A_2656 = vector.shape_cast %reduce_sum3A_2655 : vector<512xf32> to vector<1x512xf32>
    %add3A_2657 = arith.addf %add3A_2615, %broadcast_in_dim3A_2656 : vector<1x512xf32>
    %slice3A_2658 = vector.extract_strided_slice %slice3A_2485 {offsets = [1024, 0], sizes = [256, 1], strides = [1, 1]} : vector<2048x1xf32> to vector<256x1xf32>
    %iota3A_2659 = tpu.iota {dimensions = array<i32: 1>} : vector<256x2048xi32>
    %iota3A_2660 = tpu.iota {dimensions = array<i32: 0>} : vector<256x2048xi32>
    %add3A_2661 = arith.constant 1024 : i32
    %add3A_2662 = vector.broadcast %add3A_2661 : i32 to vector<256x2048xi32>
    %add3A_2663 = arith.addi %add3A_2662, %iota3A_2660 : vector<256x2048xi32>
    %gt3A_2664 = vector.broadcast %slice3A_2484 : vector<1x2048xf32> to vector<256x2048xf32>
    %gt3A_2665 = vector.broadcast %slice3A_2658 : vector<256x1xf32> to vector<256x2048xf32>
    %gt3A_2666 = arith.cmpf ogt, %gt3A_2664, %gt3A_2665 : vector<256x2048xf32>
    %eq3A_2667 = vector.broadcast %slice3A_2484 : vector<1x2048xf32> to vector<256x2048xf32>
    %eq3A_2668 = vector.broadcast %slice3A_2658 : vector<256x1xf32> to vector<256x2048xf32>
    %eq3A_2669 = arith.cmpf oeq, %eq3A_2667, %eq3A_2668 : vector<256x2048xf32>
    %lt3A_2670 = arith.cmpi slt, %iota3A_2659, %add3A_2663 : vector<256x2048xi32>
    %and3A_2671 = arith.andi %eq3A_2669, %lt3A_2670 : vector<256x2048xi1>
    %or3A_2672 = arith.ori %gt3A_2666, %and3A_2671 : vector<256x2048xi1>
    %convert_element_type3A_2673 = arith.extui %or3A_2672 : vector<256x2048xi1> to vector<256x2048xi32>
    %reduce_sum3A_2674 = arith.constant dense<0> : vector<256xi32>
    %reduce_sum3A_2675 = vector.multi_reduction <add>, %convert_element_type3A_2673, %reduce_sum3A_2674 [1] : vector<256x2048xi32> to vector<256xi32>
    %broadcast_in_dim3A_2676 = vector.shape_cast %reduce_sum3A_2675 : vector<256xi32> to vector<256x1xi32>
    %iota3A_2677 = tpu.iota {dimensions = array<i32: 1>} : vector<256x512xi32>
    %eq3A_2678 = vector.broadcast %broadcast_in_dim3A_2676 : vector<256x1xi32> to vector<256x512xi32>
    %eq3A_2679 = arith.cmpi eq, %eq3A_2678, %iota3A_2677 : vector<256x512xi32>
    %iota3A_2680 = tpu.iota {dimensions = array<i32: 0>} : vector<256x512xi32>
    %add3A_2681 = arith.constant 1024 : i32
    %add3A_2682 = vector.broadcast %add3A_2681 : i32 to vector<256x512xi32>
    %add3A_2683 = arith.addi %add3A_2682, %iota3A_2680 : vector<256x512xi32>
    %jit3A_2684 = arith.constant 0 : i32
    %broadcast_in_dim3A_2685 = vector.broadcast %jit3A_2684 : i32 to vector<256x512xi32>
    %select_n3A_2686 = arith.select %eq3A_2679, %add3A_2683, %broadcast_in_dim3A_2685 : vector<256x512xi1>, vector<256x512xi32>
    %reduce_sum3A_2687 = arith.constant dense<0> : vector<512xi32>
    %reduce_sum3A_2688 = vector.multi_reduction <add>, %select_n3A_2686, %reduce_sum3A_2687 [0] : vector<256x512xi32> to vector<512xi32>
    %broadcast_in_dim3A_2689 = vector.shape_cast %reduce_sum3A_2688 : vector<512xi32> to vector<1x512xi32>
    %add3A_2690 = arith.addi %add3A_2648, %broadcast_in_dim3A_2689 : vector<1x512xi32>
    %jit3A_2691 = arith.constant 0.000000e+00 : f32
    %broadcast_in_dim3A_2692 = vector.shape_cast %slice3A_2658 : vector<256x1xf32> to vector<256x1xf32>
    %broadcast_in_dim3A_2693 = vector.broadcast %broadcast_in_dim3A_2692 : vector<256x1xf32> to vector<256x512xf32>
    %broadcast_in_dim3A_2694 = vector.broadcast %jit3A_2691 : f32 to vector<256x512xf32>
    %select_n3A_2695 = arith.select %eq3A_2679, %broadcast_in_dim3A_2693, %broadcast_in_dim3A_2694 : vector<256x512xi1>, vector<256x512xf32>
    %reduce_sum3A_2696 = arith.constant dense<0.000000e+00> : vector<512xf32>
    %reduce_sum3A_2697 = vector.multi_reduction <add>, %select_n3A_2695, %reduce_sum3A_2696 [0] : vector<256x512xf32> to vector<512xf32>
    %broadcast_in_dim3A_2698 = vector.shape_cast %reduce_sum3A_2697 : vector<512xf32> to vector<1x512xf32>
    %add3A_2699 = arith.addf %add3A_2657, %broadcast_in_dim3A_2698 : vector<1x512xf32>
    %slice3A_2700 = vector.extract_strided_slice %slice3A_2485 {offsets = [1280, 0], sizes = [256, 1], strides = [1, 1]} : vector<2048x1xf32> to vector<256x1xf32>
    %iota3A_2701 = tpu.iota {dimensions = array<i32: 1>} : vector<256x2048xi32>
    %iota3A_2702 = tpu.iota {dimensions = array<i32: 0>} : vector<256x2048xi32>
    %add3A_2703 = arith.constant 1280 : i32
    %add3A_2704 = vector.broadcast %add3A_2703 : i32 to vector<256x2048xi32>
    %add3A_2705 = arith.addi %add3A_2704, %iota3A_2702 : vector<256x2048xi32>
    %gt3A_2706 = vector.broadcast %slice3A_2484 : vector<1x2048xf32> to vector<256x2048xf32>
    %gt3A_2707 = vector.broadcast %slice3A_2700 : vector<256x1xf32> to vector<256x2048xf32>
    %gt3A_2708 = arith.cmpf ogt, %gt3A_2706, %gt3A_2707 : vector<256x2048xf32>
    %eq3A_2709 = vector.broadcast %slice3A_2484 : vector<1x2048xf32> to vector<256x2048xf32>
    %eq3A_2710 = vector.broadcast %slice3A_2700 : vector<256x1xf32> to vector<256x2048xf32>
    %eq3A_2711 = arith.cmpf oeq, %eq3A_2709, %eq3A_2710 : vector<256x2048xf32>
    %lt3A_2712 = arith.cmpi slt, %iota3A_2701, %add3A_2705 : vector<256x2048xi32>
    %and3A_2713 = arith.andi %eq3A_2711, %lt3A_2712 : vector<256x2048xi1>
    %or3A_2714 = arith.ori %gt3A_2708, %and3A_2713 : vector<256x2048xi1>
    %convert_element_type3A_2715 = arith.extui %or3A_2714 : vector<256x2048xi1> to vector<256x2048xi32>
    %reduce_sum3A_2716 = arith.constant dense<0> : vector<256xi32>
    %reduce_sum3A_2717 = vector.multi_reduction <add>, %convert_element_type3A_2715, %reduce_sum3A_2716 [1] : vector<256x2048xi32> to vector<256xi32>
    %broadcast_in_dim3A_2718 = vector.shape_cast %reduce_sum3A_2717 : vector<256xi32> to vector<256x1xi32>
    %iota3A_2719 = tpu.iota {dimensions = array<i32: 1>} : vector<256x512xi32>
    %eq3A_2720 = vector.broadcast %broadcast_in_dim3A_2718 : vector<256x1xi32> to vector<256x512xi32>
    %eq3A_2721 = arith.cmpi eq, %eq3A_2720, %iota3A_2719 : vector<256x512xi32>
    %iota3A_2722 = tpu.iota {dimensions = array<i32: 0>} : vector<256x512xi32>
    %add3A_2723 = arith.constant 1280 : i32
    %add3A_2724 = vector.broadcast %add3A_2723 : i32 to vector<256x512xi32>
    %add3A_2725 = arith.addi %add3A_2724, %iota3A_2722 : vector<256x512xi32>
    %jit3A_2726 = arith.constant 0 : i32
    %broadcast_in_dim3A_2727 = vector.broadcast %jit3A_2726 : i32 to vector<256x512xi32>
    %select_n3A_2728 = arith.select %eq3A_2721, %add3A_2725, %broadcast_in_dim3A_2727 : vector<256x512xi1>, vector<256x512xi32>
    %reduce_sum3A_2729 = arith.constant dense<0> : vector<512xi32>
    %reduce_sum3A_2730 = vector.multi_reduction <add>, %select_n3A_2728, %reduce_sum3A_2729 [0] : vector<256x512xi32> to vector<512xi32>
    %broadcast_in_dim3A_2731 = vector.shape_cast %reduce_sum3A_2730 : vector<512xi32> to vector<1x512xi32>
    %add3A_2732 = arith.addi %add3A_2690, %broadcast_in_dim3A_2731 : vector<1x512xi32>
    %jit3A_2733 = arith.constant 0.000000e+00 : f32
    %broadcast_in_dim3A_2734 = vector.shape_cast %slice3A_2700 : vector<256x1xf32> to vector<256x1xf32>
    %broadcast_in_dim3A_2735 = vector.broadcast %broadcast_in_dim3A_2734 : vector<256x1xf32> to vector<256x512xf32>
    %broadcast_in_dim3A_2736 = vector.broadcast %jit3A_2733 : f32 to vector<256x512xf32>
    %select_n3A_2737 = arith.select %eq3A_2721, %broadcast_in_dim3A_2735, %broadcast_in_dim3A_2736 : vector<256x512xi1>, vector<256x512xf32>
    %reduce_sum3A_2738 = arith.constant dense<0.000000e+00> : vector<512xf32>
    %reduce_sum3A_2739 = vector.multi_reduction <add>, %select_n3A_2737, %reduce_sum3A_2738 [0] : vector<256x512xf32> to vector<512xf32>
    %broadcast_in_dim3A_2740 = vector.shape_cast %reduce_sum3A_2739 : vector<512xf32> to vector<1x512xf32>
    %add3A_2741 = arith.addf %add3A_2699, %broadcast_in_dim3A_2740 : vector<1x512xf32>
    %slice3A_2742 = vector.extract_strided_slice %slice3A_2485 {offsets = [1536, 0], sizes = [256, 1], strides = [1, 1]} : vector<2048x1xf32> to vector<256x1xf32>
    %iota3A_2743 = tpu.iota {dimensions = array<i32: 1>} : vector<256x2048xi32>
    %iota3A_2744 = tpu.iota {dimensions = array<i32: 0>} : vector<256x2048xi32>
    %add3A_2745 = arith.constant 1536 : i32
    %add3A_2746 = vector.broadcast %add3A_2745 : i32 to vector<256x2048xi32>
    %add3A_2747 = arith.addi %add3A_2746, %iota3A_2744 : vector<256x2048xi32>
    %gt3A_2748 = vector.broadcast %slice3A_2484 : vector<1x2048xf32> to vector<256x2048xf32>
    %gt3A_2749 = vector.broadcast %slice3A_2742 : vector<256x1xf32> to vector<256x2048xf32>
    %gt3A_2750 = arith.cmpf ogt, %gt3A_2748, %gt3A_2749 : vector<256x2048xf32>
    %eq3A_2751 = vector.broadcast %slice3A_2484 : vector<1x2048xf32> to vector<256x2048xf32>
    %eq3A_2752 = vector.broadcast %slice3A_2742 : vector<256x1xf32> to vector<256x2048xf32>
    %eq3A_2753 = arith.cmpf oeq, %eq3A_2751, %eq3A_2752 : vector<256x2048xf32>
    %lt3A_2754 = arith.cmpi slt, %iota3A_2743, %add3A_2747 : vector<256x2048xi32>
    %and3A_2755 = arith.andi %eq3A_2753, %lt3A_2754 : vector<256x2048xi1>
    %or3A_2756 = arith.ori %gt3A_2750, %and3A_2755 : vector<256x2048xi1>
    %convert_element_type3A_2757 = arith.extui %or3A_2756 : vector<256x2048xi1> to vector<256x2048xi32>
    %reduce_sum3A_2758 = arith.constant dense<0> : vector<256xi32>
    %reduce_sum3A_2759 = vector.multi_reduction <add>, %convert_element_type3A_2757, %reduce_sum3A_2758 [1] : vector<256x2048xi32> to vector<256xi32>
    %broadcast_in_dim3A_2760 = vector.shape_cast %reduce_sum3A_2759 : vector<256xi32> to vector<256x1xi32>
    %iota3A_2761 = tpu.iota {dimensions = array<i32: 1>} : vector<256x512xi32>
    %eq3A_2762 = vector.broadcast %broadcast_in_dim3A_2760 : vector<256x1xi32> to vector<256x512xi32>
    %eq3A_2763 = arith.cmpi eq, %eq3A_2762, %iota3A_2761 : vector<256x512xi32>
    %iota3A_2764 = tpu.iota {dimensions = array<i32: 0>} : vector<256x512xi32>
    %add3A_2765 = arith.constant 1536 : i32
    %add3A_2766 = vector.broadcast %add3A_2765 : i32 to vector<256x512xi32>
    %add3A_2767 = arith.addi %add3A_2766, %iota3A_2764 : vector<256x512xi32>
    %jit3A_2768 = arith.constant 0 : i32
    %broadcast_in_dim3A_2769 = vector.broadcast %jit3A_2768 : i32 to vector<256x512xi32>
    %select_n3A_2770 = arith.select %eq3A_2763, %add3A_2767, %broadcast_in_dim3A_2769 : vector<256x512xi1>, vector<256x512xi32>
    %reduce_sum3A_2771 = arith.constant dense<0> : vector<512xi32>
    %reduce_sum3A_2772 = vector.multi_reduction <add>, %select_n3A_2770, %reduce_sum3A_2771 [0] : vector<256x512xi32> to vector<512xi32>
    %broadcast_in_dim3A_2773 = vector.shape_cast %reduce_sum3A_2772 : vector<512xi32> to vector<1x512xi32>
    %add3A_2774 = arith.addi %add3A_2732, %broadcast_in_dim3A_2773 : vector<1x512xi32>
    %jit3A_2775 = arith.constant 0.000000e+00 : f32
    %broadcast_in_dim3A_2776 = vector.shape_cast %slice3A_2742 : vector<256x1xf32> to vector<256x1xf32>
    %broadcast_in_dim3A_2777 = vector.broadcast %broadcast_in_dim3A_2776 : vector<256x1xf32> to vector<256x512xf32>
    %broadcast_in_dim3A_2778 = vector.broadcast %jit3A_2775 : f32 to vector<256x512xf32>
    %select_n3A_2779 = arith.select %eq3A_2763, %broadcast_in_dim3A_2777, %broadcast_in_dim3A_2778 : vector<256x512xi1>, vector<256x512xf32>
    %reduce_sum3A_2780 = arith.constant dense<0.000000e+00> : vector<512xf32>
    %reduce_sum3A_2781 = vector.multi_reduction <add>, %select_n3A_2779, %reduce_sum3A_2780 [0] : vector<256x512xf32> to vector<512xf32>
    %broadcast_in_dim3A_2782 = vector.shape_cast %reduce_sum3A_2781 : vector<512xf32> to vector<1x512xf32>
    %add3A_2783 = arith.addf %add3A_2741, %broadcast_in_dim3A_2782 : vector<1x512xf32>
    %slice3A_2784 = vector.extract_strided_slice %slice3A_2485 {offsets = [1792, 0], sizes = [256, 1], strides = [1, 1]} : vector<2048x1xf32> to vector<256x1xf32>
    %iota3A_2785 = tpu.iota {dimensions = array<i32: 1>} : vector<256x2048xi32>
    %iota3A_2786 = tpu.iota {dimensions = array<i32: 0>} : vector<256x2048xi32>
    %add3A_2787 = arith.constant 1792 : i32
    %add3A_2788 = vector.broadcast %add3A_2787 : i32 to vector<256x2048xi32>
    %add3A_2789 = arith.addi %add3A_2788, %iota3A_2786 : vector<256x2048xi32>
    %gt3A_2790 = vector.broadcast %slice3A_2484 : vector<1x2048xf32> to vector<256x2048xf32>
    %gt3A_2791 = vector.broadcast %slice3A_2784 : vector<256x1xf32> to vector<256x2048xf32>
    %gt3A_2792 = arith.cmpf ogt, %gt3A_2790, %gt3A_2791 : vector<256x2048xf32>
    %eq3A_2793 = vector.broadcast %slice3A_2484 : vector<1x2048xf32> to vector<256x2048xf32>
    %eq3A_2794 = vector.broadcast %slice3A_2784 : vector<256x1xf32> to vector<256x2048xf32>
    %eq3A_2795 = arith.cmpf oeq, %eq3A_2793, %eq3A_2794 : vector<256x2048xf32>
    %lt3A_2796 = arith.cmpi slt, %iota3A_2785, %add3A_2789 : vector<256x2048xi32>
    %and3A_2797 = arith.andi %eq3A_2795, %lt3A_2796 : vector<256x2048xi1>
    %or3A_2798 = arith.ori %gt3A_2792, %and3A_2797 : vector<256x2048xi1>
    %convert_element_type3A_2799 = arith.extui %or3A_2798 : vector<256x2048xi1> to vector<256x2048xi32>
    %reduce_sum3A_2800 = arith.constant dense<0> : vector<256xi32>
    %reduce_sum3A_2801 = vector.multi_reduction <add>, %convert_element_type3A_2799, %reduce_sum3A_2800 [1] : vector<256x2048xi32> to vector<256xi32>
    %broadcast_in_dim3A_2802 = vector.shape_cast %reduce_sum3A_2801 : vector<256xi32> to vector<256x1xi32>
    %iota3A_2803 = tpu.iota {dimensions = array<i32: 1>} : vector<256x512xi32>
    %eq3A_2804 = vector.broadcast %broadcast_in_dim3A_2802 : vector<256x1xi32> to vector<256x512xi32>
    %eq3A_2805 = arith.cmpi eq, %eq3A_2804, %iota3A_2803 : vector<256x512xi32>
    %iota3A_2806 = tpu.iota {dimensions = array<i32: 0>} : vector<256x512xi32>
    %add3A_2807 = arith.constant 1792 : i32
    %add3A_2808 = vector.broadcast %add3A_2807 : i32 to vector<256x512xi32>
    %add3A_2809 = arith.addi %add3A_2808, %iota3A_2806 : vector<256x512xi32>
    %jit3A_2810 = arith.constant 0 : i32
    %broadcast_in_dim3A_2811 = vector.broadcast %jit3A_2810 : i32 to vector<256x512xi32>
    %select_n3A_2812 = arith.select %eq3A_2805, %add3A_2809, %broadcast_in_dim3A_2811 : vector<256x512xi1>, vector<256x512xi32>
    %reduce_sum3A_2813 = arith.constant dense<0> : vector<512xi32>
    %reduce_sum3A_2814 = vector.multi_reduction <add>, %select_n3A_2812, %reduce_sum3A_2813 [0] : vector<256x512xi32> to vector<512xi32>
    %broadcast_in_dim3A_2815 = vector.shape_cast %reduce_sum3A_2814 : vector<512xi32> to vector<1x512xi32>
    %add3A_2816 = arith.addi %add3A_2774, %broadcast_in_dim3A_2815 : vector<1x512xi32>
    %jit3A_2817 = arith.constant 0.000000e+00 : f32
    %broadcast_in_dim3A_2818 = vector.shape_cast %slice3A_2784 : vector<256x1xf32> to vector<256x1xf32>
    %broadcast_in_dim3A_2819 = vector.broadcast %broadcast_in_dim3A_2818 : vector<256x1xf32> to vector<256x512xf32>
    %broadcast_in_dim3A_2820 = vector.broadcast %jit3A_2817 : f32 to vector<256x512xf32>
    %select_n3A_2821 = arith.select %eq3A_2805, %broadcast_in_dim3A_2819, %broadcast_in_dim3A_2820 : vector<256x512xi1>, vector<256x512xf32>
    %reduce_sum3A_2822 = arith.constant dense<0.000000e+00> : vector<512xf32>
    %reduce_sum3A_2823 = vector.multi_reduction <add>, %select_n3A_2821, %reduce_sum3A_2822 [0] : vector<256x512xf32> to vector<512xf32>
    %broadcast_in_dim3A_2824 = vector.shape_cast %reduce_sum3A_2823 : vector<512xf32> to vector<1x512xf32>
    %add3A_2825 = arith.addf %add3A_2783, %broadcast_in_dim3A_2824 : vector<1x512xf32>
    %swap3A_2826 = arith.constant 0 : index
    %swap3A_2827 = arith.constant 0 : index
    %swap3A_2828 = arith.constant 3584 : index
    %swap3A_2829 = vector.load %arg4[%swap3A_2826, %swap3A_2827, %swap3A_2828] : memref<1x1x4096xi32, #tpu.memory_space<vmem>>, vector<1x1x512xi32>
    %swap3A_2830 = vector.shape_cast %swap3A_2829 : vector<1x1x512xi32> to vector<1x512xi32>
    %swap3A_2831 = vector.shape_cast %add3A_2816 : vector<1x512xi32> to vector<1x1x512xi32>
    tpu.vector_store %arg4[%swap3A_2826, %swap3A_2827, %swap3A_2828], %swap3A_2831 {strides = array<i32>} : memref<1x1x4096xi32, #tpu.memory_space<vmem>>, vector<1x1x512xi32>,
    %swap3A_2832 = arith.constant 0 : index
    %swap3A_2833 = arith.constant 0 : index
    %swap3A_2834 = arith.constant 3584 : index
    %swap3A_2835 = vector.load %arg5[%swap3A_2832, %swap3A_2833, %swap3A_2834] : memref<1x1x4096xf32, #tpu.memory_space<vmem>>, vector<1x1x512xf32>
    %swap3A_2836 = vector.shape_cast %swap3A_2835 : vector<1x1x512xf32> to vector<1x512xf32>
    %swap3A_2837 = vector.shape_cast %add3A_2825 : vector<1x512xf32> to vector<1x1x512xf32>
    tpu.vector_store %arg5[%swap3A_2832, %swap3A_2833, %swap3A_2834], %swap3A_2837 {strides = array<i32>} : memref<1x1x4096xf32, #tpu.memory_space<vmem>>, vector<1x1x512xf32>,
    return
  }
  func.func @transform_0(%arg0: i32) -> (i32, i32) {
    %c0_i32 = arith.constant 0 : i32
    %c0_i32_0 = arith.constant 0 : i32
    %c0_i32_1 = arith.constant 0 : i32
    return %c0_i32, %c0_i32_0 : i32, i32
  }
  func.func @transform_1(%arg0: i32) -> (i32, i32, i32) {
    %c0_i32 = arith.constant 0 : i32
    %c0_i32_0 = arith.constant 0 : i32
    %c0_i32_1 = arith.constant 0 : i32
    return %arg0, %c0_i32, %c0_i32_0 : i32, i32, i32
  }
  func.func @transform_2(%arg0: i32) -> (i32, i32) {
    %c0_i32 = arith.constant 0 : i32
    %c0_i32_0 = arith.constant 0 : i32
    %c0_i32_1 = arith.constant 0 : i32
    return %c0_i32, %c0_i32_0 : i32, i32
  }
  func.func @transform_3(%arg0: i32) -> (i32, i32, i32) {
    %c0_i32 = arith.constant 0 : i32
    %c0_i32_0 = arith.constant 0 : i32
    %c0_i32_1 = arith.constant 0 : i32
    return %arg0, %c0_i32, %c0_i32_0 : i32, i32, i32
  }
  func.func @transform_4(%arg0: i32) -> (i32, i32, i32) {
    %c0_i32 = arith.constant 0 : i32
    %c0_i32_0 = arith.constant 0 : i32
    %c0_i32_1 = arith.constant 0 : i32
    return %arg0, %c0_i32, %c0_i32_0 : i32, i32, i32
  }
}

</mosaic_0001>

<sc_bundles>
// kernel: sparse-core-data-format-call.1.cloned.1.call-start
scs
called_computation.1_lowered:
.L_overlay_start_0:
0x0: {  	s2 =	sld [smem:$0x3FD9]  }
0x1: {  	s3 =	sld [smem:$0x3FFE];
	_ =	sdelay $0x1  }
0x2: {  	s1 =	srdreg.scid  }
0x3: {  	s0 =	sand.u32 $0x1, s1  }
0x4: {  	s15 =	sshll.u32 s0, $0xA;
	s2 =	sadd.s32 s3, s2  }
0x5: {  	s2 =	sadd.s32 s2, s15  }
0x6: {  	[smem:$0x3FC5] =	sst s2  }
0x7: {  	_ = 	snop  }
0x8: {  	s2 =	sld [smem:$0x3FD0];
	_ =	sdelay $0x2  }
0x9: {  	s16 =	simm.s32 $0xB;
	s4 =	simm.s32 $0x10  }
0xa: {  	[smem:s4], [sflag:s16] =	dma.local [hbm:s2], $0x1  }
0xb: {  	_ =	swait.eq [sflag:s16], $0x1  }
0xc: {  	[sflag:s16] =	ssyncset.done $0x0  }
0xd: {  	[sflag:s16] =	ssyncadd.s32 $0xFFFFFFFF  }
0xe: {  	s17 =	sld [smem:$0x10];
	(tm) =	ssettm $0x1  }
0xf: {  	s18 =	sld [smem:$0x3FFB];
	_ =	sdelay $0x3  }
0x10: {  	_ =	strace s18  }
0x11: {  	s3 =	sld [smem:$0x3FFC];
	_ =	sdelay $0x3  }
0x12: {  	_ =	strace s3  }
0x13: {  	s3 =	sld [smem:$0x3FFD];
	_ =	sdelay $0x3  }
0x14: {  	_ =	strace s3  }
0x15: {  	_ =	strace $0x8FFFFFFF  }
0x16: {  	s19 =	sld [smem:$0x3FDB];
	_ =	sdelay $0x1  }
0x17: {  	s20 =	simm.s32 $_scs_section_size  }
0x18: {  	s5 =	simm.s32 $_size__tile_overlayer_lowered;
	s6 =	simm.s32 $_tile_overlayer_lowered  }
0x19: {  	s23 =	simm.s32 $0x1BFF;
	s22 =	sshll.u32 s6, $0x1;
	s3 =	sadd.s32 s20, s19  }
0x1a: {  	s7 =	simm.s32 $0x0;
	s21 =	sshll.u32 s5, $0x1;
	s5 =	sadd.s32 s22, s3  }
0x1b: {  	[timem:s7], [sflag:s23] =	dma.local [hbm:s5], s21  }
0x1c: {  	_ =	swait.ge [sflag:s23], s21  }
0x1d: {  	s4 =	ssub.s32 $0x0, s21;
	[sflag:s23] =	ssyncset.done $0x0  }
0x1e: {  	[sflag:s23] =	ssyncadd.s32 s4;
	_ =	sdelay $0x1  }
0x1f: {  	s24 =	simm.s32 $0x1B8B  }
0x20: {  	_ =	swait.ge [sflag:s24], $0x1  }
0x21: {  	[sflag:s24] =	ssyncset.done $0x0  }
0x22: {  	s26 =	simm.s32 $0x1B8E;
	s25 =	sld [smem:$0x3FFE];
	[sflag:s24] =	ssyncadd.s32 $0xFFFFFFFF  }
0x23: {  	s27 =	simm.s32 $execute0_lowered;
	[smem:$0x3FD2] =	sst s26  }
0x24: {  	s5 =	sshll.u32 s27, $0x1;
	_ =	strace $0x80000046;
	[dreg:$0x1] =	wrdreg $0xFFFFFFFF  }
0x25: {  	s28 =	simm.s32 $_size_execute0_lowered;
	s3 =	sadd.s32 s3, s5;
	[dreg:$0x0] =	wrdreg $0x0  }
0x26: {  	s5 =	sshll.u32 s28, $0x1;
	[dreg:$0x2] =	wrdreg s3  }
0x27: {  	[dreg:$0x3] =	wrdreg s5  }
0x28: {  	[dreg:$0x4] =	wrdreg $0xC0  }
0x29: {  	_ =	task [dreg:s7], $0x5FFFF  }
0x2a: {  	[dreg:$0x1] =	wrdreg $0xFFFFFFFF  }
0x2b: {  	[dreg:$0x0] =	wrdreg $0x60  }
0x2c: {  	[dreg:$0x2] =	wrdreg s25  }
0x2d: {  	[dreg:$0x3] =	wrdreg s17  }
0x2e: {  	[dreg:$0x4] =	wrdreg $0xA  }
0x2f: {  	_ =	task.clear_ibuf [dreg:s7], $0x5FFFF;
	_ =	strace $0x90000046  }
0x30: {  	s29 =	simm.s32 $0xA;
	_ =	strace $0x80000048  }
0x31: {  	_ =	swait.ge [sflag:s29], $0x1  }
0x32: {  	[sflag:s29] =	ssyncadd.s32 $0xFFFFFFFF  }
0x33: {  	_ =	strace $0x90000048  }
0x34: {  	_ =	sfence  }
0x35: {  	s30 =	sld [smem:$0x0];
	_ =	sdelay $0x2  }
0x36: {  	s31 =	sshll.u32 s1, $0xD;
	s1 =	sshrl.u32 s1, $0x2  }
0x37: {  	s3 =	sand.u32 $0x4000, s31;
	s1 =	sadd.s32 s1, s30  }
0x38: {  	s0 =	sor.u32 s3, s0;
	s1 =	sshll.u32 s1, $0x11  }
0x39: {  	s0 =	sor.u32 s1, s0  }
0x3a: {  	s0 =	sadd.s32 $0x8F2B, s0  }
0x3b: {  	[sflag:s0] =	ssyncadd.remote.s32 $0x1  }
0x3c: {  	_ =	sfence.sel $0xFFFF  }
0x3d: {  	[dreg:$0x0] =	wrdreg $0xFFFFFFFF;
	(pc) =	sbr.abs _section_cstart, $3  }
0x3e: {  	[dreg:$0x1] =	wrdreg $0xFFFFFFFF  }
0x3f: {  	_ =	task.clear_ibuf [dreg:s7], $0x2FFFF;
	_ =	strace $0x9FFFFFFF  }
0x40: {  	(tm) =	ssettm $0x7FFFFFFF  }
0x41: {  	_ =	shalt  }
tec
execute0_lowered:
.L_overlay_start_1:
0x0: {  	(tag) =	ssettag $0x1  }
0x1: {  	s1 =	rddreg [dreg:$0x0]  }
0x2: {  	s2 =	rddreg [dreg:$0x1]  }
0x3: {  	s0 =	rddreg [dreg:$0x2];
	_ =	strace $0x80000047;
	s4 =	srdreg.scid  }
0x4: {  	s6 =	simm.s32 $0x2;
	s12 =	simm.s32 $0x0;
	p0 =	por $0x0, $0x0  }
0x5: {  	s13 =	simm.s32 $0x0;
	s15 =	simm.s32 $0x0;
	s14 =	simm.s32 $0x0  }
.Ltmp0:
0x6: {  	s8 =	simm.s32 $0x0;
	s9 =	simm.s32 $0x0;
	(pc) =	sbr.rel .LBB1_1-.Ltmp0, $4  }
0x7: {  	s10 =	simm.s32 $0x0;
	s3 =	sadd.s32 $0x1000, s1;
	s5 =	sshll.u32 s4, $0x4  }
0x8: {  	s1 =	stileid.u32;
	s4 =	simm.s32 $0x1;
	s5 =	sand.u32 $0x10, s5  }
0x9: {  	s7 =	simm.s32 $0x0;
	[sflag:s4] =	ssyncpa.u1 $0x0;
	s5 =	sor.u32 s1, s5  }
0xa: {  	[sflag:s6] =	ssyncpa.u1 $0x0;
	s6 =	simm.s32 $0x1000;
	s11 =	smov.u32 s5  }
.LBB1_7:
0xb: {  	s16 =	sadd.s32 $0x100, s8  }
0xc: {  	s12 =	sadd.s32 $0x8, s9;
	s17 =	smov.u32 s9;
	p2 =	sgt.s32 s16, $0x1FF  }
0xd: {  	s17 =	smov.u32 @p2 s12  }
0xe: {  	s18 =	smov.u32 s10;
	s12 =	sadd.s32 $0x8, s10;
	p3 =	sgt.s32 s17, $0x7  }
0xf: {  	s18 =	smov.u32 @p3 s12  }
0x10: {  	s19 =	smov.u32 s11;
	s12 =	sadd.s32 $0x20, s11;
	p4 =	sgt.s32 s18, $0x7  }
0x11: {  	p1 =	slt.u32 s7, $0x2;
	s19 =	smov.u32 @p4 s12  }
0x12: {  	s7 =	sadd.s32 $0x1, s7;
	s16 =	simm.s32 @p2 $0x0;
	p2 =	sgt.s32 s19, $0x1FF  }
0x13: {  	s20 =	simm.s32 @!p1 $0x2;
	s19 =	smov.u32 @p2 s5;
	p2 =	sne.s32 s7, $0x22  }
.Ltmp1:
0x14: {  	s13 =	smov.u32 s9;
	_ =	swait.ge @!p1 [sflag:s20], $0x4000;
	(pc) =	sbr.rel @!p2 .LBB1_8-.Ltmp1, $4  }
0x15: {  	s15 =	smov.u32 s10;
	s14 =	smov.u32 s11;
	[sflag:s20] =	ssyncset.done @!p1 $0x0  }
0x16: {  	p0 =	por !p0, !p0;
	s17 =	simm.s32 @p3 $0x0;
	[sflag:s20] =	ssyncadd.s32 @!p1 $0xFFFFC000  }
0x17: {  	s9 =	smov.u32 s17;
	s18 =	simm.s32 @p4 $0x0;
	s12 =	smov.u32 s8  }
0x18: {  	s8 =	smov.u32 s16;
	s10 =	smov.u32 s18;
	s11 =	smov.u32 s19  }
.LBB1_1:
0x19: {  	p1 =	sgt.u32 s7, $0x1F  }
0x1a: {  	s16 =	sxor.u32 @!p1 $0xFFFFFFFF, s7;
	s17 =	sshll.u32 @!p1 s8, $0x3  }
0x1b: {  	s18 =	sshll.u32 @!p1 s9, $0x7;
	s19 =	sand.u32 @!p1 $0x78, s8;
	s20 =	sshll.u32 @!p1 s11, $0xC  }
0x1c: {  	s21 =	sshll.u32 @!p1 s10, $0x9;
	s16 =	sshll.u32 @!p1 s16, $0xE;
	s18 =	sand.u32 @!p1 $0x380, s18  }
0x1d: {  	s17 =	sand.u32 @!p1 $0xC00, s17;
	s16 =	sand.u32 @!p1 $0x4000, s16;
	s18 =	sor.u32 @!p1 s19, s18  }
0x1e: {  	s19 =	sand.u32 @!p1 $0x7, s8;
	s17 =	sor.u32 @!p1 s17, s18;
	s18 =	sadd.s32 @!p1 s3, s20  }
0x1f: {  	s19 =	sshll.u32 @!p1 s19, $0x12;
	s17 =	sshrl.u32 @!p1 s17, $0x3;
	s18 =	sadd.s32 @!p1 s21, s18  }
0x20: {  	s17 =	sadd.s32 @!p1 s17, s18;
	s18 =	sor.u32 @!p1 $0x800, s19;
	s19 =	simm.s32 @!p1 $0x1000  }
0x21: {  	[tilespmem:s16], [sflag:$0x1] =	stream.strided.gather @!p1 [hbm4b:s17+s18], $0x4000, s19, s18, $0x38;
	[tilespmem:$0x10000] =	vst v63  }
0x22: {  	p1 =	seq.s32 s7, $0x0  }
0x23: {  	p2 =	seq.s32 @!p1 s7, $0x21  }
0x24: {  	p1 =	por p1, p2  }
.Ltmp2:
0x25: {  	_ = 	snop;
	(pc) =	sbr.rel @p1 .LBB1_7-.Ltmp2, $1  }
0x26: {  	_ =	sdelay $0x3  }
0x27: {  	s16 =	simm.s32 $0x1;
	_ =	swait.ge [sflag:s4], $0x4000  }
0x28: {  	s31 =	sshll.u32 s7, $0xE;
	s21 =	simm.s32 $0x0;
	p1 =	por $0x0, $0x0  }
0x29: {  	s22 =	simm.s32 $0x0;
	s23 =	simm.s32 $0x0;
	s16 =	simm.s32 @!p0 $0x0  }
0x2a: {  	[sflag:s4] =	ssyncset.done $0x0;
	s19 =	sand.u32 $0x4000, s31;
	s16 =	sshll.u32 s16, $0x10  }
0x2b: {  	[sflag:s4] =	ssyncadd.s32 $0xFFFFC000;
	s20 =	sshrl.u32 s16, $0x2;
	s16 =	sor.u32 $0x8000, s19  }
0x2c: {  	s17 =	sor.u32 $0x40, s20;
	s18 =	sor.u32 $0x8410, s20;
	s20 =	sadd.s32 $0x8400, s20  }
.LBB1_3:
0x2d: {  	v1 =	vld [tilespmem:s17+$0xFFFFFFD0]  }
0x2e: {  	v2 =	vld [tilespmem:s17+$0x430]  }
0x2f: {  	s24 =	sshll.u32 s23, $0xB;
	v4 =	vld [tilespmem:s17+$0xFFFFFFE0]  }
0x30: {  	v7 =	vld [tilespmem:s17+$0xFFFFFFF0];
	v0 =	vmov s24  }
0x31: {  	v8 =	vld [tilespmem:s17+$0x0]  }
0x32: {  	s30 =	sand.u32 $0x300, s21;
	v9 =	vld [tilespmem:s17+$0x10]  }
0x33: {  	s25 =	sand.u32 $0x80, s21;
	v10 =	vld [tilespmem:s17+$0x20];
	s24 =	sadd.s32 s30, s19  }
0x34: {  	v11 =	vld [tilespmem:s17+$0x30];
	s24 =	sadd.s32 s25, s24;
	s25 =	simm.s32 $0x1;
	[tilespmem:s18+$0x60] =	vst v2  }
0x35: {  	s31 =	sshll.u32 s22, $0x2;
	s25 =	simm.s32 @!p1 $0x0;
	[tilespmem:s18+$0xFFFFFC00] =	vst v1;
	v3 =	vld.idx.msk [tilespmem:v0+s24+$0x400 ss:$0x1], $0xffff  }
0x36: {  	v6 =	vld [tilespmem:s17+$0x3D0];
	s25 =	sshll.u32 s25, $0x9;
	[tilespmem:s18+$0xFFFFFC10] =	vst v4;
	s24 =	sand.u32 $0xFFFFFC00, s31  }
0x37: {  	v5 =	vld [tilespmem:s17+$0x3E0];
	[tilespmem:s18+$0xFFFFFC20] =	vst v7;
	s24 =	sor.u32 s25, s24  }
0x38: {  	[tilespmem:s18+$0xFFFFFC30] =	vst v8;
	v4 =	vld [tilespmem:s17+$0x400];
	s24 =	sshrl.u32 s24, $0x2  }
0x39: {  	[tilespmem:s18+$0xFFFFFC40] =	vst v9;
	v1 =	vld [tilespmem:s17+$0x410];
	s24 =	sadd.s32 s24, s20  }
0x3a: {  	[tilespmem:s24+$0x0] =	vst v3;
	v3 =	vld [tilespmem:s17+$0x3F0]  }
0x3b: {  	s28 =	simm.s32 $0x80;
	s27 =	simm.s32 $0x100;
	[tilespmem:s18+$0xFFFFFC50] =	vst v10;
	v2 =	vld [tilespmem:s17+$0x420]  }
0x3c: {  	s26 =	smov.u32 s18;
	s29 =	sand.u32 $0x300, s28;
	v7 =	vld [tilespmem:s17+$0xFFFFFFC0];
	[tilespmem:s18+$0xFFFFFC60] =	vst v11;
	s25 =	sadd.s32 $0x80, s17  }
.LBB1_4:
0x3d: {  	p2 =	sne.s32 s27, $0x380;
	v8 =	vld [tilespmem:s25+$0xFFFFFFD0];
	s28 =	sand.u32 $0x80, s28;
	s29 =	sadd.s32 s29, s19;
	[tilespmem:s26+$0x0] =	vst v6  }
0x3e: {  	s29 =	sadd.s32 s28, s29;
	v6 =	vld [tilespmem:s25+$0x430];
	[tilespmem:s26+$0x10] =	vst v5;
	s28 =	smov.u32 s27  }
0x3f: {  	v5 =	vld.idx.msk [tilespmem:v0+s29+$0x400 ss:$0x1], $0xffff;
	[tilespmem:s26+$0x20] =	vst v3  }
0x40: {  	v3 =	vld [tilespmem:s25+$0xFFFFFFE0];
	[tilespmem:s26+$0x30] =	vst v4  }
0x41: {  	v4 =	vld [tilespmem:s25+$0xFFFFFFF0];
	[tilespmem:s26+$0xFFFFFBF0] =	vst v7  }
0x42: {  	v7 =	vld [tilespmem:s25+$0x0];
	[tilespmem:s26+$0x40] =	vst v1  }
0x43: {  	v1 =	vld [tilespmem:s25+$0x10];
	[tilespmem:s26+$0x50] =	vst v2;
	s26 =	sadd.s32 $0x800, s26  }
0x44: {  	s24 =	sadd.s32 $0x800, s24;
	v2 =	vld [tilespmem:s25+$0x20];
	[tilespmem:s26+$0x60] =	vst v6  }
0x45: {  	v9 =	vld [tilespmem:s25+$0x30];
	[tilespmem:s24+$0x0] =	vst v5  }
0x46: {  	[tilespmem:s26+$0xFFFFFC00] =	vst v8;
	v6 =	vld [tilespmem:s25+$0x3D0]  }
0x47: {  	[tilespmem:s26+$0xFFFFFC10] =	vst v3;
	v5 =	vld [tilespmem:s25+$0x3E0]  }
.Ltmp3:
0x48: {  	[tilespmem:s26+$0xFFFFFC20] =	vst v4;
	v3 =	vld [tilespmem:s25+$0x3F0];
	(pc) =	sbr.rel @p2 .LBB1_4-.Ltmp3, $4  }
0x49: {  	[tilespmem:s26+$0xFFFFFC30] =	vst v7;
	v4 =	vld [tilespmem:s25+$0x400]  }
0x4a: {  	[tilespmem:s26+$0xFFFFFC40] =	vst v1;
	v1 =	vld [tilespmem:s25+$0x410]  }
0x4b: {  	[tilespmem:s26+$0xFFFFFC50] =	vst v2;
	v2 =	vld [tilespmem:s25+$0x420]  }
0x4c: {  	s27 =	sadd.s32 $0x80, s27;
	s29 =	sand.u32 $0x300, s28;
	v7 =	vld [tilespmem:s25+$0xFFFFFFC0];
	[tilespmem:s26+$0xFFFFFC60] =	vst v9;
	s25 =	sadd.s32 $0x80, s25  }
0x4d: {  	[tilespmem:s26+$0x0] =	vst v6  }
0x4e: {  	[tilespmem:s26+$0x10] =	vst v5  }
0x4f: {  	v49 =	vld [tilespmem:s25+$0x430];
	[tilespmem:s26+$0x20] =	vst v3  }
0x50: {  	v50 =	vld [tilespmem:s25+$0xFFFFFFD0];
	[tilespmem:s26+$0x30] =	vst v4  }
0x51: {  	v51 =	vld [tilespmem:s25+$0xFFFFFFE0];
	[tilespmem:s26+$0x40] =	vst v1  }
0x52: {  	v52 =	vld [tilespmem:s25+$0xFFFFFFF0];
	[tilespmem:s26+$0x50] =	vst v2  }
0x53: {  	s31 =	sadd.s32 $0x800, s26;
	v53 =	vld [tilespmem:s25+$0x0];
	[tilespmem:s26+$0xFFFFFBF0] =	vst v7  }
0x54: {  	v54 =	vld [tilespmem:s25+$0x10];
	[tilespmem:s31+$0x60] =	vst v49  }
0x55: {  	v55 =	vld [tilespmem:s25+$0x20];
	[tilespmem:s31+$0xFFFFFC00] =	vst v50  }
0x56: {  	v56 =	vld [tilespmem:s25+$0x30];
	[tilespmem:s31+$0xFFFFFC10] =	vst v51  }
0x57: {  	v57 =	vld [tilespmem:s25+$0x3D0];
	[tilespmem:s31+$0xFFFFFC20] =	vst v52  }
0x58: {  	v58 =	vld [tilespmem:s25+$0x3E0];
	[tilespmem:s31+$0xFFFFFC30] =	vst v53  }
0x59: {  	v59 =	vld [tilespmem:s25+$0x3F0];
	[tilespmem:s31+$0xFFFFFC40] =	vst v54  }
0x5a: {  	v60 =	vld [tilespmem:s25+$0x400];
	[tilespmem:s31+$0xFFFFFC50] =	vst v55  }
0x5b: {  	v61 =	vld [tilespmem:s25+$0xFFFFFFC0];
	[tilespmem:s31+$0xFFFFFC60] =	vst v56  }
0x5c: {  	s27 =	sand.u32 $0x80, s28;
	s30 =	sadd.s32 s29, s19;
	v62 =	vld [tilespmem:s25+$0x410];
	[tilespmem:s31+$0x0] =	vst v57  }
0x5d: {  	v63 =	vld [tilespmem:s25+$0x420];
	s23 =	sadd.s32 $0x1, s23;
	s27 =	sadd.s32 s27, s30;
	[tilespmem:s31+$0x10] =	vst v58  }
0x5e: {  	p2 =	sne.s32 s23, $0x8;
	v0 =	vld.idx.msk [tilespmem:v0+s27+$0x400 ss:$0x1], $0xffff;
	[tilespmem:s31+$0x20] =	vst v59  }
.Ltmp4:
0x5f: {  	[tilespmem:s31+$0x30] =	vst v60;
	(pc) =	sbr.rel @p2 .LBB1_3-.Ltmp4, $4  }
0x60: {  	[tilespmem:s31+$0xFFFFFBF0] =	vst v61  }
0x61: {  	[tilespmem:s31+$0x40] =	vst v62  }
0x62: {  	s24 =	sadd.s32 $0x800, s24;
	s17 =	sadd.s32 $0x800, s17;
	[tilespmem:s31+$0x50] =	vst v63  }
0x63: {  	s22 =	sadd.s32 $0x80, s22;
	p1 =	por !p1, !p1;
	s18 =	sadd.s32 $0x80, s18;
	[tilespmem:s24+$0x0] =	vst v0  }
0x64: {  	s17 =	sshll.u32 s12, $0x3;
	s15 =	sshll.u32 s15, $0x7;
	s18 =	sand.u32 $0x78, s12  }
0x65: {  	s14 =	sshll.u32 s14, $0xC;
	s13 =	sshll.u32 s13, $0x9;
	s15 =	sand.u32 $0x380, s15  }
.Ltmp5:
0x66: {  	s17 =	sand.u32 $0xC00, s17;
	s15 =	sor.u32 s18, s15;
	(pc) =	sbr.rel .LBB1_7-.Ltmp5, $4  }
0x67: {  	s31 =	sand.u32 $0x7, s12;
	s14 =	sadd.s32 s2, s14;
	s15 =	sor.u32 s17, s15  }
0x68: {  	s12 =	sshll.u32 s31, $0x12;
	s13 =	sadd.s32 s13, s14;
	s15 =	sshrl.u32 s15, $0x3  }
0x69: {  	s12 =	sor.u32 $0x800, s12;
	s13 =	sadd.s32 s15, s13  }
0x6a: {  	[hbm4b:s13+s12] =	stream.strided.scatter [tilespmem:s16], [sflag:$0x2], $0x4000, s6, s12, $0x38;
	[tilespmem:$0x10000] =	vst v63  }
.LBB1_8:
0x6b: {  	_ =	sfence.sel $0x180000  }
0x6c: {  	s2 =	simm.s32 $0x1;
	[bflag:$0x0] =	sbarrier.arrive $0xFFFF  }
0x6d: {  	s31 =	simm.s32 $0x2;
	[sflag:s2] =	ssyncpa.u1 $0x1  }
0x6e: {  	[sflag:s31] =	ssyncpa.u1 $0x1  }
0x6f: {  	p0 =	sne.s32 s1, $0x0;
	_ =	strace $0x90000047  }
0x70: {  	s0 =	sadd.s32 @!p0 $0x100000, s0;
	[bflag:$0x2] =	sbarrier.arrive $0xFFFF  }
0x71: {  	[sflag:s0] =	ssyncadd.tile.s32 @!p0 $0x1;
	_ =	shalt  }
.Lfunc_end1:
_tile_overlayer_lowered:
.L_overlay_start_2:
0x72: {  	(tag) =	ssettag $0x2  }
0x73: {  	s0 =	rddreg [dreg:$0x0];
	s2 =	stileid.u32  }
0x74: {  	s1 =	rddreg [dreg:$0x1];
	p0 =	sne.s32 s2, $0x0  }
0x75: {  	s3 =	rddreg [dreg:$0x2];
	[bflag:$0x3] =	sbarrier.arrive $0xFFFF;
	s2 =	simm.s32 @!p0 $0x1C01  }
0x76: {  	[timem:s3], [sflag:s2] =	dma.local @!p0 [hbm:s0], s1  }
0x77: {  	s0 =	simm.s32 @!p0 $0x1  }
0x78: {  	_ =	swait.ge @!p0 [sflag:s0], s1  }
0x79: {  	s1 =	ssub.s32 @!p0 $0x0, s1;
	[sflag:s0] =	ssyncset.done @!p0 $0x0  }
0x7a: {  	[sflag:s0] =	ssyncadd.s32 @!p0 s1  }
0x7b: {  	[bflag:$0x3] =	sbarrier.arrive $0xFFFF  }
0x7c: {  	_ =	shalt  }

// kernel: sparse-core-data-format-call.cloned.1.call-start
scs
called_computation_lowered:
.L_overlay_start_0:
0x0: {  	s2 =	sld [smem:$0x3FD9]  }
0x1: {  	s3 =	sld [smem:$0x3FFE];
	_ =	sdelay $0x1  }
0x2: {  	s1 =	srdreg.scid  }
0x3: {  	s0 =	sand.u32 $0x1, s1  }
0x4: {  	s16 =	sshll.u32 s0, $0xA;
	s2 =	sadd.s32 s3, s2  }
0x5: {  	s2 =	sadd.s32 s2, s16  }
0x6: {  	[smem:$0x3FC5] =	sst s2  }
0x7: {  	_ = 	snop  }
0x8: {  	s2 =	sld [smem:$0x3FD0];
	_ =	sdelay $0x2  }
0x9: {  	s17 =	simm.s32 $0xB;
	s4 =	simm.s32 $0x10  }
0xa: {  	[smem:s4], [sflag:s17] =	dma.local [hbm:s2], $0x1  }
0xb: {  	_ =	swait.eq [sflag:s17], $0x1  }
0xc: {  	[sflag:s17] =	ssyncset.done $0x0  }
0xd: {  	[sflag:s17] =	ssyncadd.s32 $0xFFFFFFFF  }
0xe: {  	s18 =	sld [smem:$0x11];
	(tm) =	ssettm $0x1  }
0xf: {  	s19 =	sld [smem:$0x3FFB];
	_ =	sdelay $0x3  }
0x10: {  	_ =	strace s19  }
0x11: {  	s2 =	sld [smem:$0x3FFC];
	_ =	sdelay $0x3  }
0x12: {  	_ =	strace s2  }
0x13: {  	s2 =	sld [smem:$0x3FFD];
	_ =	sdelay $0x3  }
0x14: {  	_ =	strace s2  }
0x15: {  	_ =	strace $0x8FFFFFFF  }
0x16: {  	s20 =	sld [smem:$0x3FDB];
	_ =	sdelay $0x1  }
0x17: {  	s21 =	simm.s32 $_scs_section_size  }
0x18: {  	s5 =	simm.s32 $_size__tile_overlayer_lowered;
	s6 =	simm.s32 $_tile_overlayer_lowered  }
0x19: {  	s7 =	simm.s32 $0x1BFF;
	s22 =	sshll.u32 s6, $0x1;
	s4 =	sadd.s32 s21, s20  }
0x1a: {  	s23 =	simm.s32 $0x0;
	s5 =	sshll.u32 s5, $0x1;
	s6 =	sadd.s32 s22, s4  }
0x1b: {  	[timem:s23], [sflag:s7] =	dma.local [hbm:s6], s5  }
0x1c: {  	_ =	swait.ge [sflag:s7], s5  }
0x1d: {  	s5 =	ssub.s32 $0x0, s5;
	[sflag:s7] =	ssyncset.done $0x0  }
0x1e: {  	[sflag:s7] =	ssyncadd.s32 s5;
	_ =	sdelay $0x1  }
0x1f: {  	s24 =	simm.s32 $0x1B8B  }
0x20: {  	_ =	swait.ge [sflag:s24], $0x1  }
0x21: {  	[sflag:s24] =	ssyncset.done $0x0  }
0x22: {  	[sflag:s24] =	ssyncadd.s32 $0xFFFFFFFF  }
0x23: {  	s5 =	sld [smem:$0x0]  }
0x24: {  	s6 =	sand.u32 $0xFFFFFFFE, s1  }
0x25: {  	p0 =	sne.s32 s1, s6  }
0x26: {  	s6 =	sshll.u32 @p0 s6, $0xE  }
0x27: {  	s6 =	sadd.s32 @p0 $0x11B8D, s6;
	s7 =	sshll.u32 @p0 s5, $0x11  }
0x28: {  	s6 =	sor.u32 @p0 s7, s6  }
0x29: {  	[sflag:s6] =	ssyncadd.remote.s32 @p0 $0x1;
	_ =	sdelay $0x1  }
0x2a: {  	s6 =	simm.s32 @p0 $0x1B8D  }
0x2b: {  	_ =	swait.eq @p0 [sflag:s6], $0x1  }
0x2c: {  	[sflag:s6] =	ssyncadd.s32 @p0 $0xFFFFFFFF  }
0x2d: {  	s7 =	sshll.u32 @!p0 s1, $0xE  }
0x2e: {  	s7 =	sor.u32 @!p0 $0x4000, s7;
	s6 =	simm.s32 @!p0 $0x1B8D  }
0x2f: {  	s5 =	sshll.u32 @!p0 s5, $0x11;
	s7 =	sadd.s32 @!p0 $0x11B8D, s7;
	_ =	swait.eq @!p0 [sflag:s6], $0x1  }
0x30: {  	s5 =	sor.u32 @!p0 s5, s7;
	[sflag:s6] =	ssyncadd.s32 @!p0 $0xFFFFFFFF  }
0x31: {  	s26 =	simm.s32 $0x1B8E;
	s25 =	sld [smem:$0x3FFE];
	[sflag:s5] =	ssyncadd.remote.s32 @!p0 $0x1  }
0x32: {  	s27 =	simm.s32 $execute0_lowered;
	[smem:$0x3FD2] =	sst s26  }
0x33: {  	s6 =	sshll.u32 s27, $0x1;
	_ =	strace $0x80000049;
	[dreg:$0x1] =	wrdreg $0xFFFFFFFF  }
0x34: {  	s28 =	simm.s32 $_size_execute0_lowered;
	s4 =	sadd.s32 s4, s6;
	[dreg:$0x0] =	wrdreg $0x0  }
0x35: {  	s6 =	sshll.u32 s28, $0x1;
	[dreg:$0x2] =	wrdreg s4  }
0x36: {  	[dreg:$0x3] =	wrdreg s6  }
0x37: {  	[dreg:$0x4] =	wrdreg $0xC0  }
0x38: {  	_ =	task [dreg:s23], $0x5FFFF  }
0x39: {  	[dreg:$0x1] =	wrdreg $0xFFFFFFFF  }
0x3a: {  	[dreg:$0x0] =	wrdreg $0x60  }
0x3b: {  	[dreg:$0x2] =	wrdreg s25  }
0x3c: {  	[dreg:$0x3] =	wrdreg s18  }
0x3d: {  	[dreg:$0x4] =	wrdreg $0x9  }
0x3e: {  	_ =	task.clear_ibuf [dreg:s23], $0x5FFFF;
	_ =	strace $0x90000049  }
0x3f: {  	s29 =	simm.s32 $0x9;
	_ =	strace $0x8000004B  }
0x40: {  	_ =	swait.ge [sflag:s29], $0x1  }
0x41: {  	[sflag:s29] =	ssyncadd.s32 $0xFFFFFFFF  }
0x42: {  	_ =	strace $0x9000004B  }
0x43: {  	_ =	sfence  }
0x44: {  	s30 =	sld [smem:$0x0];
	_ =	sdelay $0x2  }
0x45: {  	s31 =	sshll.u32 s1, $0xD;
	s1 =	sshrl.u32 s1, $0x2  }
0x46: {  	s4 =	sand.u32 $0x4000, s31;
	s1 =	sadd.s32 s1, s30  }
0x47: {  	s0 =	sor.u32 s4, s0;
	s1 =	sshll.u32 s1, $0x11  }
0x48: {  	s0 =	sor.u32 s1, s0  }
0x49: {  	s0 =	sadd.s32 $0x8F2B, s0  }
0x4a: {  	[sflag:s0] =	ssyncadd.remote.s32 $0x1  }
0x4b: {  	_ =	sfence.sel $0xFFFF  }
0x4c: {  	[dreg:$0x0] =	wrdreg $0xFFFFFFFF;
	(pc) =	sbr.abs _section_cstart, $3  }
0x4d: {  	[dreg:$0x1] =	wrdreg $0xFFFFFFFF  }
0x4e: {  	_ =	task.clear_ibuf [dreg:s23], $0x2FFFF;
	_ =	strace $0x9FFFFFFF  }
0x4f: {  	(tm) =	ssettm $0x7FFFFFFF  }
tec
execute0_lowered:
.L_overlay_start_1:
0x0: {  	(tag) =	ssettag $0x1  }
0x1: {  	s1 =	rddreg [dreg:$0x0]  }
0x2: {  	s2 =	rddreg [dreg:$0x1]  }
0x3: {  	s0 =	rddreg [dreg:$0x2];
	_ =	strace $0x8000004A;
	s4 =	srdreg.scid  }
0x4: {  	s6 =	simm.s32 $0x2;
	s12 =	simm.s32 $0x0;
	p0 =	por $0x0, $0x0  }
0x5: {  	s13 =	simm.s32 $0x0;
	s15 =	simm.s32 $0x0;
	s14 =	simm.s32 $0x0  }
.Ltmp0:
0x6: {  	s8 =	simm.s32 $0x0;
	s9 =	simm.s32 $0x0;
	(pc) =	sbr.rel .LBB1_1-.Ltmp0, $4  }
0x7: {  	s10 =	simm.s32 $0x0;
	s3 =	sadd.s32 $0x201000, s1;
	s5 =	sshll.u32 s4, $0x4  }
0x8: {  	s1 =	stileid.u32;
	s4 =	simm.s32 $0x1;
	s5 =	sand.u32 $0x10, s5  }
0x9: {  	s7 =	simm.s32 $0x0;
	[sflag:s4] =	ssyncpa.u1 $0x0;
	s5 =	sor.u32 s1, s5  }
0xa: {  	[sflag:s6] =	ssyncpa.u1 $0x0;
	s6 =	simm.s32 $0x1000;
	s11 =	smov.u32 s5  }
.LBB1_7:
0xb: {  	s16 =	sadd.s32 $0x100, s8  }
0xc: {  	s12 =	sadd.s32 $0x8, s9;
	s17 =	smov.u32 s9;
	p2 =	sgt.s32 s16, $0x1FF  }
0xd: {  	s17 =	smov.u32 @p2 s12  }
0xe: {  	s18 =	smov.u32 s10;
	s12 =	sadd.s32 $0x8, s10;
	p3 =	sgt.s32 s17, $0x7  }
0xf: {  	s18 =	smov.u32 @p3 s12  }
0x10: {  	s19 =	smov.u32 s11;
	s12 =	sadd.s32 $0x20, s11;
	p4 =	sgt.s32 s18, $0x7  }
0x11: {  	p1 =	slt.u32 s7, $0x2;
	s19 =	smov.u32 @p4 s12  }
0x12: {  	s7 =	sadd.s32 $0x1, s7;
	s16 =	simm.s32 @p2 $0x0;
	p2 =	sgt.s32 s19, $0x1FF  }
0x13: {  	s20 =	simm.s32 @!p1 $0x2;
	s19 =	smov.u32 @p2 s5;
	p2 =	sne.s32 s7, $0x22  }
.Ltmp1:
0x14: {  	s13 =	smov.u32 s9;
	_ =	swait.ge @!p1 [sflag:s20], $0x4000;
	(pc) =	sbr.rel @!p2 .LBB1_8-.Ltmp1, $4  }
0x15: {  	s15 =	smov.u32 s10;
	s14 =	smov.u32 s11;
	[sflag:s20] =	ssyncset.done @!p1 $0x0  }
0x16: {  	p0 =	por !p0, !p0;
	s17 =	simm.s32 @p3 $0x0;
	[sflag:s20] =	ssyncadd.s32 @!p1 $0xFFFFC000  }
0x17: {  	s9 =	smov.u32 s17;
	s18 =	simm.s32 @p4 $0x0;
	s12 =	smov.u32 s8  }
0x18: {  	s8 =	smov.u32 s16;
	s10 =	smov.u32 s18;
	s11 =	smov.u32 s19  }
.LBB1_1:
0x19: {  	p1 =	sgt.u32 s7, $0x1F  }
0x1a: {  	s16 =	sxor.u32 @!p1 $0xFFFFFFFF, s7;
	s17 =	sshll.u32 @!p1 s8, $0x3  }
0x1b: {  	s18 =	sshll.u32 @!p1 s9, $0x7;
	s19 =	sand.u32 @!p1 $0x78, s8;
	s20 =	sshll.u32 @!p1 s11, $0xC  }
0x1c: {  	s21 =	sshll.u32 @!p1 s10, $0x9;
	s16 =	sshll.u32 @!p1 s16, $0xE;
	s18 =	sand.u32 @!p1 $0x380, s18  }
0x1d: {  	s17 =	sand.u32 @!p1 $0xC00, s17;
	s16 =	sand.u32 @!p1 $0x4000, s16;
	s18 =	sor.u32 @!p1 s19, s18  }
0x1e: {  	s19 =	sand.u32 @!p1 $0x7, s8;
	s17 =	sor.u32 @!p1 s17, s18;
	s18 =	sadd.s32 @!p1 s3, s20  }
0x1f: {  	s19 =	sshll.u32 @!p1 s19, $0x12;
	s17 =	sshrl.u32 @!p1 s17, $0x3;
	s18 =	sadd.s32 @!p1 s21, s18  }
0x20: {  	s17 =	sadd.s32 @!p1 s17, s18;
	s18 =	sor.u32 @!p1 $0x800, s19;
	s19 =	simm.s32 @!p1 $0x1000  }
0x21: {  	[tilespmem:s16], [sflag:$0x1] =	stream.strided.gather @!p1 [hbm4b:s17+s18], $0x4000, s19, s18, $0x38;
	[tilespmem:$0x10000] =	vst v63  }
0x22: {  	p1 =	seq.s32 s7, $0x0  }
0x23: {  	p2 =	seq.s32 @!p1 s7, $0x21  }
0x24: {  	p1 =	por p1, p2  }
.Ltmp2:
0x25: {  	_ = 	snop;
	(pc) =	sbr.rel @p1 .LBB1_7-.Ltmp2, $1  }
0x26: {  	_ =	sdelay $0x3  }
0x27: {  	s16 =	simm.s32 $0x1;
	_ =	swait.ge [sflag:s4], $0x4000  }
0x28: {  	s31 =	sshll.u32 s7, $0xE;
	s21 =	simm.s32 $0x0;
	p1 =	por $0x0, $0x0  }
0x29: {  	s22 =	simm.s32 $0x0;
	s23 =	simm.s32 $0x0;
	s16 =	simm.s32 @!p0 $0x0  }
0x2a: {  	[sflag:s4] =	ssyncset.done $0x0;
	s19 =	sand.u32 $0x4000, s31;
	s16 =	sshll.u32 s16, $0x10  }
0x2b: {  	[sflag:s4] =	ssyncadd.s32 $0xFFFFC000;
	s20 =	sshrl.u32 s16, $0x2;
	s16 =	sor.u32 $0x8000, s19  }
0x2c: {  	s17 =	sor.u32 $0x40, s20;
	s18 =	sor.u32 $0x8410, s20;
	s20 =	sadd.s32 $0x8400, s20  }
.LBB1_3:
0x2d: {  	v1 =	vld [tilespmem:s17+$0xFFFFFFD0]  }
0x2e: {  	v2 =	vld [tilespmem:s17+$0x430]  }
0x2f: {  	s24 =	sshll.u32 s23, $0xB;
	v4 =	vld [tilespmem:s17+$0xFFFFFFE0]  }
0x30: {  	v7 =	vld [tilespmem:s17+$0xFFFFFFF0];
	v0 =	vmov s24  }
0x31: {  	v8 =	vld [tilespmem:s17+$0x0]  }
0x32: {  	s30 =	sand.u32 $0x300, s21;
	v9 =	vld [tilespmem:s17+$0x10]  }
0x33: {  	s25 =	sand.u32 $0x80, s21;
	v10 =	vld [tilespmem:s17+$0x20];
	s24 =	sadd.s32 s30, s19  }
0x34: {  	v11 =	vld [tilespmem:s17+$0x30];
	s24 =	sadd.s32 s25, s24;
	s25 =	simm.s32 $0x1;
	[tilespmem:s18+$0x60] =	vst v2  }
0x35: {  	s31 =	sshll.u32 s22, $0x2;
	s25 =	simm.s32 @!p1 $0x0;
	[tilespmem:s18+$0xFFFFFC00] =	vst v1;
	v3 =	vld.idx.msk [tilespmem:v0+s24+$0x400 ss:$0x1], $0xffff  }
0x36: {  	v6 =	vld [tilespmem:s17+$0x3D0];
	s25 =	sshll.u32 s25, $0x9;
	[tilespmem:s18+$0xFFFFFC10] =	vst v4;
	s24 =	sand.u32 $0xFFFFFC00, s31  }
0x37: {  	v5 =	vld [tilespmem:s17+$0x3E0];
	[tilespmem:s18+$0xFFFFFC20] =	vst v7;
	s24 =	sor.u32 s25, s24  }
0x38: {  	[tilespmem:s18+$0xFFFFFC30] =	vst v8;
	v4 =	vld [tilespmem:s17+$0x400];
	s24 =	sshrl.u32 s24, $0x2  }
0x39: {  	[tilespmem:s18+$0xFFFFFC40] =	vst v9;
	v1 =	vld [tilespmem:s17+$0x410];
	s24 =	sadd.s32 s24, s20  }
0x3a: {  	[tilespmem:s24+$0x0] =	vst v3;
	v3 =	vld [tilespmem:s17+$0x3F0]  }
0x3b: {  	s28 =	simm.s32 $0x80;
	s27 =	simm.s32 $0x100;
	[tilespmem:s18+$0xFFFFFC50] =	vst v10;
	v2 =	vld [tilespmem:s17+$0x420]  }
0x3c: {  	s26 =	smov.u32 s18;
	s29 =	sand.u32 $0x300, s28;
	v7 =	vld [tilespmem:s17+$0xFFFFFFC0];
	[tilespmem:s18+$0xFFFFFC60] =	vst v11;
	s25 =	sadd.s32 $0x80, s17  }
.LBB1_4:
0x3d: {  	p2 =	sne.s32 s27, $0x380;
	v8 =	vld [tilespmem:s25+$0xFFFFFFD0];
	s28 =	sand.u32 $0x80, s28;
	s29 =	sadd.s32 s29, s19;
	[tilespmem:s26+$0x0] =	vst v6  }
0x3e: {  	s29 =	sadd.s32 s28, s29;
	v6 =	vld [tilespmem:s25+$0x430];
	[tilespmem:s26+$0x10] =	vst v5;
	s28 =	smov.u32 s27  }
0x3f: {  	v5 =	vld.idx.msk [tilespmem:v0+s29+$0x400 ss:$0x1], $0xffff;
	[tilespmem:s26+$0x20] =	vst v3  }
0x40: {  	v3 =	vld [tilespmem:s25+$0xFFFFFFE0];
	[tilespmem:s26+$0x30] =	vst v4  }
0x41: {  	v4 =	vld [tilespmem:s25+$0xFFFFFFF0];
	[tilespmem:s26+$0xFFFFFBF0] =	vst v7  }
0x42: {  	v7 =	vld [tilespmem:s25+$0x0];
	[tilespmem:s26+$0x40] =	vst v1  }
0x43: {  	v1 =	vld [tilespmem:s25+$0x10];
	[tilespmem:s26+$0x50] =	vst v2;
	s26 =	sadd.s32 $0x800, s26  }
0x44: {  	s24 =	sadd.s32 $0x800, s24;
	v2 =	vld [tilespmem:s25+$0x20];
	[tilespmem:s26+$0x60] =	vst v6  }
0x45: {  	v9 =	vld [tilespmem:s25+$0x30];
	[tilespmem:s24+$0x0] =	vst v5  }
0x46: {  	[tilespmem:s26+$0xFFFFFC00] =	vst v8;
	v6 =	vld [tilespmem:s25+$0x3D0]  }
0x47: {  	[tilespmem:s26+$0xFFFFFC10] =	vst v3;
	v5 =	vld [tilespmem:s25+$0x3E0]  }
.Ltmp3:
0x48: {  	[tilespmem:s26+$0xFFFFFC20] =	vst v4;
	v3 =	vld [tilespmem:s25+$0x3F0];
	(pc) =	sbr.rel @p2 .LBB1_4-.Ltmp3, $4  }
0x49: {  	[tilespmem:s26+$0xFFFFFC30] =	vst v7;
	v4 =	vld [tilespmem:s25+$0x400]  }
0x4a: {  	[tilespmem:s26+$0xFFFFFC40] =	vst v1;
	v1 =	vld [tilespmem:s25+$0x410]  }
0x4b: {  	[tilespmem:s26+$0xFFFFFC50] =	vst v2;
	v2 =	vld [tilespmem:s25+$0x420]  }
0x4c: {  	s27 =	sadd.s32 $0x80, s27;
	s29 =	sand.u32 $0x300, s28;
	v7 =	vld [tilespmem:s25+$0xFFFFFFC0];
	[tilespmem:s26+$0xFFFFFC60] =	vst v9;
	s25 =	sadd.s32 $0x80, s25  }
0x4d: {  	[tilespmem:s26+$0x0] =	vst v6  }
0x4e: {  	[tilespmem:s26+$0x10] =	vst v5  }
0x4f: {  	v49 =	vld [tilespmem:s25+$0x430];
	[tilespmem:s26+$0x20] =	vst v3  }
0x50: {  	v50 =	vld [tilespmem:s25+$0xFFFFFFD0];
	[tilespmem:s26+$0x30] =	vst v4  }
0x51: {  	v51 =	vld [tilespmem:s25+$0xFFFFFFE0];
	[tilespmem:s26+$0x40] =	vst v1  }
0x52: {  	v52 =	vld [tilespmem:s25+$0xFFFFFFF0];
	[tilespmem:s26+$0x50] =	vst v2  }
0x53: {  	s31 =	sadd.s32 $0x800, s26;
	v53 =	vld [tilespmem:s25+$0x0];
	[tilespmem:s26+$0xFFFFFBF0] =	vst v7  }
0x54: {  	v54 =	vld [tilespmem:s25+$0x10];
	[tilespmem:s31+$0x60] =	vst v49  }
0x55: {  	v55 =	vld [tilespmem:s25+$0x20];
	[tilespmem:s31+$0xFFFFFC00] =	vst v50  }
0x56: {  	v56 =	vld [tilespmem:s25+$0x30];
	[tilespmem:s31+$0xFFFFFC10] =	vst v51  }
0x57: {  	v57 =	vld [tilespmem:s25+$0x3D0];
	[tilespmem:s31+$0xFFFFFC20] =	vst v52  }
0x58: {  	v58 =	vld [tilespmem:s25+$0x3E0];
	[tilespmem:s31+$0xFFFFFC30] =	vst v53  }
0x59: {  	v59 =	vld [tilespmem:s25+$0x3F0];
	[tilespmem:s31+$0xFFFFFC40] =	vst v54  }
0x5a: {  	v60 =	vld [tilespmem:s25+$0x400];
	[tilespmem:s31+$0xFFFFFC50] =	vst v55  }
0x5b: {  	v61 =	vld [tilespmem:s25+$0xFFFFFFC0];
	[tilespmem:s31+$0xFFFFFC60] =	vst v56  }
0x5c: {  	s27 =	sand.u32 $0x80, s28;
	s30 =	sadd.s32 s29, s19;
	v62 =	vld [tilespmem:s25+$0x410];
	[tilespmem:s31+$0x0] =	vst v57  }
0x5d: {  	v63 =	vld [tilespmem:s25+$0x420];
	s23 =	sadd.s32 $0x1, s23;
	s27 =	sadd.s32 s27, s30;
	[tilespmem:s31+$0x10] =	vst v58  }
0x5e: {  	p2 =	sne.s32 s23, $0x8;
	v0 =	vld.idx.msk [tilespmem:v0+s27+$0x400 ss:$0x1], $0xffff;
	[tilespmem:s31+$0x20] =	vst v59  }
.Ltmp4:
0x5f: {  	[tilespmem:s31+$0x30] =	vst v60;
	(pc) =	sbr.rel @p2 .LBB1_3-.Ltmp4, $4  }
0x60: {  	[tilespmem:s31+$0xFFFFFBF0] =	vst v61  }
0x61: {  	[tilespmem:s31+$0x40] =	vst v62  }
0x62: {  	s24 =	sadd.s32 $0x800, s24;
	s17 =	sadd.s32 $0x800, s17;
	[tilespmem:s31+$0x50] =	vst v63  }
0x63: {  	s22 =	sadd.s32 $0x80, s22;
	p1 =	por !p1, !p1;
	s18 =	sadd.s32 $0x80, s18;
	[tilespmem:s24+$0x0] =	vst v0  }
0x64: {  	s17 =	sshll.u32 s12, $0x3;
	s15 =	sshll.u32 s15, $0x7;
	s18 =	sand.u32 $0x78, s12  }
0x65: {  	s14 =	sshll.u32 s14, $0xC;
	s13 =	sshll.u32 s13, $0x9;
	s15 =	sand.u32 $0x380, s15  }
.Ltmp5:
0x66: {  	s17 =	sand.u32 $0xC00, s17;
	s15 =	sor.u32 s18, s15;
	(pc) =	sbr.rel .LBB1_7-.Ltmp5, $4  }
0x67: {  	s31 =	sand.u32 $0x7, s12;
	s14 =	sadd.s32 s2, s14;
	s15 =	sor.u32 s17, s15  }
0x68: {  	s12 =	sshll.u32 s31, $0x12;
	s13 =	sadd.s32 s13, s14;
	s15 =	sshrl.u32 s15, $0x3  }
0x69: {  	s12 =	sor.u32 $0x800, s12;
	s13 =	sadd.s32 s15, s13  }
0x6a: {  	[hbm4b:s13+s12] =	stream.strided.scatter [tilespmem:s16], [sflag:$0x2], $0x4000, s6, s12, $0x38;
	[tilespmem:$0x10000] =	vst v63  }
.LBB1_8:
0x6b: {  	_ =	sfence.sel $0x180000  }
0x6c: {  	s2 =	simm.s32 $0x1;
	[bflag:$0x0] =	sbarrier.arrive $0xFFFF  }
0x6d: {  	s31 =	simm.s32 $0x2;
	[sflag:s2] =	ssyncpa.u1 $0x1  }
0x6e: {  	[sflag:s31] =	ssyncpa.u1 $0x1  }
0x6f: {  	p0 =	sne.s32 s1, $0x0;
	_ =	strace $0x9000004A  }
0x70: {  	s0 =	sadd.s32 @!p0 $0x100000, s0;
	[bflag:$0x2] =	sbarrier.arrive $0xFFFF  }
0x71: {  	[sflag:s0] =	ssyncadd.tile.s32 @!p0 $0x1;
	_ =	shalt  }
.Lfunc_end1:
_tile_overlayer_lowered:
.L_overlay_start_2:
0x72: {  	(tag) =	ssettag $0x2  }
0x73: {  	s0 =	rddreg [dreg:$0x0];
	s2 =	stileid.u32  }
0x74: {  	s1 =	rddreg [dreg:$0x1];
	p0 =	sne.s32 s2, $0x0  }
0x75: {  	s3 =	rddreg [dreg:$0x2];
	[bflag:$0x3] =	sbarrier.arrive $0xFFFF;
	s2 =	simm.s32 @!p0 $0x1C01  }
0x76: {  	[timem:s3], [sflag:s2] =	dma.local @!p0 [hbm:s0], s1  }
0x77: {  	s0 =	simm.s32 @!p0 $0x1  }
0x78: {  	_ =	swait.ge @!p0 [sflag:s0], s1  }
0x79: {  	s1 =	ssub.s32 @!p0 $0x0, s1;
	[sflag:s0] =	ssyncset.done @!p0 $0x0  }
0x7a: {  	[sflag:s0] =	ssyncadd.s32 @!p0 s1  }
0x7b: {  	[bflag:$0x3] =	sbarrier.arrive $0xFFFF  }
0x7c: {  	_ =	shalt  }

</sc_bundles>
